<compile_context>
chip_gen: v7x
topology: tpu7x:2x2x1
jax: 0.10.2.dev20260603
libtpu: 0.0.44.dev20260713+nightly
codegen_flags: <defaults>
</compile_context>

<pallas_src>
import functools

import jax
import jax.numpy as jnp
from jax import lax
from jax.experimental import pallas as pl
from jax.experimental.pallas import tpu as pltpu
from jax.experimental.pallas import tpu_sc as plsc

N = 10000
E = 160000
SUB = 16
G = 128
GPW = 79
EPAD = SUB * GPW * G
NPAD = 10112
ZROWS = NPAD // SUB
LAST_ROWS = N - 15 * ZROWS
MB = 1000


def _sc_mesh():
    return plsc.VectorSubcoreMesh(core_axis_name="c", subcore_axis_name="s")


def _zero_slice(sid):
    return pl.ds(pl.multiple_of(sid * ZROWS, 8), ZROWS)


def _flush(acc_s, out_ref, sid):
    @pl.when(sid < SUB - 1)
    def _():
        s = pl.ds(pl.multiple_of(sid * ZROWS, 8), ZROWS)
        pltpu.sync_copy(acc_s.at[s], out_ref.at[s])

    @pl.when(sid == SUB - 1)
    def _():
        s = pl.ds(15 * ZROWS, LAST_ROWS)
        pltpu.sync_copy(acc_s.at[s], out_ref.at[s])


def _degrees(srcd3, dst3, ones_hbm, zeros_hbm):

    @functools.partial(
        pl.kernel,
        out_type=[jax.ShapeDtypeStruct((N, 128), jnp.float32)] * 2,
        mesh=_sc_mesh(),
        scratch_types=[
            pltpu.VMEM((GPW, G), jnp.int32),
            pltpu.VMEM((G, 128), jnp.float32),
            pltpu.VMEM_SHARED((NPAD, 128), jnp.float32),
            pltpu.SemaphoreType.DMA,
        ],
    )
    def deg_k(srcd_hbm, dst_hbm, ones_ref, zeros_ref, dego_hbm, degi_hbm,
              idx_v, ones_v, hist_s, sem):
        ci = lax.axis_index("c")
        sid = lax.axis_index("s")
        pltpu.sync_copy(zeros_ref, hist_s.at[_zero_slice(sid)])
        pltpu.sync_copy(ones_ref, ones_v)
        plsc.subcore_barrier()
        for core, (src_ref, out_ref) in enumerate(
            ((srcd_hbm, dego_hbm), (dst_hbm, degi_hbm))):
            @pl.when(ci == core)
            def _(src_ref=src_ref, out_ref=out_ref):
                pltpu.sync_copy(src_ref.at[sid], idx_v)

                @pl.loop(0, GPW)
                def _(g):
                    pltpu.sync_copy(ones_v, hist_s.at[idx_v.at[g]], add=True)

                plsc.subcore_barrier()
                _flush(hist_s, out_ref, sid)

    return deg_k(srcd3, dst3, ones_hbm, zeros_hbm)


def _aggregate(tables, srcg3, dst3, zeros_hbm, fc, edge_split=False):
    nch = len(tables)
    n_out = 2 if edge_split else nch

    @functools.partial(
        pl.kernel,
        out_type=[jax.ShapeDtypeStruct((N, fc), jnp.float32)] * n_out,
        mesh=_sc_mesh(),
        scratch_types=[
            pltpu.VMEM((GPW, G), jnp.int32),
            pltpu.VMEM((GPW, G), jnp.int32),
            pltpu.VMEM((G, fc), jnp.float32),
            pltpu.VMEM_SHARED((NPAD, fc), jnp.float32),
            pltpu.SemaphoreType.DMA,
        ],
    )
    def agg_k(*refs):
        srcg_hbm, dst_hbm, zeros_ref = refs[:3]
        tbls = refs[3:3 + nch]
        outs = refs[3 + nch:3 + nch + n_out]
        src_v, dst_v, buf_v, acc_s, sem = refs[3 + nch + n_out:]
        ci = lax.axis_index("c")
        sid = lax.axis_index("s")
        pltpu.sync_copy(srcg_hbm.at[sid], src_v)
        pltpu.sync_copy(dst_hbm.at[sid], dst_v)
        for core in range(2):
            if edge_split:
                work = [(tbls[0], outs[core],
                         (GPW // 2) * core, (GPW // 2) * (core + 1) + (GPW % 2) * core)]
            else:
                work = [(tbls[core + 2 * k], outs[core + 2 * k], 0, GPW)
                        for k in range(nch // 2)]

            @pl.when(ci == core)
            def _(work=work):
                for tbl, out, g0, g1 in work:
                    pltpu.sync_copy(zeros_ref, acc_s.at[_zero_slice(sid)])
                    plsc.subcore_barrier()

                    @pl.loop(g0, g1)
                    def _(g):
                        pltpu.async_copy(tbl.at[src_v.at[g]], buf_v, sem).wait()
                        pltpu.sync_copy(buf_v, acc_s.at[dst_v.at[g]], add=True)

                    plsc.subcore_barrier()
                    _flush(acc_s, out, sid)
                    plsc.subcore_barrier()

    return agg_k(srcg3, dst3, zeros_hbm, *tables)


def _norm(deg_block):
    return lax.rsqrt(jnp.maximum(deg_block[:, 0:1], 1.0))


def _mm1(f1, f2, w1a, w1b, dego):

    def body(f1_ref, f2_ref, dego_ref, w1a_ref, w1b_ref, o0, o1, o2, o3):
        h = jnp.dot(f1_ref[...], w1a_ref[...], preferred_element_type=jnp.float32)
        h = h + jnp.dot(f2_ref[...], w1b_ref[...], preferred_element_type=jnp.float32)
        h = h * _norm(dego_ref[...])
        for j, o in enumerate((o0, o1, o2, o3)):
            o[...] = h[:, j * 128:(j + 1) * 128]

    return pl.pallas_call(
        body,
        grid=(N // MB,),
        in_specs=[
            pl.BlockSpec((MB, 256), lambda i: (i, 0)),
            pl.BlockSpec((MB, 256), lambda i: (i, 0)),
            pl.BlockSpec((MB, 128), lambda i: (i, 0)),
            pl.BlockSpec((256, 512), lambda i: (0, 0)),
            pl.BlockSpec((256, 512), lambda i: (0, 0)),
        ],
        out_specs=[pl.BlockSpec((MB, 128), lambda i: (i, 0))] * 4,
        out_shape=[jax.ShapeDtypeStruct((N, 128), jnp.float32)] * 4,
    )(f1, f2, dego, w1a, w1b)


def _mm_mid(aggs, degi, dego, w, b, n_out_chunks, fc_out):
    f_in = 128 * len(aggs)

    def body(*refs):
        agg_refs = refs[:len(aggs)]
        degi_ref, dego_ref, w_ref, b_ref = refs[len(aggs):len(aggs) + 4]
        outs = refs[len(aggs) + 4:]
        x = jnp.concatenate([r[...] for r in agg_refs], axis=1)
        x = jax.nn.relu(x * _norm(degi_ref[...]) + b_ref[...])
        h = jnp.dot(x, w_ref[...], preferred_element_type=jnp.float32)
        h = h * _norm(dego_ref[...])
        if h.shape[1] < n_out_chunks * fc_out:
            zpad = jnp.zeros((h.shape[0], n_out_chunks * fc_out - h.shape[1]),
                             jnp.float32)
            h = jnp.concatenate([h, zpad], axis=1)
        for j, o in enumerate(outs):
            o[...] = h[:, j * fc_out:(j + 1) * fc_out]

    return pl.pallas_call(
        body,
        grid=(N // MB,),
        in_specs=(
            [pl.BlockSpec((MB, 128), lambda i: (i, 0))] * len(aggs)
            + [pl.BlockSpec((MB, 128), lambda i: (i, 0))] * 2
            + [pl.BlockSpec(w.shape, lambda i: (0, 0)),
               pl.BlockSpec((1, f_in), lambda i: (0, 0))]
        ),
        out_specs=[pl.BlockSpec((MB, fc_out), lambda i: (i, 0))] * n_out_chunks,
        out_shape=[jax.ShapeDtypeStruct((N, fc_out), jnp.float32)] * n_out_chunks,
    )(*aggs, degi, dego, w, b)


def _final_max(d0, d1, degi, b3):

    def body(d0_ref, d1_ref, degi_ref, b3_ref, out_ref):
        i = pl.program_id(0)
        y = (d0_ref[...] + d1_ref[...])[:, :64]
        y = y * _norm(degi_ref[...]) + b3_ref[...]
        m = jnp.max(y)

        @pl.when(i == 0)
        def _():
            out_ref[...] = jnp.full((1, 128), -jnp.inf, jnp.float32)

        out_ref[...] = jnp.maximum(out_ref[...], m)

    return pl.pallas_call(
        body,
        grid=(N // MB,),
        in_specs=[
            pl.BlockSpec((MB, 128), lambda i: (i, 0)),
            pl.BlockSpec((MB, 128), lambda i: (i, 0)),
            pl.BlockSpec((MB, 128), lambda i: (i, 0)),
            pl.BlockSpec((1, 64), lambda i: (0, 0)),
        ],
        out_specs=pl.BlockSpec((1, 128), lambda i: (0, 0)),
        out_shape=jax.ShapeDtypeStruct((1, 128), jnp.float32),
    )(d0, d1, degi, b3)


def kernel(edge_index, in_feat1, in_feat2, W1, b1, W2, b2, W3, b3):
    src = edge_index[0].astype(jnp.int32)
    dst = edge_index[1].astype(jnp.int32)
    pad = EPAD - E
    srcg3 = jnp.concatenate([src, jnp.zeros((pad,), jnp.int32)]).reshape(SUB, GPW, G)
    srcd3 = jnp.concatenate([src, jnp.full((pad,), N, jnp.int32)]).reshape(SUB, GPW, G)
    dst3 = jnp.concatenate([dst, jnp.full((pad,), N, jnp.int32)]).reshape(SUB, GPW, G)

    ones128 = jnp.ones((G, 128), jnp.float32)
    z128 = jnp.zeros((ZROWS, 128), jnp.float32)

    dego, degi = _degrees(srcd3, dst3, ones128, z128)

    h1 = _mm1(in_feat1, in_feat2, W1[:256], W1[256:], dego)
    a1 = _aggregate(h1, srcg3, dst3, z128, 128)

    h2 = _mm_mid(a1, degi, dego, W2, b1.reshape(1, 512), 2, 128)
    a2 = _aggregate(h2, srcg3, dst3, z128, 128)

    h3 = _mm_mid(a2, degi, dego, W3, b2.reshape(1, 256), 1, 128)
    a3 = _aggregate(h3, srcg3, dst3, z128, 128, edge_split=True)

    out = _final_max(a3[0], a3[1], degi, b3.reshape(1, 64))
    return out[0, 0]

# --- scband reference (transcript-rebuilt; emitter-appended) ---
"""Pipeline reference for scband-gcn-6322191860463 (READ-ONLY COPY).

The authoritative reference and input builder live on the scoring server;
editing this copy changes nothing except your own understanding.
"""

import jax, jax.numpy as jnp
import numpy as np

N_NODES = 10000


def _graph_conv(x, src, dst, W, b, n_nodes):
    # DGL GraphConv with norm='both': D_in^{-1/2} A D_out^{-1/2} X W + b
    ones = jnp.ones(src.shape[0], dtype=x.dtype)
    deg_out = jnp.zeros(n_nodes, dtype=x.dtype).at[src].add(ones)
    deg_in = jnp.zeros(n_nodes, dtype=x.dtype).at[dst].add(ones)
    norm_out = jax.lax.rsqrt(jnp.maximum(deg_out, 1.0))
    norm_in = jax.lax.rsqrt(jnp.maximum(deg_in, 1.0))
    h = x @ W
    h = h * norm_out[:, None]
    msgs = jnp.take(h, src, axis=0)
    agg = jnp.zeros_like(h).at[dst].add(msgs)
    agg = agg * norm_in[:, None]
    return agg + b


def setup_inputs(seed: int = 0) -> dict:
    key = jax.random.key(seed)
    k1, k2, k3, k4, k5, k6, k7 = jax.random.split(key, 7)
    in_feats, h_feats, num_classes = 256, 256, 64
    edge_index = jax.random.randint(k1, (2, 160000), 0, N_NODES, dtype=jnp.int64)
    in_feat1 = jax.random.normal(k2, (N_NODES, in_feats), dtype=jnp.float32)
    in_feat2 = jax.random.normal(k3, (N_NODES, in_feats), dtype=jnp.float32)
    d1_in, d1_out = in_feats * 2, h_feats * 2
    W1 = jax.random.normal(k4, (d1_in, d1_out), dtype=jnp.float32) / np.sqrt(d1_in)
    b1 = jnp.zeros((d1_out,), dtype=jnp.float32)
    W2 = jax.random.normal(k5, (d1_out, h_feats), dtype=jnp.float32) / np.sqrt(d1_out)
    b2 = jnp.zeros((h_feats,), dtype=jnp.float32)
    W3 = jax.random.normal(k6, (h_feats, num_classes), dtype=jnp.float32) / np.sqrt(h_feats)
    b3 = jnp.zeros((num_classes,), dtype=jnp.float32)
    return {"edge_index": edge_index, "in_feat1": in_feat1, "in_feat2": in_feat2,
            "W1": W1, "b1": b1, "W2": W2, "b2": b2, "W3": W3, "b3": b3}


def reference(edge_index, in_feat1, in_feat2, W1, b1, W2, b2, W3, b3):
    src, dst = edge_index[0], edge_index[1]
    h = jnp.concatenate([in_feat1, in_feat2], axis=1)
    h = _graph_conv(h, src, dst, W1, b1, N_NODES)
    h = jax.nn.relu(h)
    # dropout is identity in eval mode (training=False)
    h = _graph_conv(h, src, dst, W2, b2, N_NODES)
    h = jax.nn.relu(h)
    h = _graph_conv(h, src, dst, W3, b3, N_NODES)
    return jnp.max(h)

if __name__ == "__main__":
    import jax
    _d = setup_inputs()
    print(jax.jit(kernel)(*tuple(_d.values())))

</pallas_src>

<mosaic_0001>
#map = affine_map<(d0, d1) -> (0, 0, 0)>
#map1 = affine_map<(d0, d1) -> (0, 0)>
module attributes {stable_mosaic.version = 14 : i64} {
  func.func @agg_k(%arg0: i32, %arg1: i32, %arg2: memref<16x79x128xi32, #tpu.memory_space<hbm>>, %arg3: memref<16x79x128xi32, #tpu.memory_space<hbm>>, %arg4: memref<632x128xf32, #tpu.memory_space<hbm>>, %arg5: memref<10000x128xf32, #tpu.memory_space<hbm>>, %arg6: memref<10000x128xf32, #tpu.memory_space<hbm>>, %arg7: memref<10000x128xf32, #tpu.memory_space<hbm>>, %arg8: memref<10000x128xf32, #tpu.memory_space<hbm>>, %arg9: memref<79x128xi32, #tpu.memory_space<vmem>>, %arg10: memref<79x128xi32, #tpu.memory_space<vmem>>, %arg11: memref<128x128xf32, #tpu.memory_space<vmem>>, %arg12: memref<10112x128xf32, #tpu.memory_space<vmem_shared>>, %arg13: memref<!tpu.dma_semaphore, #tpu.memory_space<semaphore_mem>>) attributes {dimension_semantics = [#tpu.dimension_semantics<core_parallel>, #tpu.dimension_semantics<subcore_parallel>], iteration_bounds = array<i64: 2, 16>, scalar_prefetch = 0 : i64, scratch_operands = 5 : i64, tpu.core_type = #tpu.core_type<sc_vector_subcore>, window_params = [{transform_indices = #map}, {transform_indices = #map}, {transform_indices = #map1}, {transform_indices = #map1}, {transform_indices = #map1}, {transform_indices = #map1}, {transform_indices = #map1}]} {
    "tpu.region"() ({
      %run_scoped3A = tpu.sem_alloc : memref<!tpu.dma_semaphore, #tpu.memory_space<semaphore_mem>>
      %dma_start3A = arith.constant 0 : i32
      %dma_start3A_7 = arith.constant 0 : i32
      %dma_start3A_8 = tpu.memref_slice %arg2[%arg1, %dma_start3A, %dma_start3A_7] : memref<16x79x128xi32, #tpu.memory_space<hbm>> -> memref<1x79x128xi32, #tpu.memory_space<hbm>>
      %dma_start3A_9 = tpu.memref_squeeze %dma_start3A_8 : memref<1x79x128xi32, #tpu.memory_space<hbm>> -> memref<79x128xi32, #tpu.memory_space<hbm>>
      %dma_start3A_10 = arith.constant 0 : i32
      %dma_start3A_11 = arith.constant 0 : i32
      %dma_start3A_12 = tpu.memref_slice %arg2[%arg1, %dma_start3A_10, %dma_start3A_11] : memref<16x79x128xi32, #tpu.memory_space<hbm>> -> memref<1x79x128xi32, #tpu.memory_space<hbm>>
      %dma_start3A_13 = tpu.memref_squeeze %dma_start3A_12 : memref<1x79x128xi32, #tpu.memory_space<hbm>> -> memref<79x128xi32, #tpu.memory_space<hbm>>
      tpu.enqueue_dma source(%dma_start3A_13 : memref<79x128xi32, #tpu.memory_space<hbm>>) target(%arg9 : memref<79x128xi32, #tpu.memory_space<vmem>>) target_semaphore(%run_scoped3A : memref<!tpu.dma_semaphore, #tpu.memory_space<semaphore_mem>>)
      %dma_wait3A = arith.constant 0 : i32
      %dma_wait3A_14 = arith.constant 0 : i32
      %dma_wait3A_15 = tpu.memref_slice %arg2[%arg1, %dma_wait3A, %dma_wait3A_14] : memref<16x79x128xi32, #tpu.memory_space<hbm>> -> memref<1x79x128xi32, #tpu.memory_space<hbm>>
      %dma_wait3A_16 = tpu.memref_squeeze %dma_wait3A_15 : memref<1x79x128xi32, #tpu.memory_space<hbm>> -> memref<79x128xi32, #tpu.memory_space<hbm>>
      %dma_wait3A_17 = arith.constant 0 : i32
      %dma_wait3A_18 = arith.constant 0 : i32
      %dma_wait3A_19 = tpu.memref_slice %arg2[%arg1, %dma_wait3A_17, %dma_wait3A_18] : memref<16x79x128xi32, #tpu.memory_space<hbm>> -> memref<1x79x128xi32, #tpu.memory_space<hbm>>
      %dma_wait3A_20 = tpu.memref_squeeze %dma_wait3A_19 : memref<1x79x128xi32, #tpu.memory_space<hbm>> -> memref<79x128xi32, #tpu.memory_space<hbm>>
      tpu.wait_dma2 semaphore(%run_scoped3A : memref<!tpu.dma_semaphore, #tpu.memory_space<semaphore_mem>>) src(%dma_wait3A_20 : memref<79x128xi32, #tpu.memory_space<hbm>>) dst(%arg9 : memref<79x128xi32, #tpu.memory_space<vmem>>)
      tpu.yield
    }) : () -> ()
    "tpu.region"() ({
      %run_scoped3A = tpu.sem_alloc : memref<!tpu.dma_semaphore, #tpu.memory_space<semaphore_mem>>
      %dma_start3A = arith.constant 0 : i32
      %dma_start3A_7 = arith.constant 0 : i32
      %dma_start3A_8 = tpu.memref_slice %arg3[%arg1, %dma_start3A, %dma_start3A_7] : memref<16x79x128xi32, #tpu.memory_space<hbm>> -> memref<1x79x128xi32, #tpu.memory_space<hbm>>
      %dma_start3A_9 = tpu.memref_squeeze %dma_start3A_8 : memref<1x79x128xi32, #tpu.memory_space<hbm>> -> memref<79x128xi32, #tpu.memory_space<hbm>>
      %dma_start3A_10 = arith.constant 0 : i32
      %dma_start3A_11 = arith.constant 0 : i32
      %dma_start3A_12 = tpu.memref_slice %arg3[%arg1, %dma_start3A_10, %dma_start3A_11] : memref<16x79x128xi32, #tpu.memory_space<hbm>> -> memref<1x79x128xi32, #tpu.memory_space<hbm>>
      %dma_start3A_13 = tpu.memref_squeeze %dma_start3A_12 : memref<1x79x128xi32, #tpu.memory_space<hbm>> -> memref<79x128xi32, #tpu.memory_space<hbm>>
      tpu.enqueue_dma source(%dma_start3A_13 : memref<79x128xi32, #tpu.memory_space<hbm>>) target(%arg10 : memref<79x128xi32, #tpu.memory_space<vmem>>) target_semaphore(%run_scoped3A : memref<!tpu.dma_semaphore, #tpu.memory_space<semaphore_mem>>)
      %dma_wait3A = arith.constant 0 : i32
      %dma_wait3A_14 = arith.constant 0 : i32
      %dma_wait3A_15 = tpu.memref_slice %arg3[%arg1, %dma_wait3A, %dma_wait3A_14] : memref<16x79x128xi32, #tpu.memory_space<hbm>> -> memref<1x79x128xi32, #tpu.memory_space<hbm>>
      %dma_wait3A_16 = tpu.memref_squeeze %dma_wait3A_15 : memref<1x79x128xi32, #tpu.memory_space<hbm>> -> memref<79x128xi32, #tpu.memory_space<hbm>>
      %dma_wait3A_17 = arith.constant 0 : i32
      %dma_wait3A_18 = arith.constant 0 : i32
      %dma_wait3A_19 = tpu.memref_slice %arg3[%arg1, %dma_wait3A_17, %dma_wait3A_18] : memref<16x79x128xi32, #tpu.memory_space<hbm>> -> memref<1x79x128xi32, #tpu.memory_space<hbm>>
      %dma_wait3A_20 = tpu.memref_squeeze %dma_wait3A_19 : memref<1x79x128xi32, #tpu.memory_space<hbm>> -> memref<79x128xi32, #tpu.memory_space<hbm>>
      tpu.wait_dma2 semaphore(%run_scoped3A : memref<!tpu.dma_semaphore, #tpu.memory_space<semaphore_mem>>) src(%dma_wait3A_20 : memref<79x128xi32, #tpu.memory_space<hbm>>) dst(%arg10 : memref<79x128xi32, #tpu.memory_space<vmem>>)
      tpu.yield
    }) : () -> ()
    %eq3A = arith.constant 0 : i32
    %eq3A_0 = arith.cmpi eq, %arg0, %eq3A : i32
    %convert_element_type3A = arith.extui %eq3A_0 : i1 to i32
    %cond3A = arith.constant 0 : i32
    %cond3A_1 = arith.cmpi ne, %convert_element_type3A, %cond3A : i32
    scf.if %cond3A_1 {
      %mul3A = arith.constant 632 : i32
      %mul3A_7 = arith.muli %arg1, %mul3A : i32
      %multiple_of3A = tpu.assume_multiple %mul3A_7, 8 : i32
      "tpu.region"() ({
        %run_scoped3A = tpu.sem_alloc : memref<!tpu.dma_semaphore, #tpu.memory_space<semaphore_mem>>
        %dma_start3A = arith.constant 0 : i32
        %dma_start3A_23 = tpu.memref_slice %arg12[%multiple_of3A, %dma_start3A] : memref<10112x128xf32, #tpu.memory_space<vmem_shared>> -> memref<632x128xf32, #tpu.memory_space<vmem_shared>>
        tpu.enqueue_dma source(%arg4 : memref<632x128xf32, #tpu.memory_space<hbm>>) target(%dma_start3A_23 : memref<632x128xf32, #tpu.memory_space<vmem_shared>>) target_semaphore(%run_scoped3A : memref<!tpu.dma_semaphore, #tpu.memory_space<semaphore_mem>>)
        %dma_wait3A = arith.constant 0 : i32
        %dma_wait3A_24 = tpu.memref_slice %arg12[%multiple_of3A, %dma_wait3A] : memref<10112x128xf32, #tpu.memory_space<vmem_shared>> -> memref<632x128xf32, #tpu.memory_space<vmem_shared>>
        tpu.wait_dma2 semaphore(%run_scoped3A : memref<!tpu.dma_semaphore, #tpu.memory_space<semaphore_mem>>) src(%arg4 : memref<632x128xf32, #tpu.memory_space<hbm>>) dst(%dma_wait3A_24 : memref<632x128xf32, #tpu.memory_space<vmem_shared>>)
        tpu.yield
      }) : () -> ()
      %barrier3A = arith.constant 0 : index
      tpu.barrier barrier_id(%barrier3A)
      %scan3A = arith.constant 0 : i32
      %scan3A_8 = arith.constant 79 : i32
      %scan3A_9 = arith.addi %scan3A, %scan3A_8 : i32
      %scan3A_10 = arith.constant 1 : i32
      scf.for %scan3A_23 = %scan3A to %scan3A_9 step %scan3A_10  : i32 {
        %mul3A_24 = arith.constant 1 : i32
        %mul3A_25 = arith.muli %scan3A_23, %mul3A_24 : i32
        %add3A = arith.constant 0 : i32
        %add3A_26 = arith.addi %add3A, %mul3A_25 : i32
        %dma_start3A = arith.constant 0 : i32
        %dma_start3A_27 = tpu.memref_slice %arg9[%add3A_26, %dma_start3A] : memref<79x128xi32, #tpu.memory_space<vmem>> -> memref<1x128xi32, #tpu.memory_space<vmem>>
        %dma_start3A_28 = tpu.memref_squeeze %dma_start3A_27 : memref<1x128xi32, #tpu.memory_space<vmem>> -> memref<128xi32, #tpu.memory_space<vmem>>
        %dma_start3A_29 = arith.constant 0 : i32
        %dma_start3A_30 = arith.constant 0 : i32
        %dma_start3A_31 = tpu.memref_slice %arg5[%dma_start3A_29, %dma_start3A_30] : memref<10000x128xf32, #tpu.memory_space<hbm>> -> memref<10000x128xf32, #tpu.memory_space<hbm>>
        tpu.enqueue_indirect_dma source(%dma_start3A_31 : memref<10000x128xf32, #tpu.memory_space<hbm>>) target(%arg11 : memref<128x128xf32, #tpu.memory_space<vmem>>) offsets(%dma_start3A_28 : memref<128xi32, #tpu.memory_space<vmem>>) semaphore(%arg13 : memref<!tpu.dma_semaphore, #tpu.memory_space<semaphore_mem>>)
        %dma_wait3A = arith.constant 0 : i32
        %dma_wait3A_32 = tpu.memref_slice %arg9[%add3A_26, %dma_wait3A] : memref<79x128xi32, #tpu.memory_space<vmem>> -> memref<1x128xi32, #tpu.memory_space<vmem>>
        %dma_wait3A_33 = tpu.memref_squeeze %dma_wait3A_32 : memref<1x128xi32, #tpu.memory_space<vmem>> -> memref<128xi32, #tpu.memory_space<vmem>>
        %dma_wait3A_34 = arith.constant 0 : i32
        %dma_wait3A_35 = arith.constant 0 : i32
        %dma_wait3A_36 = tpu.memref_slice %arg5[%dma_wait3A_34, %dma_wait3A_35] : memref<10000x128xf32, #tpu.memory_space<hbm>> -> memref<10000x128xf32, #tpu.memory_space<hbm>>
        tpu.wait_indirect_dma semaphore(%arg13 : memref<!tpu.dma_semaphore, #tpu.memory_space<semaphore_mem>>) src(%dma_wait3A_36 : memref<10000x128xf32, #tpu.memory_space<hbm>>) dst(%arg11 : memref<128x128xf32, #tpu.memory_space<vmem>>)
        "tpu.region"() ({
          %run_scoped3A = tpu.sem_alloc : memref<!tpu.dma_semaphore, #tpu.memory_space<semaphore_mem>>
          %dma_start3A_37 = arith.constant 0 : i32
          %dma_start3A_38 = tpu.memref_slice %arg10[%add3A_26, %dma_start3A_37] : memref<79x128xi32, #tpu.memory_space<vmem>> -> memref<1x128xi32, #tpu.memory_space<vmem>>
          %dma_start3A_39 = tpu.memref_squeeze %dma_start3A_38 : memref<1x128xi32, #tpu.memory_space<vmem>> -> memref<128xi32, #tpu.memory_space<vmem>>
          %dma_start3A_40 = arith.constant 0 : i32
          %dma_start3A_41 = arith.constant 0 : i32
          %dma_start3A_42 = tpu.memref_slice %arg12[%dma_start3A_40, %dma_start3A_41] : memref<10112x128xf32, #tpu.memory_space<vmem_shared>> -> memref<10112x128xf32, #tpu.memory_space<vmem_shared>>
          tpu.enqueue_indirect_dma source(%arg11 : memref<128x128xf32, #tpu.memory_space<vmem>>) target(%dma_start3A_42 : memref<10112x128xf32, #tpu.memory_space<vmem_shared>>) offsets(%dma_start3A_39 : memref<128xi32, #tpu.memory_space<vmem>>) semaphore(%run_scoped3A : memref<!tpu.dma_semaphore, #tpu.memory_space<semaphore_mem>>) {add = true}
          %dma_wait3A_43 = arith.constant 0 : i32
          %dma_wait3A_44 = tpu.memref_slice %arg10[%add3A_26, %dma_wait3A_43] : memref<79x128xi32, #tpu.memory_space<vmem>> -> memref<1x128xi32, #tpu.memory_space<vmem>>
          %dma_wait3A_45 = tpu.memref_squeeze %dma_wait3A_44 : memref<1x128xi32, #tpu.memory_space<vmem>> -> memref<128xi32, #tpu.memory_space<vmem>>
          %dma_wait3A_46 = arith.constant 0 : i32
          %dma_wait3A_47 = arith.constant 0 : i32
          %dma_wait3A_48 = tpu.memref_slice %arg12[%dma_wait3A_46, %dma_wait3A_47] : memref<10112x128xf32, #tpu.memory_space<vmem_shared>> -> memref<10112x128xf32, #tpu.memory_space<vmem_shared>>
          tpu.wait_indirect_dma semaphore(%run_scoped3A : memref<!tpu.dma_semaphore, #tpu.memory_space<semaphore_mem>>) src(%arg11 : memref<128x128xf32, #tpu.memory_space<vmem>>) dst(%dma_wait3A_48 : memref<10112x128xf32, #tpu.memory_space<vmem_shared>>)
          tpu.yield
        }) : () -> ()
      }
      %scan3A_11 = arith.constant 79 : i32
      %barrier3A_12 = arith.constant 0 : index
      tpu.barrier barrier_id(%barrier3A_12)
      %lt3A = arith.constant 15 : i32
      %lt3A_13 = arith.cmpi slt, %arg1, %lt3A : i32
      %convert_element_type3A_14 = arith.extui %lt3A_13 : i1 to i32
      %cond3A_15 = arith.constant 0 : i32
      %cond3A_16 = arith.cmpi ne, %convert_element_type3A_14, %cond3A_15 : i32
      scf.if %cond3A_16 {
        %mul3A_23 = arith.constant 632 : i32
        %mul3A_24 = arith.muli %arg1, %mul3A_23 : i32
        %multiple_of3A_25 = tpu.assume_multiple %mul3A_24, 8 : i32
        "tpu.region"() ({
          %run_scoped3A = tpu.sem_alloc : memref<!tpu.dma_semaphore, #tpu.memory_space<semaphore_mem>>
          %dma_start3A = arith.constant 0 : i32
          %dma_start3A_26 = tpu.memref_slice %arg7[%multiple_of3A_25, %dma_start3A] : memref<10000x128xf32, #tpu.memory_space<hbm>> -> memref<632x128xf32, #tpu.memory_space<hbm>>
          %dma_start3A_27 = arith.constant 0 : i32
          %dma_start3A_28 = tpu.memref_slice %arg12[%multiple_of3A_25, %dma_start3A_27] : memref<10112x128xf32, #tpu.memory_space<vmem_shared>> -> memref<632x128xf32, #tpu.memory_space<vmem_shared>>
          tpu.enqueue_dma source(%dma_start3A_28 : memref<632x128xf32, #tpu.memory_space<vmem_shared>>) target(%dma_start3A_26 : memref<632x128xf32, #tpu.memory_space<hbm>>) target_semaphore(%run_scoped3A : memref<!tpu.dma_semaphore, #tpu.memory_space<semaphore_mem>>)
          %dma_wait3A = arith.constant 0 : i32
          %dma_wait3A_29 = tpu.memref_slice %arg7[%multiple_of3A_25, %dma_wait3A] : memref<10000x128xf32, #tpu.memory_space<hbm>> -> memref<632x128xf32, #tpu.memory_space<hbm>>
          %dma_wait3A_30 = arith.constant 0 : i32
          %dma_wait3A_31 = tpu.memref_slice %arg12[%multiple_of3A_25, %dma_wait3A_30] : memref<10112x128xf32, #tpu.memory_space<vmem_shared>> -> memref<632x128xf32, #tpu.memory_space<vmem_shared>>
          tpu.wait_dma2 semaphore(%run_scoped3A : memref<!tpu.dma_semaphore, #tpu.memory_space<semaphore_mem>>) src(%dma_wait3A_31 : memref<632x128xf32, #tpu.memory_space<vmem_shared>>) dst(%dma_wait3A_29 : memref<632x128xf32, #tpu.memory_space<hbm>>)
          tpu.yield
        }) : () -> ()
      } else {
      }
      %eq3A_17 = arith.constant 15 : i32
      %eq3A_18 = arith.cmpi eq, %arg1, %eq3A_17 : i32
      %convert_element_type3A_19 = arith.extui %eq3A_18 : i1 to i32
      %cond3A_20 = arith.constant 0 : i32
      %cond3A_21 = arith.cmpi ne, %convert_element_type3A_19, %cond3A_20 : i32
      scf.if %cond3A_21 {
        "tpu.region"() ({
          %run_scoped3A = tpu.sem_alloc : memref<!tpu.dma_semaphore, #tpu.memory_space<semaphore_mem>>
          %dma_start3A = arith.constant 9480 : i32
          %dma_start3A_23 = arith.constant 0 : i32
          %dma_start3A_24 = tpu.memref_slice %arg7[%dma_start3A, %dma_start3A_23] : memref<10000x128xf32, #tpu.memory_space<hbm>> -> memref<520x128xf32, #tpu.memory_space<hbm>>
          %dma_start3A_25 = arith.constant 9480 : i32
          %dma_start3A_26 = arith.constant 0 : i32
          %dma_start3A_27 = tpu.memref_slice %arg12[%dma_start3A_25, %dma_start3A_26] : memref<10112x128xf32, #tpu.memory_space<vmem_shared>> -> memref<520x128xf32, #tpu.memory_space<vmem_shared>>
          tpu.enqueue_dma source(%dma_start3A_27 : memref<520x128xf32, #tpu.memory_space<vmem_shared>>) target(%dma_start3A_24 : memref<520x128xf32, #tpu.memory_space<hbm>>) target_semaphore(%run_scoped3A : memref<!tpu.dma_semaphore, #tpu.memory_space<semaphore_mem>>)
          %dma_wait3A = arith.constant 9480 : i32
          %dma_wait3A_28 = arith.constant 0 : i32
          %dma_wait3A_29 = tpu.memref_slice %arg7[%dma_wait3A, %dma_wait3A_28] : memref<10000x128xf32, #tpu.memory_space<hbm>> -> memref<520x128xf32, #tpu.memory_space<hbm>>
          %dma_wait3A_30 = arith.constant 9480 : i32
          %dma_wait3A_31 = arith.constant 0 : i32
          %dma_wait3A_32 = tpu.memref_slice %arg12[%dma_wait3A_30, %dma_wait3A_31] : memref<10112x128xf32, #tpu.memory_space<vmem_shared>> -> memref<520x128xf32, #tpu.memory_space<vmem_shared>>
          tpu.wait_dma2 semaphore(%run_scoped3A : memref<!tpu.dma_semaphore, #tpu.memory_space<semaphore_mem>>) src(%dma_wait3A_32 : memref<520x128xf32, #tpu.memory_space<vmem_shared>>) dst(%dma_wait3A_29 : memref<520x128xf32, #tpu.memory_space<hbm>>)
          tpu.yield
        }) : () -> ()
      } else {
      }
      %barrier3A_22 = arith.constant 0 : index
      tpu.barrier barrier_id(%barrier3A_22)
    } else {
    }
    %eq3A_2 = arith.constant 1 : i32
    %eq3A_3 = arith.cmpi eq, %arg0, %eq3A_2 : i32
    %convert_element_type3A_4 = arith.extui %eq3A_3 : i1 to i32
    %cond3A_5 = arith.constant 0 : i32
    %cond3A_6 = arith.cmpi ne, %convert_element_type3A_4, %cond3A_5 : i32
    scf.if %cond3A_6 {
      %mul3A = arith.constant 632 : i32
      %mul3A_7 = arith.muli %arg1, %mul3A : i32
      %multiple_of3A = tpu.assume_multiple %mul3A_7, 8 : i32
      "tpu.region"() ({
        %run_scoped3A = tpu.sem_alloc : memref<!tpu.dma_semaphore, #tpu.memory_space<semaphore_mem>>
        %dma_start3A = arith.constant 0 : i32
        %dma_start3A_23 = tpu.memref_slice %arg12[%multiple_of3A, %dma_start3A] : memref<10112x128xf32, #tpu.memory_space<vmem_shared>> -> memref<632x128xf32, #tpu.memory_space<vmem_shared>>
        tpu.enqueue_dma source(%arg4 : memref<632x128xf32, #tpu.memory_space<hbm>>) target(%dma_start3A_23 : memref<632x128xf32, #tpu.memory_space<vmem_shared>>) target_semaphore(%run_scoped3A : memref<!tpu.dma_semaphore, #tpu.memory_space<semaphore_mem>>)
        %dma_wait3A = arith.constant 0 : i32
        %dma_wait3A_24 = tpu.memref_slice %arg12[%multiple_of3A, %dma_wait3A] : memref<10112x128xf32, #tpu.memory_space<vmem_shared>> -> memref<632x128xf32, #tpu.memory_space<vmem_shared>>
        tpu.wait_dma2 semaphore(%run_scoped3A : memref<!tpu.dma_semaphore, #tpu.memory_space<semaphore_mem>>) src(%arg4 : memref<632x128xf32, #tpu.memory_space<hbm>>) dst(%dma_wait3A_24 : memref<632x128xf32, #tpu.memory_space<vmem_shared>>)
        tpu.yield
      }) : () -> ()
      %barrier3A = arith.constant 0 : index
      tpu.barrier barrier_id(%barrier3A)
      %scan3A = arith.constant 0 : i32
      %scan3A_8 = arith.constant 79 : i32
      %scan3A_9 = arith.addi %scan3A, %scan3A_8 : i32
      %scan3A_10 = arith.constant 1 : i32
      scf.for %scan3A_23 = %scan3A to %scan3A_9 step %scan3A_10  : i32 {
        %mul3A_24 = arith.constant 1 : i32
        %mul3A_25 = arith.muli %scan3A_23, %mul3A_24 : i32
        %add3A = arith.constant 0 : i32
        %add3A_26 = arith.addi %add3A, %mul3A_25 : i32
        %dma_start3A = arith.constant 0 : i32
        %dma_start3A_27 = tpu.memref_slice %arg9[%add3A_26, %dma_start3A] : memref<79x128xi32, #tpu.memory_space<vmem>> -> memref<1x128xi32, #tpu.memory_space<vmem>>
        %dma_start3A_28 = tpu.memref_squeeze %dma_start3A_27 : memref<1x128xi32, #tpu.memory_space<vmem>> -> memref<128xi32, #tpu.memory_space<vmem>>
        %dma_start3A_29 = arith.constant 0 : i32
        %dma_start3A_30 = arith.constant 0 : i32
        %dma_start3A_31 = tpu.memref_slice %arg6[%dma_start3A_29, %dma_start3A_30] : memref<10000x128xf32, #tpu.memory_space<hbm>> -> memref<10000x128xf32, #tpu.memory_space<hbm>>
        tpu.enqueue_indirect_dma source(%dma_start3A_31 : memref<10000x128xf32, #tpu.memory_space<hbm>>) target(%arg11 : memref<128x128xf32, #tpu.memory_space<vmem>>) offsets(%dma_start3A_28 : memref<128xi32, #tpu.memory_space<vmem>>) semaphore(%arg13 : memref<!tpu.dma_semaphore, #tpu.memory_space<semaphore_mem>>)
        %dma_wait3A = arith.constant 0 : i32
        %dma_wait3A_32 = tpu.memref_slice %arg9[%add3A_26, %dma_wait3A] : memref<79x128xi32, #tpu.memory_space<vmem>> -> memref<1x128xi32, #tpu.memory_space<vmem>>
        %dma_wait3A_33 = tpu.memref_squeeze %dma_wait3A_32 : memref<1x128xi32, #tpu.memory_space<vmem>> -> memref<128xi32, #tpu.memory_space<vmem>>
        %dma_wait3A_34 = arith.constant 0 : i32
        %dma_wait3A_35 = arith.constant 0 : i32
        %dma_wait3A_36 = tpu.memref_slice %arg6[%dma_wait3A_34, %dma_wait3A_35] : memref<10000x128xf32, #tpu.memory_space<hbm>> -> memref<10000x128xf32, #tpu.memory_space<hbm>>
        tpu.wait_indirect_dma semaphore(%arg13 : memref<!tpu.dma_semaphore, #tpu.memory_space<semaphore_mem>>) src(%dma_wait3A_36 : memref<10000x128xf32, #tpu.memory_space<hbm>>) dst(%arg11 : memref<128x128xf32, #tpu.memory_space<vmem>>)
        "tpu.region"() ({
          %run_scoped3A = tpu.sem_alloc : memref<!tpu.dma_semaphore, #tpu.memory_space<semaphore_mem>>
          %dma_start3A_37 = arith.constant 0 : i32
          %dma_start3A_38 = tpu.memref_slice %arg10[%add3A_26, %dma_start3A_37] : memref<79x128xi32, #tpu.memory_space<vmem>> -> memref<1x128xi32, #tpu.memory_space<vmem>>
          %dma_start3A_39 = tpu.memref_squeeze %dma_start3A_38 : memref<1x128xi32, #tpu.memory_space<vmem>> -> memref<128xi32, #tpu.memory_space<vmem>>
          %dma_start3A_40 = arith.constant 0 : i32
          %dma_start3A_41 = arith.constant 0 : i32
          %dma_start3A_42 = tpu.memref_slice %arg12[%dma_start3A_40, %dma_start3A_41] : memref<10112x128xf32, #tpu.memory_space<vmem_shared>> -> memref<10112x128xf32, #tpu.memory_space<vmem_shared>>
          tpu.enqueue_indirect_dma source(%arg11 : memref<128x128xf32, #tpu.memory_space<vmem>>) target(%dma_start3A_42 : memref<10112x128xf32, #tpu.memory_space<vmem_shared>>) offsets(%dma_start3A_39 : memref<128xi32, #tpu.memory_space<vmem>>) semaphore(%run_scoped3A : memref<!tpu.dma_semaphore, #tpu.memory_space<semaphore_mem>>) {add = true}
          %dma_wait3A_43 = arith.constant 0 : i32
          %dma_wait3A_44 = tpu.memref_slice %arg10[%add3A_26, %dma_wait3A_43] : memref<79x128xi32, #tpu.memory_space<vmem>> -> memref<1x128xi32, #tpu.memory_space<vmem>>
          %dma_wait3A_45 = tpu.memref_squeeze %dma_wait3A_44 : memref<1x128xi32, #tpu.memory_space<vmem>> -> memref<128xi32, #tpu.memory_space<vmem>>
          %dma_wait3A_46 = arith.constant 0 : i32
          %dma_wait3A_47 = arith.constant 0 : i32
          %dma_wait3A_48 = tpu.memref_slice %arg12[%dma_wait3A_46, %dma_wait3A_47] : memref<10112x128xf32, #tpu.memory_space<vmem_shared>> -> memref<10112x128xf32, #tpu.memory_space<vmem_shared>>
          tpu.wait_indirect_dma semaphore(%run_scoped3A : memref<!tpu.dma_semaphore, #tpu.memory_space<semaphore_mem>>) src(%arg11 : memref<128x128xf32, #tpu.memory_space<vmem>>) dst(%dma_wait3A_48 : memref<10112x128xf32, #tpu.memory_space<vmem_shared>>)
          tpu.yield
        }) : () -> ()
      }
      %scan3A_11 = arith.constant 79 : i32
      %barrier3A_12 = arith.constant 0 : index
      tpu.barrier barrier_id(%barrier3A_12)
      %lt3A = arith.constant 15 : i32
      %lt3A_13 = arith.cmpi slt, %arg1, %lt3A : i32
      %convert_element_type3A_14 = arith.extui %lt3A_13 : i1 to i32
      %cond3A_15 = arith.constant 0 : i32
      %cond3A_16 = arith.cmpi ne, %convert_element_type3A_14, %cond3A_15 : i32
      scf.if %cond3A_16 {
        %mul3A_23 = arith.constant 632 : i32
        %mul3A_24 = arith.muli %arg1, %mul3A_23 : i32
        %multiple_of3A_25 = tpu.assume_multiple %mul3A_24, 8 : i32
        "tpu.region"() ({
          %run_scoped3A = tpu.sem_alloc : memref<!tpu.dma_semaphore, #tpu.memory_space<semaphore_mem>>
          %dma_start3A = arith.constant 0 : i32
          %dma_start3A_26 = tpu.memref_slice %arg8[%multiple_of3A_25, %dma_start3A] : memref<10000x128xf32, #tpu.memory_space<hbm>> -> memref<632x128xf32, #tpu.memory_space<hbm>>
          %dma_start3A_27 = arith.constant 0 : i32
          %dma_start3A_28 = tpu.memref_slice %arg12[%multiple_of3A_25, %dma_start3A_27] : memref<10112x128xf32, #tpu.memory_space<vmem_shared>> -> memref<632x128xf32, #tpu.memory_space<vmem_shared>>
          tpu.enqueue_dma source(%dma_start3A_28 : memref<632x128xf32, #tpu.memory_space<vmem_shared>>) target(%dma_start3A_26 : memref<632x128xf32, #tpu.memory_space<hbm>>) target_semaphore(%run_scoped3A : memref<!tpu.dma_semaphore, #tpu.memory_space<semaphore_mem>>)
          %dma_wait3A = arith.constant 0 : i32
          %dma_wait3A_29 = tpu.memref_slice %arg8[%multiple_of3A_25, %dma_wait3A] : memref<10000x128xf32, #tpu.memory_space<hbm>> -> memref<632x128xf32, #tpu.memory_space<hbm>>
          %dma_wait3A_30 = arith.constant 0 : i32
          %dma_wait3A_31 = tpu.memref_slice %arg12[%multiple_of3A_25, %dma_wait3A_30] : memref<10112x128xf32, #tpu.memory_space<vmem_shared>> -> memref<632x128xf32, #tpu.memory_space<vmem_shared>>
          tpu.wait_dma2 semaphore(%run_scoped3A : memref<!tpu.dma_semaphore, #tpu.memory_space<semaphore_mem>>) src(%dma_wait3A_31 : memref<632x128xf32, #tpu.memory_space<vmem_shared>>) dst(%dma_wait3A_29 : memref<632x128xf32, #tpu.memory_space<hbm>>)
          tpu.yield
        }) : () -> ()
      } else {
      }
      %eq3A_17 = arith.constant 15 : i32
      %eq3A_18 = arith.cmpi eq, %arg1, %eq3A_17 : i32
      %convert_element_type3A_19 = arith.extui %eq3A_18 : i1 to i32
      %cond3A_20 = arith.constant 0 : i32
      %cond3A_21 = arith.cmpi ne, %convert_element_type3A_19, %cond3A_20 : i32
      scf.if %cond3A_21 {
        "tpu.region"() ({
          %run_scoped3A = tpu.sem_alloc : memref<!tpu.dma_semaphore, #tpu.memory_space<semaphore_mem>>
          %dma_start3A = arith.constant 9480 : i32
          %dma_start3A_23 = arith.constant 0 : i32
          %dma_start3A_24 = tpu.memref_slice %arg8[%dma_start3A, %dma_start3A_23] : memref<10000x128xf32, #tpu.memory_space<hbm>> -> memref<520x128xf32, #tpu.memory_space<hbm>>
          %dma_start3A_25 = arith.constant 9480 : i32
          %dma_start3A_26 = arith.constant 0 : i32
          %dma_start3A_27 = tpu.memref_slice %arg12[%dma_start3A_25, %dma_start3A_26] : memref<10112x128xf32, #tpu.memory_space<vmem_shared>> -> memref<520x128xf32, #tpu.memory_space<vmem_shared>>
          tpu.enqueue_dma source(%dma_start3A_27 : memref<520x128xf32, #tpu.memory_space<vmem_shared>>) target(%dma_start3A_24 : memref<520x128xf32, #tpu.memory_space<hbm>>) target_semaphore(%run_scoped3A : memref<!tpu.dma_semaphore, #tpu.memory_space<semaphore_mem>>)
          %dma_wait3A = arith.constant 9480 : i32
          %dma_wait3A_28 = arith.constant 0 : i32
          %dma_wait3A_29 = tpu.memref_slice %arg8[%dma_wait3A, %dma_wait3A_28] : memref<10000x128xf32, #tpu.memory_space<hbm>> -> memref<520x128xf32, #tpu.memory_space<hbm>>
          %dma_wait3A_30 = arith.constant 9480 : i32
          %dma_wait3A_31 = arith.constant 0 : i32
          %dma_wait3A_32 = tpu.memref_slice %arg12[%dma_wait3A_30, %dma_wait3A_31] : memref<10112x128xf32, #tpu.memory_space<vmem_shared>> -> memref<520x128xf32, #tpu.memory_space<vmem_shared>>
          tpu.wait_dma2 semaphore(%run_scoped3A : memref<!tpu.dma_semaphore, #tpu.memory_space<semaphore_mem>>) src(%dma_wait3A_32 : memref<520x128xf32, #tpu.memory_space<vmem_shared>>) dst(%dma_wait3A_29 : memref<520x128xf32, #tpu.memory_space<hbm>>)
          tpu.yield
        }) : () -> ()
      } else {
      }
      %barrier3A_22 = arith.constant 0 : index
      tpu.barrier barrier_id(%barrier3A_22)
    } else {
    }
    return
  }
}

#map = affine_map<(d0, d1) -> (0, 0, 0)>
#map1 = affine_map<(d0, d1) -> (0, 0)>
module attributes {stable_mosaic.version = 14 : i64} {
  func.func @deg_k(%arg0: i32, %arg1: i32, %arg2: memref<16x79x128xi32, #tpu.memory_space<hbm>>, %arg3: memref<16x79x128xi32, #tpu.memory_space<hbm>>, %arg4: memref<128x128xf32, #tpu.memory_space<hbm>>, %arg5: memref<632x128xf32, #tpu.memory_space<hbm>>, %arg6: memref<10000x128xf32, #tpu.memory_space<hbm>>, %arg7: memref<10000x128xf32, #tpu.memory_space<hbm>>, %arg8: memref<79x128xi32, #tpu.memory_space<vmem>>, %arg9: memref<128x128xf32, #tpu.memory_space<vmem>>, %arg10: memref<10112x128xf32, #tpu.memory_space<vmem_shared>>, %arg11: memref<!tpu.dma_semaphore, #tpu.memory_space<semaphore_mem>>) attributes {dimension_semantics = [#tpu.dimension_semantics<core_parallel>, #tpu.dimension_semantics<subcore_parallel>], iteration_bounds = array<i64: 2, 16>, scalar_prefetch = 0 : i64, scratch_operands = 4 : i64, tpu.core_type = #tpu.core_type<sc_vector_subcore>, window_params = [{transform_indices = #map}, {transform_indices = #map}, {transform_indices = #map1}, {transform_indices = #map1}, {transform_indices = #map1}, {transform_indices = #map1}]} {
    %mul3A = arith.constant 632 : i32
    %mul3A_0 = arith.muli %arg1, %mul3A : i32
    %multiple_of3A = tpu.assume_multiple %mul3A_0, 8 : i32
    "tpu.region"() ({
      %run_scoped3A = tpu.sem_alloc : memref<!tpu.dma_semaphore, #tpu.memory_space<semaphore_mem>>
      %dma_start3A = arith.constant 0 : i32
      %dma_start3A_8 = tpu.memref_slice %arg10[%multiple_of3A, %dma_start3A] : memref<10112x128xf32, #tpu.memory_space<vmem_shared>> -> memref<632x128xf32, #tpu.memory_space<vmem_shared>>
      tpu.enqueue_dma source(%arg5 : memref<632x128xf32, #tpu.memory_space<hbm>>) target(%dma_start3A_8 : memref<632x128xf32, #tpu.memory_space<vmem_shared>>) target_semaphore(%run_scoped3A : memref<!tpu.dma_semaphore, #tpu.memory_space<semaphore_mem>>)
      %dma_wait3A = arith.constant 0 : i32
      %dma_wait3A_9 = tpu.memref_slice %arg10[%multiple_of3A, %dma_wait3A] : memref<10112x128xf32, #tpu.memory_space<vmem_shared>> -> memref<632x128xf32, #tpu.memory_space<vmem_shared>>
      tpu.wait_dma2 semaphore(%run_scoped3A : memref<!tpu.dma_semaphore, #tpu.memory_space<semaphore_mem>>) src(%arg5 : memref<632x128xf32, #tpu.memory_space<hbm>>) dst(%dma_wait3A_9 : memref<632x128xf32, #tpu.memory_space<vmem_shared>>)
      tpu.yield
    }) : () -> ()
    "tpu.region"() ({
      %run_scoped3A = tpu.sem_alloc : memref<!tpu.dma_semaphore, #tpu.memory_space<semaphore_mem>>
      tpu.enqueue_dma source(%arg4 : memref<128x128xf32, #tpu.memory_space<hbm>>) target(%arg9 : memref<128x128xf32, #tpu.memory_space<vmem>>) target_semaphore(%run_scoped3A : memref<!tpu.dma_semaphore, #tpu.memory_space<semaphore_mem>>)
      tpu.wait_dma2 semaphore(%run_scoped3A : memref<!tpu.dma_semaphore, #tpu.memory_space<semaphore_mem>>) src(%arg4 : memref<128x128xf32, #tpu.memory_space<hbm>>) dst(%arg9 : memref<128x128xf32, #tpu.memory_space<vmem>>)
      tpu.yield
    }) : () -> ()
    %barrier3A = arith.constant 0 : index
    tpu.barrier barrier_id(%barrier3A)
    %eq3A = arith.constant 0 : i32
    %eq3A_1 = arith.cmpi eq, %arg0, %eq3A : i32
    %convert_element_type3A = arith.extui %eq3A_1 : i1 to i32
    %cond3A = arith.constant 0 : i32
    %cond3A_2 = arith.cmpi ne, %convert_element_type3A, %cond3A : i32
    scf.if %cond3A_2 {
      "tpu.region"() ({
        %run_scoped3A = tpu.sem_alloc : memref<!tpu.dma_semaphore, #tpu.memory_space<semaphore_mem>>
        %dma_start3A = arith.constant 0 : i32
        %dma_start3A_22 = arith.constant 0 : i32
        %dma_start3A_23 = tpu.memref_slice %arg2[%arg1, %dma_start3A, %dma_start3A_22] : memref<16x79x128xi32, #tpu.memory_space<hbm>> -> memref<1x79x128xi32, #tpu.memory_space<hbm>>
        %dma_start3A_24 = tpu.memref_squeeze %dma_start3A_23 : memref<1x79x128xi32, #tpu.memory_space<hbm>> -> memref<79x128xi32, #tpu.memory_space<hbm>>
        %dma_start3A_25 = arith.constant 0 : i32
        %dma_start3A_26 = arith.constant 0 : i32
        %dma_start3A_27 = tpu.memref_slice %arg2[%arg1, %dma_start3A_25, %dma_start3A_26] : memref<16x79x128xi32, #tpu.memory_space<hbm>> -> memref<1x79x128xi32, #tpu.memory_space<hbm>>
        %dma_start3A_28 = tpu.memref_squeeze %dma_start3A_27 : memref<1x79x128xi32, #tpu.memory_space<hbm>> -> memref<79x128xi32, #tpu.memory_space<hbm>>
        tpu.enqueue_dma source(%dma_start3A_28 : memref<79x128xi32, #tpu.memory_space<hbm>>) target(%arg8 : memref<79x128xi32, #tpu.memory_space<vmem>>) target_semaphore(%run_scoped3A : memref<!tpu.dma_semaphore, #tpu.memory_space<semaphore_mem>>)
        %dma_wait3A = arith.constant 0 : i32
        %dma_wait3A_29 = arith.constant 0 : i32
        %dma_wait3A_30 = tpu.memref_slice %arg2[%arg1, %dma_wait3A, %dma_wait3A_29] : memref<16x79x128xi32, #tpu.memory_space<hbm>> -> memref<1x79x128xi32, #tpu.memory_space<hbm>>
        %dma_wait3A_31 = tpu.memref_squeeze %dma_wait3A_30 : memref<1x79x128xi32, #tpu.memory_space<hbm>> -> memref<79x128xi32, #tpu.memory_space<hbm>>
        %dma_wait3A_32 = arith.constant 0 : i32
        %dma_wait3A_33 = arith.constant 0 : i32
        %dma_wait3A_34 = tpu.memref_slice %arg2[%arg1, %dma_wait3A_32, %dma_wait3A_33] : memref<16x79x128xi32, #tpu.memory_space<hbm>> -> memref<1x79x128xi32, #tpu.memory_space<hbm>>
        %dma_wait3A_35 = tpu.memref_squeeze %dma_wait3A_34 : memref<1x79x128xi32, #tpu.memory_space<hbm>> -> memref<79x128xi32, #tpu.memory_space<hbm>>
        tpu.wait_dma2 semaphore(%run_scoped3A : memref<!tpu.dma_semaphore, #tpu.memory_space<semaphore_mem>>) src(%dma_wait3A_35 : memref<79x128xi32, #tpu.memory_space<hbm>>) dst(%arg8 : memref<79x128xi32, #tpu.memory_space<vmem>>)
        tpu.yield
      }) : () -> ()
      %scan3A = arith.constant 0 : i32
      %scan3A_8 = arith.constant 79 : i32
      %scan3A_9 = arith.addi %scan3A, %scan3A_8 : i32
      %scan3A_10 = arith.constant 1 : i32
      scf.for %scan3A_22 = %scan3A to %scan3A_9 step %scan3A_10  : i32 {
        %mul3A_23 = arith.constant 1 : i32
        %mul3A_24 = arith.muli %scan3A_22, %mul3A_23 : i32
        %add3A = arith.constant 0 : i32
        %add3A_25 = arith.addi %add3A, %mul3A_24 : i32
        "tpu.region"() ({
          %run_scoped3A = tpu.sem_alloc : memref<!tpu.dma_semaphore, #tpu.memory_space<semaphore_mem>>
          %dma_start3A = arith.constant 0 : i32
          %dma_start3A_26 = tpu.memref_slice %arg8[%add3A_25, %dma_start3A] : memref<79x128xi32, #tpu.memory_space<vmem>> -> memref<1x128xi32, #tpu.memory_space<vmem>>
          %dma_start3A_27 = tpu.memref_squeeze %dma_start3A_26 : memref<1x128xi32, #tpu.memory_space<vmem>> -> memref<128xi32, #tpu.memory_space<vmem>>
          %dma_start3A_28 = arith.constant 0 : i32
          %dma_start3A_29 = arith.constant 0 : i32
          %dma_start3A_30 = tpu.memref_slice %arg10[%dma_start3A_28, %dma_start3A_29] : memref<10112x128xf32, #tpu.memory_space<vmem_shared>> -> memref<10112x128xf32, #tpu.memory_space<vmem_shared>>
          tpu.enqueue_indirect_dma source(%arg9 : memref<128x128xf32, #tpu.memory_space<vmem>>) target(%dma_start3A_30 : memref<10112x128xf32, #tpu.memory_space<vmem_shared>>) offsets(%dma_start3A_27 : memref<128xi32, #tpu.memory_space<vmem>>) semaphore(%run_scoped3A : memref<!tpu.dma_semaphore, #tpu.memory_space<semaphore_mem>>) {add = true}
          %dma_wait3A = arith.constant 0 : i32
          %dma_wait3A_31 = tpu.memref_slice %arg8[%add3A_25, %dma_wait3A] : memref<79x128xi32, #tpu.memory_space<vmem>> -> memref<1x128xi32, #tpu.memory_space<vmem>>
          %dma_wait3A_32 = tpu.memref_squeeze %dma_wait3A_31 : memref<1x128xi32, #tpu.memory_space<vmem>> -> memref<128xi32, #tpu.memory_space<vmem>>
          %dma_wait3A_33 = arith.constant 0 : i32
          %dma_wait3A_34 = arith.constant 0 : i32
          %dma_wait3A_35 = tpu.memref_slice %arg10[%dma_wait3A_33, %dma_wait3A_34] : memref<10112x128xf32, #tpu.memory_space<vmem_shared>> -> memref<10112x128xf32, #tpu.memory_space<vmem_shared>>
          tpu.wait_indirect_dma semaphore(%run_scoped3A : memref<!tpu.dma_semaphore, #tpu.memory_space<semaphore_mem>>) src(%arg9 : memref<128x128xf32, #tpu.memory_space<vmem>>) dst(%dma_wait3A_35 : memref<10112x128xf32, #tpu.memory_space<vmem_shared>>)
          tpu.yield
        }) : () -> ()
      }
      %scan3A_11 = arith.constant 79 : i32
      %barrier3A_12 = arith.constant 0 : index
      tpu.barrier barrier_id(%barrier3A_12)
      %lt3A = arith.constant 15 : i32
      %lt3A_13 = arith.cmpi slt, %arg1, %lt3A : i32
      %convert_element_type3A_14 = arith.extui %lt3A_13 : i1 to i32
      %cond3A_15 = arith.constant 0 : i32
      %cond3A_16 = arith.cmpi ne, %convert_element_type3A_14, %cond3A_15 : i32
      scf.if %cond3A_16 {
        %mul3A_22 = arith.constant 632 : i32
        %mul3A_23 = arith.muli %arg1, %mul3A_22 : i32
        %multiple_of3A_24 = tpu.assume_multiple %mul3A_23, 8 : i32
        "tpu.region"() ({
          %run_scoped3A = tpu.sem_alloc : memref<!tpu.dma_semaphore, #tpu.memory_space<semaphore_mem>>
          %dma_start3A = arith.constant 0 : i32
          %dma_start3A_25 = tpu.memref_slice %arg6[%multiple_of3A_24, %dma_start3A] : memref<10000x128xf32, #tpu.memory_space<hbm>> -> memref<632x128xf32, #tpu.memory_space<hbm>>
          %dma_start3A_26 = arith.constant 0 : i32
          %dma_start3A_27 = tpu.memref_slice %arg10[%multiple_of3A_24, %dma_start3A_26] : memref<10112x128xf32, #tpu.memory_space<vmem_shared>> -> memref<632x128xf32, #tpu.memory_space<vmem_shared>>
          tpu.enqueue_dma source(%dma_start3A_27 : memref<632x128xf32, #tpu.memory_space<vmem_shared>>) target(%dma_start3A_25 : memref<632x128xf32, #tpu.memory_space<hbm>>) target_semaphore(%run_scoped3A : memref<!tpu.dma_semaphore, #tpu.memory_space<semaphore_mem>>)
          %dma_wait3A = arith.constant 0 : i32
          %dma_wait3A_28 = tpu.memref_slice %arg6[%multiple_of3A_24, %dma_wait3A] : memref<10000x128xf32, #tpu.memory_space<hbm>> -> memref<632x128xf32, #tpu.memory_space<hbm>>
          %dma_wait3A_29 = arith.constant 0 : i32
          %dma_wait3A_30 = tpu.memref_slice %arg10[%multiple_of3A_24, %dma_wait3A_29] : memref<10112x128xf32, #tpu.memory_space<vmem_shared>> -> memref<632x128xf32, #tpu.memory_space<vmem_shared>>
          tpu.wait_dma2 semaphore(%run_scoped3A : memref<!tpu.dma_semaphore, #tpu.memory_space<semaphore_mem>>) src(%dma_wait3A_30 : memref<632x128xf32, #tpu.memory_space<vmem_shared>>) dst(%dma_wait3A_28 : memref<632x128xf32, #tpu.memory_space<hbm>>)
          tpu.yield
        }) : () -> ()
      } else {
      }
      %eq3A_17 = arith.constant 15 : i32
      %eq3A_18 = arith.cmpi eq, %arg1, %eq3A_17 : i32
      %convert_element_type3A_19 = arith.extui %eq3A_18 : i1 to i32
      %cond3A_20 = arith.constant 0 : i32
      %cond3A_21 = arith.cmpi ne, %convert_element_type3A_19, %cond3A_20 : i32
      scf.if %cond3A_21 {
        "tpu.region"() ({
          %run_scoped3A = tpu.sem_alloc : memref<!tpu.dma_semaphore, #tpu.memory_space<semaphore_mem>>
          %dma_start3A = arith.constant 9480 : i32
          %dma_start3A_22 = arith.constant 0 : i32
          %dma_start3A_23 = tpu.memref_slice %arg6[%dma_start3A, %dma_start3A_22] : memref<10000x128xf32, #tpu.memory_space<hbm>> -> memref<520x128xf32, #tpu.memory_space<hbm>>
          %dma_start3A_24 = arith.constant 9480 : i32
          %dma_start3A_25 = arith.constant 0 : i32
          %dma_start3A_26 = tpu.memref_slice %arg10[%dma_start3A_24, %dma_start3A_25] : memref<10112x128xf32, #tpu.memory_space<vmem_shared>> -> memref<520x128xf32, #tpu.memory_space<vmem_shared>>
          tpu.enqueue_dma source(%dma_start3A_26 : memref<520x128xf32, #tpu.memory_space<vmem_shared>>) target(%dma_start3A_23 : memref<520x128xf32, #tpu.memory_space<hbm>>) target_semaphore(%run_scoped3A : memref<!tpu.dma_semaphore, #tpu.memory_space<semaphore_mem>>)
          %dma_wait3A = arith.constant 9480 : i32
          %dma_wait3A_27 = arith.constant 0 : i32
          %dma_wait3A_28 = tpu.memref_slice %arg6[%dma_wait3A, %dma_wait3A_27] : memref<10000x128xf32, #tpu.memory_space<hbm>> -> memref<520x128xf32, #tpu.memory_space<hbm>>
          %dma_wait3A_29 = arith.constant 9480 : i32
          %dma_wait3A_30 = arith.constant 0 : i32
          %dma_wait3A_31 = tpu.memref_slice %arg10[%dma_wait3A_29, %dma_wait3A_30] : memref<10112x128xf32, #tpu.memory_space<vmem_shared>> -> memref<520x128xf32, #tpu.memory_space<vmem_shared>>
          tpu.wait_dma2 semaphore(%run_scoped3A : memref<!tpu.dma_semaphore, #tpu.memory_space<semaphore_mem>>) src(%dma_wait3A_31 : memref<520x128xf32, #tpu.memory_space<vmem_shared>>) dst(%dma_wait3A_28 : memref<520x128xf32, #tpu.memory_space<hbm>>)
          tpu.yield
        }) : () -> ()
      } else {
      }
    } else {
    }
    %eq3A_3 = arith.constant 1 : i32
    %eq3A_4 = arith.cmpi eq, %arg0, %eq3A_3 : i32
    %convert_element_type3A_5 = arith.extui %eq3A_4 : i1 to i32
    %cond3A_6 = arith.constant 0 : i32
    %cond3A_7 = arith.cmpi ne, %convert_element_type3A_5, %cond3A_6 : i32
    scf.if %cond3A_7 {
      "tpu.region"() ({
        %run_scoped3A = tpu.sem_alloc : memref<!tpu.dma_semaphore, #tpu.memory_space<semaphore_mem>>
        %dma_start3A = arith.constant 0 : i32
        %dma_start3A_22 = arith.constant 0 : i32
        %dma_start3A_23 = tpu.memref_slice %arg3[%arg1, %dma_start3A, %dma_start3A_22] : memref<16x79x128xi32, #tpu.memory_space<hbm>> -> memref<1x79x128xi32, #tpu.memory_space<hbm>>
        %dma_start3A_24 = tpu.memref_squeeze %dma_start3A_23 : memref<1x79x128xi32, #tpu.memory_space<hbm>> -> memref<79x128xi32, #tpu.memory_space<hbm>>
        %dma_start3A_25 = arith.constant 0 : i32
        %dma_start3A_26 = arith.constant 0 : i32
        %dma_start3A_27 = tpu.memref_slice %arg3[%arg1, %dma_start3A_25, %dma_start3A_26] : memref<16x79x128xi32, #tpu.memory_space<hbm>> -> memref<1x79x128xi32, #tpu.memory_space<hbm>>
        %dma_start3A_28 = tpu.memref_squeeze %dma_start3A_27 : memref<1x79x128xi32, #tpu.memory_space<hbm>> -> memref<79x128xi32, #tpu.memory_space<hbm>>
        tpu.enqueue_dma source(%dma_start3A_28 : memref<79x128xi32, #tpu.memory_space<hbm>>) target(%arg8 : memref<79x128xi32, #tpu.memory_space<vmem>>) target_semaphore(%run_scoped3A : memref<!tpu.dma_semaphore, #tpu.memory_space<semaphore_mem>>)
        %dma_wait3A = arith.constant 0 : i32
        %dma_wait3A_29 = arith.constant 0 : i32
        %dma_wait3A_30 = tpu.memref_slice %arg3[%arg1, %dma_wait3A, %dma_wait3A_29] : memref<16x79x128xi32, #tpu.memory_space<hbm>> -> memref<1x79x128xi32, #tpu.memory_space<hbm>>
        %dma_wait3A_31 = tpu.memref_squeeze %dma_wait3A_30 : memref<1x79x128xi32, #tpu.memory_space<hbm>> -> memref<79x128xi32, #tpu.memory_space<hbm>>
        %dma_wait3A_32 = arith.constant 0 : i32
        %dma_wait3A_33 = arith.constant 0 : i32
        %dma_wait3A_34 = tpu.memref_slice %arg3[%arg1, %dma_wait3A_32, %dma_wait3A_33] : memref<16x79x128xi32, #tpu.memory_space<hbm>> -> memref<1x79x128xi32, #tpu.memory_space<hbm>>
        %dma_wait3A_35 = tpu.memref_squeeze %dma_wait3A_34 : memref<1x79x128xi32, #tpu.memory_space<hbm>> -> memref<79x128xi32, #tpu.memory_space<hbm>>
        tpu.wait_dma2 semaphore(%run_scoped3A : memref<!tpu.dma_semaphore, #tpu.memory_space<semaphore_mem>>) src(%dma_wait3A_35 : memref<79x128xi32, #tpu.memory_space<hbm>>) dst(%arg8 : memref<79x128xi32, #tpu.memory_space<vmem>>)
        tpu.yield
      }) : () -> ()
      %scan3A = arith.constant 0 : i32
      %scan3A_8 = arith.constant 79 : i32
      %scan3A_9 = arith.addi %scan3A, %scan3A_8 : i32
      %scan3A_10 = arith.constant 1 : i32
      scf.for %scan3A_22 = %scan3A to %scan3A_9 step %scan3A_10  : i32 {
        %mul3A_23 = arith.constant 1 : i32
        %mul3A_24 = arith.muli %scan3A_22, %mul3A_23 : i32
        %add3A = arith.constant 0 : i32
        %add3A_25 = arith.addi %add3A, %mul3A_24 : i32
        "tpu.region"() ({
          %run_scoped3A = tpu.sem_alloc : memref<!tpu.dma_semaphore, #tpu.memory_space<semaphore_mem>>
          %dma_start3A = arith.constant 0 : i32
          %dma_start3A_26 = tpu.memref_slice %arg8[%add3A_25, %dma_start3A] : memref<79x128xi32, #tpu.memory_space<vmem>> -> memref<1x128xi32, #tpu.memory_space<vmem>>
          %dma_start3A_27 = tpu.memref_squeeze %dma_start3A_26 : memref<1x128xi32, #tpu.memory_space<vmem>> -> memref<128xi32, #tpu.memory_space<vmem>>
          %dma_start3A_28 = arith.constant 0 : i32
          %dma_start3A_29 = arith.constant 0 : i32
          %dma_start3A_30 = tpu.memref_slice %arg10[%dma_start3A_28, %dma_start3A_29] : memref<10112x128xf32, #tpu.memory_space<vmem_shared>> -> memref<10112x128xf32, #tpu.memory_space<vmem_shared>>
          tpu.enqueue_indirect_dma source(%arg9 : memref<128x128xf32, #tpu.memory_space<vmem>>) target(%dma_start3A_30 : memref<10112x128xf32, #tpu.memory_space<vmem_shared>>) offsets(%dma_start3A_27 : memref<128xi32, #tpu.memory_space<vmem>>) semaphore(%run_scoped3A : memref<!tpu.dma_semaphore, #tpu.memory_space<semaphore_mem>>) {add = true}
          %dma_wait3A = arith.constant 0 : i32
          %dma_wait3A_31 = tpu.memref_slice %arg8[%add3A_25, %dma_wait3A] : memref<79x128xi32, #tpu.memory_space<vmem>> -> memref<1x128xi32, #tpu.memory_space<vmem>>
          %dma_wait3A_32 = tpu.memref_squeeze %dma_wait3A_31 : memref<1x128xi32, #tpu.memory_space<vmem>> -> memref<128xi32, #tpu.memory_space<vmem>>
          %dma_wait3A_33 = arith.constant 0 : i32
          %dma_wait3A_34 = arith.constant 0 : i32
          %dma_wait3A_35 = tpu.memref_slice %arg10[%dma_wait3A_33, %dma_wait3A_34] : memref<10112x128xf32, #tpu.memory_space<vmem_shared>> -> memref<10112x128xf32, #tpu.memory_space<vmem_shared>>
          tpu.wait_indirect_dma semaphore(%run_scoped3A : memref<!tpu.dma_semaphore, #tpu.memory_space<semaphore_mem>>) src(%arg9 : memref<128x128xf32, #tpu.memory_space<vmem>>) dst(%dma_wait3A_35 : memref<10112x128xf32, #tpu.memory_space<vmem_shared>>)
          tpu.yield
        }) : () -> ()
      }
      %scan3A_11 = arith.constant 79 : i32
      %barrier3A_12 = arith.constant 0 : index
      tpu.barrier barrier_id(%barrier3A_12)
      %lt3A = arith.constant 15 : i32
      %lt3A_13 = arith.cmpi slt, %arg1, %lt3A : i32
      %convert_element_type3A_14 = arith.extui %lt3A_13 : i1 to i32
      %cond3A_15 = arith.constant 0 : i32
      %cond3A_16 = arith.cmpi ne, %convert_element_type3A_14, %cond3A_15 : i32
      scf.if %cond3A_16 {
        %mul3A_22 = arith.constant 632 : i32
        %mul3A_23 = arith.muli %arg1, %mul3A_22 : i32
        %multiple_of3A_24 = tpu.assume_multiple %mul3A_23, 8 : i32
        "tpu.region"() ({
          %run_scoped3A = tpu.sem_alloc : memref<!tpu.dma_semaphore, #tpu.memory_space<semaphore_mem>>
          %dma_start3A = arith.constant 0 : i32
          %dma_start3A_25 = tpu.memref_slice %arg7[%multiple_of3A_24, %dma_start3A] : memref<10000x128xf32, #tpu.memory_space<hbm>> -> memref<632x128xf32, #tpu.memory_space<hbm>>
          %dma_start3A_26 = arith.constant 0 : i32
          %dma_start3A_27 = tpu.memref_slice %arg10[%multiple_of3A_24, %dma_start3A_26] : memref<10112x128xf32, #tpu.memory_space<vmem_shared>> -> memref<632x128xf32, #tpu.memory_space<vmem_shared>>
          tpu.enqueue_dma source(%dma_start3A_27 : memref<632x128xf32, #tpu.memory_space<vmem_shared>>) target(%dma_start3A_25 : memref<632x128xf32, #tpu.memory_space<hbm>>) target_semaphore(%run_scoped3A : memref<!tpu.dma_semaphore, #tpu.memory_space<semaphore_mem>>)
          %dma_wait3A = arith.constant 0 : i32
          %dma_wait3A_28 = tpu.memref_slice %arg7[%multiple_of3A_24, %dma_wait3A] : memref<10000x128xf32, #tpu.memory_space<hbm>> -> memref<632x128xf32, #tpu.memory_space<hbm>>
          %dma_wait3A_29 = arith.constant 0 : i32
          %dma_wait3A_30 = tpu.memref_slice %arg10[%multiple_of3A_24, %dma_wait3A_29] : memref<10112x128xf32, #tpu.memory_space<vmem_shared>> -> memref<632x128xf32, #tpu.memory_space<vmem_shared>>
          tpu.wait_dma2 semaphore(%run_scoped3A : memref<!tpu.dma_semaphore, #tpu.memory_space<semaphore_mem>>) src(%dma_wait3A_30 : memref<632x128xf32, #tpu.memory_space<vmem_shared>>) dst(%dma_wait3A_28 : memref<632x128xf32, #tpu.memory_space<hbm>>)
          tpu.yield
        }) : () -> ()
      } else {
      }
      %eq3A_17 = arith.constant 15 : i32
      %eq3A_18 = arith.cmpi eq, %arg1, %eq3A_17 : i32
      %convert_element_type3A_19 = arith.extui %eq3A_18 : i1 to i32
      %cond3A_20 = arith.constant 0 : i32
      %cond3A_21 = arith.cmpi ne, %convert_element_type3A_19, %cond3A_20 : i32
      scf.if %cond3A_21 {
        "tpu.region"() ({
          %run_scoped3A = tpu.sem_alloc : memref<!tpu.dma_semaphore, #tpu.memory_space<semaphore_mem>>
          %dma_start3A = arith.constant 9480 : i32
          %dma_start3A_22 = arith.constant 0 : i32
          %dma_start3A_23 = tpu.memref_slice %arg7[%dma_start3A, %dma_start3A_22] : memref<10000x128xf32, #tpu.memory_space<hbm>> -> memref<520x128xf32, #tpu.memory_space<hbm>>
          %dma_start3A_24 = arith.constant 9480 : i32
          %dma_start3A_25 = arith.constant 0 : i32
          %dma_start3A_26 = tpu.memref_slice %arg10[%dma_start3A_24, %dma_start3A_25] : memref<10112x128xf32, #tpu.memory_space<vmem_shared>> -> memref<520x128xf32, #tpu.memory_space<vmem_shared>>
          tpu.enqueue_dma source(%dma_start3A_26 : memref<520x128xf32, #tpu.memory_space<vmem_shared>>) target(%dma_start3A_23 : memref<520x128xf32, #tpu.memory_space<hbm>>) target_semaphore(%run_scoped3A : memref<!tpu.dma_semaphore, #tpu.memory_space<semaphore_mem>>)
          %dma_wait3A = arith.constant 9480 : i32
          %dma_wait3A_27 = arith.constant 0 : i32
          %dma_wait3A_28 = tpu.memref_slice %arg7[%dma_wait3A, %dma_wait3A_27] : memref<10000x128xf32, #tpu.memory_space<hbm>> -> memref<520x128xf32, #tpu.memory_space<hbm>>
          %dma_wait3A_29 = arith.constant 9480 : i32
          %dma_wait3A_30 = arith.constant 0 : i32
          %dma_wait3A_31 = tpu.memref_slice %arg10[%dma_wait3A_29, %dma_wait3A_30] : memref<10112x128xf32, #tpu.memory_space<vmem_shared>> -> memref<520x128xf32, #tpu.memory_space<vmem_shared>>
          tpu.wait_dma2 semaphore(%run_scoped3A : memref<!tpu.dma_semaphore, #tpu.memory_space<semaphore_mem>>) src(%dma_wait3A_31 : memref<520x128xf32, #tpu.memory_space<vmem_shared>>) dst(%dma_wait3A_28 : memref<520x128xf32, #tpu.memory_space<hbm>>)
          tpu.yield
        }) : () -> ()
      } else {
      }
    } else {
    }
    return
  }
}

#map = affine_map<(d0, d1) -> (0, 0, 0)>
#map1 = affine_map<(d0, d1) -> (0, 0)>
module attributes {stable_mosaic.version = 14 : i64} {
  func.func @agg_k(%arg0: i32, %arg1: i32, %arg2: memref<16x79x128xi32, #tpu.memory_space<hbm>>, %arg3: memref<16x79x128xi32, #tpu.memory_space<hbm>>, %arg4: memref<632x128xf32, #tpu.memory_space<hbm>>, %arg5: memref<10000x128xf32, #tpu.memory_space<hbm>>, %arg6: memref<10000x128xf32, #tpu.memory_space<hbm>>, %arg7: memref<10000x128xf32, #tpu.memory_space<hbm>>, %arg8: memref<10000x128xf32, #tpu.memory_space<hbm>>, %arg9: memref<10000x128xf32, #tpu.memory_space<hbm>>, %arg10: memref<10000x128xf32, #tpu.memory_space<hbm>>, %arg11: memref<10000x128xf32, #tpu.memory_space<hbm>>, %arg12: memref<10000x128xf32, #tpu.memory_space<hbm>>, %arg13: memref<79x128xi32, #tpu.memory_space<vmem>>, %arg14: memref<79x128xi32, #tpu.memory_space<vmem>>, %arg15: memref<128x128xf32, #tpu.memory_space<vmem>>, %arg16: memref<10112x128xf32, #tpu.memory_space<vmem_shared>>, %arg17: memref<!tpu.dma_semaphore, #tpu.memory_space<semaphore_mem>>) attributes {dimension_semantics = [#tpu.dimension_semantics<core_parallel>, #tpu.dimension_semantics<subcore_parallel>], iteration_bounds = array<i64: 2, 16>, scalar_prefetch = 0 : i64, scratch_operands = 5 : i64, tpu.core_type = #tpu.core_type<sc_vector_subcore>, window_params = [{transform_indices = #map}, {transform_indices = #map}, {transform_indices = #map1}, {transform_indices = #map1}, {transform_indices = #map1}, {transform_indices = #map1}, {transform_indices = #map1}, {transform_indices = #map1}, {transform_indices = #map1}, {transform_indices = #map1}, {transform_indices = #map1}]} {
    "tpu.region"() ({
      %run_scoped3A = tpu.sem_alloc : memref<!tpu.dma_semaphore, #tpu.memory_space<semaphore_mem>>
      %dma_start3A = arith.constant 0 : i32
      %dma_start3A_7 = arith.constant 0 : i32
      %dma_start3A_8 = tpu.memref_slice %arg2[%arg1, %dma_start3A, %dma_start3A_7] : memref<16x79x128xi32, #tpu.memory_space<hbm>> -> memref<1x79x128xi32, #tpu.memory_space<hbm>>
      %dma_start3A_9 = tpu.memref_squeeze %dma_start3A_8 : memref<1x79x128xi32, #tpu.memory_space<hbm>> -> memref<79x128xi32, #tpu.memory_space<hbm>>
      %dma_start3A_10 = arith.constant 0 : i32
      %dma_start3A_11 = arith.constant 0 : i32
      %dma_start3A_12 = tpu.memref_slice %arg2[%arg1, %dma_start3A_10, %dma_start3A_11] : memref<16x79x128xi32, #tpu.memory_space<hbm>> -> memref<1x79x128xi32, #tpu.memory_space<hbm>>
      %dma_start3A_13 = tpu.memref_squeeze %dma_start3A_12 : memref<1x79x128xi32, #tpu.memory_space<hbm>> -> memref<79x128xi32, #tpu.memory_space<hbm>>
      tpu.enqueue_dma source(%dma_start3A_13 : memref<79x128xi32, #tpu.memory_space<hbm>>) target(%arg13 : memref<79x128xi32, #tpu.memory_space<vmem>>) target_semaphore(%run_scoped3A : memref<!tpu.dma_semaphore, #tpu.memory_space<semaphore_mem>>)
      %dma_wait3A = arith.constant 0 : i32
      %dma_wait3A_14 = arith.constant 0 : i32
      %dma_wait3A_15 = tpu.memref_slice %arg2[%arg1, %dma_wait3A, %dma_wait3A_14] : memref<16x79x128xi32, #tpu.memory_space<hbm>> -> memref<1x79x128xi32, #tpu.memory_space<hbm>>
      %dma_wait3A_16 = tpu.memref_squeeze %dma_wait3A_15 : memref<1x79x128xi32, #tpu.memory_space<hbm>> -> memref<79x128xi32, #tpu.memory_space<hbm>>
      %dma_wait3A_17 = arith.constant 0 : i32
      %dma_wait3A_18 = arith.constant 0 : i32
      %dma_wait3A_19 = tpu.memref_slice %arg2[%arg1, %dma_wait3A_17, %dma_wait3A_18] : memref<16x79x128xi32, #tpu.memory_space<hbm>> -> memref<1x79x128xi32, #tpu.memory_space<hbm>>
      %dma_wait3A_20 = tpu.memref_squeeze %dma_wait3A_19 : memref<1x79x128xi32, #tpu.memory_space<hbm>> -> memref<79x128xi32, #tpu.memory_space<hbm>>
      tpu.wait_dma2 semaphore(%run_scoped3A : memref<!tpu.dma_semaphore, #tpu.memory_space<semaphore_mem>>) src(%dma_wait3A_20 : memref<79x128xi32, #tpu.memory_space<hbm>>) dst(%arg13 : memref<79x128xi32, #tpu.memory_space<vmem>>)
      tpu.yield
    }) : () -> ()
    "tpu.region"() ({
      %run_scoped3A = tpu.sem_alloc : memref<!tpu.dma_semaphore, #tpu.memory_space<semaphore_mem>>
      %dma_start3A = arith.constant 0 : i32
      %dma_start3A_7 = arith.constant 0 : i32
      %dma_start3A_8 = tpu.memref_slice %arg3[%arg1, %dma_start3A, %dma_start3A_7] : memref<16x79x128xi32, #tpu.memory_space<hbm>> -> memref<1x79x128xi32, #tpu.memory_space<hbm>>
      %dma_start3A_9 = tpu.memref_squeeze %dma_start3A_8 : memref<1x79x128xi32, #tpu.memory_space<hbm>> -> memref<79x128xi32, #tpu.memory_space<hbm>>
      %dma_start3A_10 = arith.constant 0 : i32
      %dma_start3A_11 = arith.constant 0 : i32
      %dma_start3A_12 = tpu.memref_slice %arg3[%arg1, %dma_start3A_10, %dma_start3A_11] : memref<16x79x128xi32, #tpu.memory_space<hbm>> -> memref<1x79x128xi32, #tpu.memory_space<hbm>>
      %dma_start3A_13 = tpu.memref_squeeze %dma_start3A_12 : memref<1x79x128xi32, #tpu.memory_space<hbm>> -> memref<79x128xi32, #tpu.memory_space<hbm>>
      tpu.enqueue_dma source(%dma_start3A_13 : memref<79x128xi32, #tpu.memory_space<hbm>>) target(%arg14 : memref<79x128xi32, #tpu.memory_space<vmem>>) target_semaphore(%run_scoped3A : memref<!tpu.dma_semaphore, #tpu.memory_space<semaphore_mem>>)
      %dma_wait3A = arith.constant 0 : i32
      %dma_wait3A_14 = arith.constant 0 : i32
      %dma_wait3A_15 = tpu.memref_slice %arg3[%arg1, %dma_wait3A, %dma_wait3A_14] : memref<16x79x128xi32, #tpu.memory_space<hbm>> -> memref<1x79x128xi32, #tpu.memory_space<hbm>>
      %dma_wait3A_16 = tpu.memref_squeeze %dma_wait3A_15 : memref<1x79x128xi32, #tpu.memory_space<hbm>> -> memref<79x128xi32, #tpu.memory_space<hbm>>
      %dma_wait3A_17 = arith.constant 0 : i32
      %dma_wait3A_18 = arith.constant 0 : i32
      %dma_wait3A_19 = tpu.memref_slice %arg3[%arg1, %dma_wait3A_17, %dma_wait3A_18] : memref<16x79x128xi32, #tpu.memory_space<hbm>> -> memref<1x79x128xi32, #tpu.memory_space<hbm>>
      %dma_wait3A_20 = tpu.memref_squeeze %dma_wait3A_19 : memref<1x79x128xi32, #tpu.memory_space<hbm>> -> memref<79x128xi32, #tpu.memory_space<hbm>>
      tpu.wait_dma2 semaphore(%run_scoped3A : memref<!tpu.dma_semaphore, #tpu.memory_space<semaphore_mem>>) src(%dma_wait3A_20 : memref<79x128xi32, #tpu.memory_space<hbm>>) dst(%arg14 : memref<79x128xi32, #tpu.memory_space<vmem>>)
      tpu.yield
    }) : () -> ()
    %eq3A = arith.constant 0 : i32
    %eq3A_0 = arith.cmpi eq, %arg0, %eq3A : i32
    %convert_element_type3A = arith.extui %eq3A_0 : i1 to i32
    %cond3A = arith.constant 0 : i32
    %cond3A_1 = arith.cmpi ne, %convert_element_type3A, %cond3A : i32
    scf.if %cond3A_1 {
      %mul3A = arith.constant 632 : i32
      %mul3A_7 = arith.muli %arg1, %mul3A : i32
      %multiple_of3A = tpu.assume_multiple %mul3A_7, 8 : i32
      "tpu.region"() ({
        %run_scoped3A = tpu.sem_alloc : memref<!tpu.dma_semaphore, #tpu.memory_space<semaphore_mem>>
        %dma_start3A = arith.constant 0 : i32
        %dma_start3A_44 = tpu.memref_slice %arg16[%multiple_of3A, %dma_start3A] : memref<10112x128xf32, #tpu.memory_space<vmem_shared>> -> memref<632x128xf32, #tpu.memory_space<vmem_shared>>
        tpu.enqueue_dma source(%arg4 : memref<632x128xf32, #tpu.memory_space<hbm>>) target(%dma_start3A_44 : memref<632x128xf32, #tpu.memory_space<vmem_shared>>) target_semaphore(%run_scoped3A : memref<!tpu.dma_semaphore, #tpu.memory_space<semaphore_mem>>)
        %dma_wait3A = arith.constant 0 : i32
        %dma_wait3A_45 = tpu.memref_slice %arg16[%multiple_of3A, %dma_wait3A] : memref<10112x128xf32, #tpu.memory_space<vmem_shared>> -> memref<632x128xf32, #tpu.memory_space<vmem_shared>>
        tpu.wait_dma2 semaphore(%run_scoped3A : memref<!tpu.dma_semaphore, #tpu.memory_space<semaphore_mem>>) src(%arg4 : memref<632x128xf32, #tpu.memory_space<hbm>>) dst(%dma_wait3A_45 : memref<632x128xf32, #tpu.memory_space<vmem_shared>>)
        tpu.yield
      }) : () -> ()
      %barrier3A = arith.constant 0 : index
      tpu.barrier barrier_id(%barrier3A)
      %scan3A = arith.constant 0 : i32
      %scan3A_8 = arith.constant 79 : i32
      %scan3A_9 = arith.addi %scan3A, %scan3A_8 : i32
      %scan3A_10 = arith.constant 1 : i32
      scf.for %scan3A_44 = %scan3A to %scan3A_9 step %scan3A_10  : i32 {
        %mul3A_45 = arith.constant 1 : i32
        %mul3A_46 = arith.muli %scan3A_44, %mul3A_45 : i32
        %add3A = arith.constant 0 : i32
        %add3A_47 = arith.addi %add3A, %mul3A_46 : i32
        %dma_start3A = arith.constant 0 : i32
        %dma_start3A_48 = tpu.memref_slice %arg13[%add3A_47, %dma_start3A] : memref<79x128xi32, #tpu.memory_space<vmem>> -> memref<1x128xi32, #tpu.memory_space<vmem>>
        %dma_start3A_49 = tpu.memref_squeeze %dma_start3A_48 : memref<1x128xi32, #tpu.memory_space<vmem>> -> memref<128xi32, #tpu.memory_space<vmem>>
        %dma_start3A_50 = arith.constant 0 : i32
        %dma_start3A_51 = arith.constant 0 : i32
        %dma_start3A_52 = tpu.memref_slice %arg5[%dma_start3A_50, %dma_start3A_51] : memref<10000x128xf32, #tpu.memory_space<hbm>> -> memref<10000x128xf32, #tpu.memory_space<hbm>>
        tpu.enqueue_indirect_dma source(%dma_start3A_52 : memref<10000x128xf32, #tpu.memory_space<hbm>>) target(%arg15 : memref<128x128xf32, #tpu.memory_space<vmem>>) offsets(%dma_start3A_49 : memref<128xi32, #tpu.memory_space<vmem>>) semaphore(%arg17 : memref<!tpu.dma_semaphore, #tpu.memory_space<semaphore_mem>>)
        %dma_wait3A = arith.constant 0 : i32
        %dma_wait3A_53 = tpu.memref_slice %arg13[%add3A_47, %dma_wait3A] : memref<79x128xi32, #tpu.memory_space<vmem>> -> memref<1x128xi32, #tpu.memory_space<vmem>>
        %dma_wait3A_54 = tpu.memref_squeeze %dma_wait3A_53 : memref<1x128xi32, #tpu.memory_space<vmem>> -> memref<128xi32, #tpu.memory_space<vmem>>
        %dma_wait3A_55 = arith.constant 0 : i32
        %dma_wait3A_56 = arith.constant 0 : i32
        %dma_wait3A_57 = tpu.memref_slice %arg5[%dma_wait3A_55, %dma_wait3A_56] : memref<10000x128xf32, #tpu.memory_space<hbm>> -> memref<10000x128xf32, #tpu.memory_space<hbm>>
        tpu.wait_indirect_dma semaphore(%arg17 : memref<!tpu.dma_semaphore, #tpu.memory_space<semaphore_mem>>) src(%dma_wait3A_57 : memref<10000x128xf32, #tpu.memory_space<hbm>>) dst(%arg15 : memref<128x128xf32, #tpu.memory_space<vmem>>)
        "tpu.region"() ({
          %run_scoped3A = tpu.sem_alloc : memref<!tpu.dma_semaphore, #tpu.memory_space<semaphore_mem>>
          %dma_start3A_58 = arith.constant 0 : i32
          %dma_start3A_59 = tpu.memref_slice %arg14[%add3A_47, %dma_start3A_58] : memref<79x128xi32, #tpu.memory_space<vmem>> -> memref<1x128xi32, #tpu.memory_space<vmem>>
          %dma_start3A_60 = tpu.memref_squeeze %dma_start3A_59 : memref<1x128xi32, #tpu.memory_space<vmem>> -> memref<128xi32, #tpu.memory_space<vmem>>
          %dma_start3A_61 = arith.constant 0 : i32
          %dma_start3A_62 = arith.constant 0 : i32
          %dma_start3A_63 = tpu.memref_slice %arg16[%dma_start3A_61, %dma_start3A_62] : memref<10112x128xf32, #tpu.memory_space<vmem_shared>> -> memref<10112x128xf32, #tpu.memory_space<vmem_shared>>
          tpu.enqueue_indirect_dma source(%arg15 : memref<128x128xf32, #tpu.memory_space<vmem>>) target(%dma_start3A_63 : memref<10112x128xf32, #tpu.memory_space<vmem_shared>>) offsets(%dma_start3A_60 : memref<128xi32, #tpu.memory_space<vmem>>) semaphore(%run_scoped3A : memref<!tpu.dma_semaphore, #tpu.memory_space<semaphore_mem>>) {add = true}
          %dma_wait3A_64 = arith.constant 0 : i32
          %dma_wait3A_65 = tpu.memref_slice %arg14[%add3A_47, %dma_wait3A_64] : memref<79x128xi32, #tpu.memory_space<vmem>> -> memref<1x128xi32, #tpu.memory_space<vmem>>
          %dma_wait3A_66 = tpu.memref_squeeze %dma_wait3A_65 : memref<1x128xi32, #tpu.memory_space<vmem>> -> memref<128xi32, #tpu.memory_space<vmem>>
          %dma_wait3A_67 = arith.constant 0 : i32
          %dma_wait3A_68 = arith.constant 0 : i32
          %dma_wait3A_69 = tpu.memref_slice %arg16[%dma_wait3A_67, %dma_wait3A_68] : memref<10112x128xf32, #tpu.memory_space<vmem_shared>> -> memref<10112x128xf32, #tpu.memory_space<vmem_shared>>
          tpu.wait_indirect_dma semaphore(%run_scoped3A : memref<!tpu.dma_semaphore, #tpu.memory_space<semaphore_mem>>) src(%arg15 : memref<128x128xf32, #tpu.memory_space<vmem>>) dst(%dma_wait3A_69 : memref<10112x128xf32, #tpu.memory_space<vmem_shared>>)
          tpu.yield
        }) : () -> ()
      }
      %scan3A_11 = arith.constant 79 : i32
      %barrier3A_12 = arith.constant 0 : index
      tpu.barrier barrier_id(%barrier3A_12)
      %lt3A = arith.constant 15 : i32
      %lt3A_13 = arith.cmpi slt, %arg1, %lt3A : i32
      %convert_element_type3A_14 = arith.extui %lt3A_13 : i1 to i32
      %cond3A_15 = arith.constant 0 : i32
      %cond3A_16 = arith.cmpi ne, %convert_element_type3A_14, %cond3A_15 : i32
      scf.if %cond3A_16 {
        %mul3A_44 = arith.constant 632 : i32
        %mul3A_45 = arith.muli %arg1, %mul3A_44 : i32
        %multiple_of3A_46 = tpu.assume_multiple %mul3A_45, 8 : i32
        "tpu.region"() ({
          %run_scoped3A = tpu.sem_alloc : memref<!tpu.dma_semaphore, #tpu.memory_space<semaphore_mem>>
          %dma_start3A = arith.constant 0 : i32
          %dma_start3A_47 = tpu.memref_slice %arg9[%multiple_of3A_46, %dma_start3A] : memref<10000x128xf32, #tpu.memory_space<hbm>> -> memref<632x128xf32, #tpu.memory_space<hbm>>
          %dma_start3A_48 = arith.constant 0 : i32
          %dma_start3A_49 = tpu.memref_slice %arg16[%multiple_of3A_46, %dma_start3A_48] : memref<10112x128xf32, #tpu.memory_space<vmem_shared>> -> memref<632x128xf32, #tpu.memory_space<vmem_shared>>
          tpu.enqueue_dma source(%dma_start3A_49 : memref<632x128xf32, #tpu.memory_space<vmem_shared>>) target(%dma_start3A_47 : memref<632x128xf32, #tpu.memory_space<hbm>>) target_semaphore(%run_scoped3A : memref<!tpu.dma_semaphore, #tpu.memory_space<semaphore_mem>>)
          %dma_wait3A = arith.constant 0 : i32
          %dma_wait3A_50 = tpu.memref_slice %arg9[%multiple_of3A_46, %dma_wait3A] : memref<10000x128xf32, #tpu.memory_space<hbm>> -> memref<632x128xf32, #tpu.memory_space<hbm>>
          %dma_wait3A_51 = arith.constant 0 : i32
          %dma_wait3A_52 = tpu.memref_slice %arg16[%multiple_of3A_46, %dma_wait3A_51] : memref<10112x128xf32, #tpu.memory_space<vmem_shared>> -> memref<632x128xf32, #tpu.memory_space<vmem_shared>>
          tpu.wait_dma2 semaphore(%run_scoped3A : memref<!tpu.dma_semaphore, #tpu.memory_space<semaphore_mem>>) src(%dma_wait3A_52 : memref<632x128xf32, #tpu.memory_space<vmem_shared>>) dst(%dma_wait3A_50 : memref<632x128xf32, #tpu.memory_space<hbm>>)
          tpu.yield
        }) : () -> ()
      } else {
      }
      %eq3A_17 = arith.constant 15 : i32
      %eq3A_18 = arith.cmpi eq, %arg1, %eq3A_17 : i32
      %convert_element_type3A_19 = arith.extui %eq3A_18 : i1 to i32
      %cond3A_20 = arith.constant 0 : i32
      %cond3A_21 = arith.cmpi ne, %convert_element_type3A_19, %cond3A_20 : i32
      scf.if %cond3A_21 {
        "tpu.region"() ({
          %run_scoped3A = tpu.sem_alloc : memref<!tpu.dma_semaphore, #tpu.memory_space<semaphore_mem>>
          %dma_start3A = arith.constant 9480 : i32
          %dma_start3A_44 = arith.constant 0 : i32
          %dma_start3A_45 = tpu.memref_slice %arg9[%dma_start3A, %dma_start3A_44] : memref<10000x128xf32, #tpu.memory_space<hbm>> -> memref<520x128xf32, #tpu.memory_space<hbm>>
          %dma_start3A_46 = arith.constant 9480 : i32
          %dma_start3A_47 = arith.constant 0 : i32
          %dma_start3A_48 = tpu.memref_slice %arg16[%dma_start3A_46, %dma_start3A_47] : memref<10112x128xf32, #tpu.memory_space<vmem_shared>> -> memref<520x128xf32, #tpu.memory_space<vmem_shared>>
          tpu.enqueue_dma source(%dma_start3A_48 : memref<520x128xf32, #tpu.memory_space<vmem_shared>>) target(%dma_start3A_45 : memref<520x128xf32, #tpu.memory_space<hbm>>) target_semaphore(%run_scoped3A : memref<!tpu.dma_semaphore, #tpu.memory_space<semaphore_mem>>)
          %dma_wait3A = arith.constant 9480 : i32
          %dma_wait3A_49 = arith.constant 0 : i32
          %dma_wait3A_50 = tpu.memref_slice %arg9[%dma_wait3A, %dma_wait3A_49] : memref<10000x128xf32, #tpu.memory_space<hbm>> -> memref<520x128xf32, #tpu.memory_space<hbm>>
          %dma_wait3A_51 = arith.constant 9480 : i32
          %dma_wait3A_52 = arith.constant 0 : i32
          %dma_wait3A_53 = tpu.memref_slice %arg16[%dma_wait3A_51, %dma_wait3A_52] : memref<10112x128xf32, #tpu.memory_space<vmem_shared>> -> memref<520x128xf32, #tpu.memory_space<vmem_shared>>
          tpu.wait_dma2 semaphore(%run_scoped3A : memref<!tpu.dma_semaphore, #tpu.memory_space<semaphore_mem>>) src(%dma_wait3A_53 : memref<520x128xf32, #tpu.memory_space<vmem_shared>>) dst(%dma_wait3A_50 : memref<520x128xf32, #tpu.memory_space<hbm>>)
          tpu.yield
        }) : () -> ()
      } else {
      }
      %barrier3A_22 = arith.constant 0 : index
      tpu.barrier barrier_id(%barrier3A_22)
      %mul3A_23 = arith.constant 632 : i32
      %mul3A_24 = arith.muli %arg1, %mul3A_23 : i32
      %multiple_of3A_25 = tpu.assume_multiple %mul3A_24, 8 : i32
      "tpu.region"() ({
        %run_scoped3A = tpu.sem_alloc : memref<!tpu.dma_semaphore, #tpu.memory_space<semaphore_mem>>
        %dma_start3A = arith.constant 0 : i32
        %dma_start3A_44 = tpu.memref_slice %arg16[%multiple_of3A_25, %dma_start3A] : memref<10112x128xf32, #tpu.memory_space<vmem_shared>> -> memref<632x128xf32, #tpu.memory_space<vmem_shared>>
        tpu.enqueue_dma source(%arg4 : memref<632x128xf32, #tpu.memory_space<hbm>>) target(%dma_start3A_44 : memref<632x128xf32, #tpu.memory_space<vmem_shared>>) target_semaphore(%run_scoped3A : memref<!tpu.dma_semaphore, #tpu.memory_space<semaphore_mem>>)
        %dma_wait3A = arith.constant 0 : i32
        %dma_wait3A_45 = tpu.memref_slice %arg16[%multiple_of3A_25, %dma_wait3A] : memref<10112x128xf32, #tpu.memory_space<vmem_shared>> -> memref<632x128xf32, #tpu.memory_space<vmem_shared>>
        tpu.wait_dma2 semaphore(%run_scoped3A : memref<!tpu.dma_semaphore, #tpu.memory_space<semaphore_mem>>) src(%arg4 : memref<632x128xf32, #tpu.memory_space<hbm>>) dst(%dma_wait3A_45 : memref<632x128xf32, #tpu.memory_space<vmem_shared>>)
        tpu.yield
      }) : () -> ()
      %barrier3A_26 = arith.constant 0 : index
      tpu.barrier barrier_id(%barrier3A_26)
      %scan3A_27 = arith.constant 0 : i32
      %scan3A_28 = arith.constant 79 : i32
      %scan3A_29 = arith.addi %scan3A_27, %scan3A_28 : i32
      %scan3A_30 = arith.constant 1 : i32
      scf.for %scan3A_44 = %scan3A_27 to %scan3A_29 step %scan3A_30  : i32 {
        %mul3A_45 = arith.constant 1 : i32
        %mul3A_46 = arith.muli %scan3A_44, %mul3A_45 : i32
        %add3A = arith.constant 0 : i32
        %add3A_47 = arith.addi %add3A, %mul3A_46 : i32
        %dma_start3A = arith.constant 0 : i32
        %dma_start3A_48 = tpu.memref_slice %arg13[%add3A_47, %dma_start3A] : memref<79x128xi32, #tpu.memory_space<vmem>> -> memref<1x128xi32, #tpu.memory_space<vmem>>
        %dma_start3A_49 = tpu.memref_squeeze %dma_start3A_48 : memref<1x128xi32, #tpu.memory_space<vmem>> -> memref<128xi32, #tpu.memory_space<vmem>>
        %dma_start3A_50 = arith.constant 0 : i32
        %dma_start3A_51 = arith.constant 0 : i32
        %dma_start3A_52 = tpu.memref_slice %arg7[%dma_start3A_50, %dma_start3A_51] : memref<10000x128xf32, #tpu.memory_space<hbm>> -> memref<10000x128xf32, #tpu.memory_space<hbm>>
        tpu.enqueue_indirect_dma source(%dma_start3A_52 : memref<10000x128xf32, #tpu.memory_space<hbm>>) target(%arg15 : memref<128x128xf32, #tpu.memory_space<vmem>>) offsets(%dma_start3A_49 : memref<128xi32, #tpu.memory_space<vmem>>) semaphore(%arg17 : memref<!tpu.dma_semaphore, #tpu.memory_space<semaphore_mem>>)
        %dma_wait3A = arith.constant 0 : i32
        %dma_wait3A_53 = tpu.memref_slice %arg13[%add3A_47, %dma_wait3A] : memref<79x128xi32, #tpu.memory_space<vmem>> -> memref<1x128xi32, #tpu.memory_space<vmem>>
        %dma_wait3A_54 = tpu.memref_squeeze %dma_wait3A_53 : memref<1x128xi32, #tpu.memory_space<vmem>> -> memref<128xi32, #tpu.memory_space<vmem>>
        %dma_wait3A_55 = arith.constant 0 : i32
        %dma_wait3A_56 = arith.constant 0 : i32
        %dma_wait3A_57 = tpu.memref_slice %arg7[%dma_wait3A_55, %dma_wait3A_56] : memref<10000x128xf32, #tpu.memory_space<hbm>> -> memref<10000x128xf32, #tpu.memory_space<hbm>>
        tpu.wait_indirect_dma semaphore(%arg17 : memref<!tpu.dma_semaphore, #tpu.memory_space<semaphore_mem>>) src(%dma_wait3A_57 : memref<10000x128xf32, #tpu.memory_space<hbm>>) dst(%arg15 : memref<128x128xf32, #tpu.memory_space<vmem>>)
        "tpu.region"() ({
          %run_scoped3A = tpu.sem_alloc : memref<!tpu.dma_semaphore, #tpu.memory_space<semaphore_mem>>
          %dma_start3A_58 = arith.constant 0 : i32
          %dma_start3A_59 = tpu.memref_slice %arg14[%add3A_47, %dma_start3A_58] : memref<79x128xi32, #tpu.memory_space<vmem>> -> memref<1x128xi32, #tpu.memory_space<vmem>>
          %dma_start3A_60 = tpu.memref_squeeze %dma_start3A_59 : memref<1x128xi32, #tpu.memory_space<vmem>> -> memref<128xi32, #tpu.memory_space<vmem>>
          %dma_start3A_61 = arith.constant 0 : i32
          %dma_start3A_62 = arith.constant 0 : i32
          %dma_start3A_63 = tpu.memref_slice %arg16[%dma_start3A_61, %dma_start3A_62] : memref<10112x128xf32, #tpu.memory_space<vmem_shared>> -> memref<10112x128xf32, #tpu.memory_space<vmem_shared>>
          tpu.enqueue_indirect_dma source(%arg15 : memref<128x128xf32, #tpu.memory_space<vmem>>) target(%dma_start3A_63 : memref<10112x128xf32, #tpu.memory_space<vmem_shared>>) offsets(%dma_start3A_60 : memref<128xi32, #tpu.memory_space<vmem>>) semaphore(%run_scoped3A : memref<!tpu.dma_semaphore, #tpu.memory_space<semaphore_mem>>) {add = true}
          %dma_wait3A_64 = arith.constant 0 : i32
          %dma_wait3A_65 = tpu.memref_slice %arg14[%add3A_47, %dma_wait3A_64] : memref<79x128xi32, #tpu.memory_space<vmem>> -> memref<1x128xi32, #tpu.memory_space<vmem>>
          %dma_wait3A_66 = tpu.memref_squeeze %dma_wait3A_65 : memref<1x128xi32, #tpu.memory_space<vmem>> -> memref<128xi32, #tpu.memory_space<vmem>>
          %dma_wait3A_67 = arith.constant 0 : i32
          %dma_wait3A_68 = arith.constant 0 : i32
          %dma_wait3A_69 = tpu.memref_slice %arg16[%dma_wait3A_67, %dma_wait3A_68] : memref<10112x128xf32, #tpu.memory_space<vmem_shared>> -> memref<10112x128xf32, #tpu.memory_space<vmem_shared>>
          tpu.wait_indirect_dma semaphore(%run_scoped3A : memref<!tpu.dma_semaphore, #tpu.memory_space<semaphore_mem>>) src(%arg15 : memref<128x128xf32, #tpu.memory_space<vmem>>) dst(%dma_wait3A_69 : memref<10112x128xf32, #tpu.memory_space<vmem_shared>>)
          tpu.yield
        }) : () -> ()
      }
      %scan3A_31 = arith.constant 79 : i32
      %barrier3A_32 = arith.constant 0 : index
      tpu.barrier barrier_id(%barrier3A_32)
      %lt3A_33 = arith.constant 15 : i32
      %lt3A_34 = arith.cmpi slt, %arg1, %lt3A_33 : i32
      %convert_element_type3A_35 = arith.extui %lt3A_34 : i1 to i32
      %cond3A_36 = arith.constant 0 : i32
      %cond3A_37 = arith.cmpi ne, %convert_element_type3A_35, %cond3A_36 : i32
      scf.if %cond3A_37 {
        %mul3A_44 = arith.constant 632 : i32
        %mul3A_45 = arith.muli %arg1, %mul3A_44 : i32
        %multiple_of3A_46 = tpu.assume_multiple %mul3A_45, 8 : i32
        "tpu.region"() ({
          %run_scoped3A = tpu.sem_alloc : memref<!tpu.dma_semaphore, #tpu.memory_space<semaphore_mem>>
          %dma_start3A = arith.constant 0 : i32
          %dma_start3A_47 = tpu.memref_slice %arg11[%multiple_of3A_46, %dma_start3A] : memref<10000x128xf32, #tpu.memory_space<hbm>> -> memref<632x128xf32, #tpu.memory_space<hbm>>
          %dma_start3A_48 = arith.constant 0 : i32
          %dma_start3A_49 = tpu.memref_slice %arg16[%multiple_of3A_46, %dma_start3A_48] : memref<10112x128xf32, #tpu.memory_space<vmem_shared>> -> memref<632x128xf32, #tpu.memory_space<vmem_shared>>
          tpu.enqueue_dma source(%dma_start3A_49 : memref<632x128xf32, #tpu.memory_space<vmem_shared>>) target(%dma_start3A_47 : memref<632x128xf32, #tpu.memory_space<hbm>>) target_semaphore(%run_scoped3A : memref<!tpu.dma_semaphore, #tpu.memory_space<semaphore_mem>>)
          %dma_wait3A = arith.constant 0 : i32
          %dma_wait3A_50 = tpu.memref_slice %arg11[%multiple_of3A_46, %dma_wait3A] : memref<10000x128xf32, #tpu.memory_space<hbm>> -> memref<632x128xf32, #tpu.memory_space<hbm>>
          %dma_wait3A_51 = arith.constant 0 : i32
          %dma_wait3A_52 = tpu.memref_slice %arg16[%multiple_of3A_46, %dma_wait3A_51] : memref<10112x128xf32, #tpu.memory_space<vmem_shared>> -> memref<632x128xf32, #tpu.memory_space<vmem_shared>>
          tpu.wait_dma2 semaphore(%run_scoped3A : memref<!tpu.dma_semaphore, #tpu.memory_space<semaphore_mem>>) src(%dma_wait3A_52 : memref<632x128xf32, #tpu.memory_space<vmem_shared>>) dst(%dma_wait3A_50 : memref<632x128xf32, #tpu.memory_space<hbm>>)
          tpu.yield
        }) : () -> ()
      } else {
      }
      %eq3A_38 = arith.constant 15 : i32
      %eq3A_39 = arith.cmpi eq, %arg1, %eq3A_38 : i32
      %convert_element_type3A_40 = arith.extui %eq3A_39 : i1 to i32
      %cond3A_41 = arith.constant 0 : i32
      %cond3A_42 = arith.cmpi ne, %convert_element_type3A_40, %cond3A_41 : i32
      scf.if %cond3A_42 {
        "tpu.region"() ({
          %run_scoped3A = tpu.sem_alloc : memref<!tpu.dma_semaphore, #tpu.memory_space<semaphore_mem>>
          %dma_start3A = arith.constant 9480 : i32
          %dma_start3A_44 = arith.constant 0 : i32
          %dma_start3A_45 = tpu.memref_slice %arg11[%dma_start3A, %dma_start3A_44] : memref<10000x128xf32, #tpu.memory_space<hbm>> -> memref<520x128xf32, #tpu.memory_space<hbm>>
          %dma_start3A_46 = arith.constant 9480 : i32
          %dma_start3A_47 = arith.constant 0 : i32
          %dma_start3A_48 = tpu.memref_slice %arg16[%dma_start3A_46, %dma_start3A_47] : memref<10112x128xf32, #tpu.memory_space<vmem_shared>> -> memref<520x128xf32, #tpu.memory_space<vmem_shared>>
          tpu.enqueue_dma source(%dma_start3A_48 : memref<520x128xf32, #tpu.memory_space<vmem_shared>>) target(%dma_start3A_45 : memref<520x128xf32, #tpu.memory_space<hbm>>) target_semaphore(%run_scoped3A : memref<!tpu.dma_semaphore, #tpu.memory_space<semaphore_mem>>)
          %dma_wait3A = arith.constant 9480 : i32
          %dma_wait3A_49 = arith.constant 0 : i32
          %dma_wait3A_50 = tpu.memref_slice %arg11[%dma_wait3A, %dma_wait3A_49] : memref<10000x128xf32, #tpu.memory_space<hbm>> -> memref<520x128xf32, #tpu.memory_space<hbm>>
          %dma_wait3A_51 = arith.constant 9480 : i32
          %dma_wait3A_52 = arith.constant 0 : i32
          %dma_wait3A_53 = tpu.memref_slice %arg16[%dma_wait3A_51, %dma_wait3A_52] : memref<10112x128xf32, #tpu.memory_space<vmem_shared>> -> memref<520x128xf32, #tpu.memory_space<vmem_shared>>
          tpu.wait_dma2 semaphore(%run_scoped3A : memref<!tpu.dma_semaphore, #tpu.memory_space<semaphore_mem>>) src(%dma_wait3A_53 : memref<520x128xf32, #tpu.memory_space<vmem_shared>>) dst(%dma_wait3A_50 : memref<520x128xf32, #tpu.memory_space<hbm>>)
          tpu.yield
        }) : () -> ()
      } else {
      }
      %barrier3A_43 = arith.constant 0 : index
      tpu.barrier barrier_id(%barrier3A_43)
    } else {
    }
    %eq3A_2 = arith.constant 1 : i32
    %eq3A_3 = arith.cmpi eq, %arg0, %eq3A_2 : i32
    %convert_element_type3A_4 = arith.extui %eq3A_3 : i1 to i32
    %cond3A_5 = arith.constant 0 : i32
    %cond3A_6 = arith.cmpi ne, %convert_element_type3A_4, %cond3A_5 : i32
    scf.if %cond3A_6 {
      %mul3A = arith.constant 632 : i32
      %mul3A_7 = arith.muli %arg1, %mul3A : i32
      %multiple_of3A = tpu.assume_multiple %mul3A_7, 8 : i32
      "tpu.region"() ({
        %run_scoped3A = tpu.sem_alloc : memref<!tpu.dma_semaphore, #tpu.memory_space<semaphore_mem>>
        %dma_start3A = arith.constant 0 : i32
        %dma_start3A_44 = tpu.memref_slice %arg16[%multiple_of3A, %dma_start3A] : memref<10112x128xf32, #tpu.memory_space<vmem_shared>> -> memref<632x128xf32, #tpu.memory_space<vmem_shared>>
        tpu.enqueue_dma source(%arg4 : memref<632x128xf32, #tpu.memory_space<hbm>>) target(%dma_start3A_44 : memref<632x128xf32, #tpu.memory_space<vmem_shared>>) target_semaphore(%run_scoped3A : memref<!tpu.dma_semaphore, #tpu.memory_space<semaphore_mem>>)
        %dma_wait3A = arith.constant 0 : i32
        %dma_wait3A_45 = tpu.memref_slice %arg16[%multiple_of3A, %dma_wait3A] : memref<10112x128xf32, #tpu.memory_space<vmem_shared>> -> memref<632x128xf32, #tpu.memory_space<vmem_shared>>
        tpu.wait_dma2 semaphore(%run_scoped3A : memref<!tpu.dma_semaphore, #tpu.memory_space<semaphore_mem>>) src(%arg4 : memref<632x128xf32, #tpu.memory_space<hbm>>) dst(%dma_wait3A_45 : memref<632x128xf32, #tpu.memory_space<vmem_shared>>)
        tpu.yield
      }) : () -> ()
      %barrier3A = arith.constant 0 : index
      tpu.barrier barrier_id(%barrier3A)
      %scan3A = arith.constant 0 : i32
      %scan3A_8 = arith.constant 79 : i32
      %scan3A_9 = arith.addi %scan3A, %scan3A_8 : i32
      %scan3A_10 = arith.constant 1 : i32
      scf.for %scan3A_44 = %scan3A to %scan3A_9 step %scan3A_10  : i32 {
        %mul3A_45 = arith.constant 1 : i32
        %mul3A_46 = arith.muli %scan3A_44, %mul3A_45 : i32
        %add3A = arith.constant 0 : i32
        %add3A_47 = arith.addi %add3A, %mul3A_46 : i32
        %dma_start3A = arith.constant 0 : i32
        %dma_start3A_48 = tpu.memref_slice %arg13[%add3A_47, %dma_start3A] : memref<79x128xi32, #tpu.memory_space<vmem>> -> memref<1x128xi32, #tpu.memory_space<vmem>>
        %dma_start3A_49 = tpu.memref_squeeze %dma_start3A_48 : memref<1x128xi32, #tpu.memory_space<vmem>> -> memref<128xi32, #tpu.memory_space<vmem>>
        %dma_start3A_50 = arith.constant 0 : i32
        %dma_start3A_51 = arith.constant 0 : i32
        %dma_start3A_52 = tpu.memref_slice %arg6[%dma_start3A_50, %dma_start3A_51] : memref<10000x128xf32, #tpu.memory_space<hbm>> -> memref<10000x128xf32, #tpu.memory_space<hbm>>
        tpu.enqueue_indirect_dma source(%dma_start3A_52 : memref<10000x128xf32, #tpu.memory_space<hbm>>) target(%arg15 : memref<128x128xf32, #tpu.memory_space<vmem>>) offsets(%dma_start3A_49 : memref<128xi32, #tpu.memory_space<vmem>>) semaphore(%arg17 : memref<!tpu.dma_semaphore, #tpu.memory_space<semaphore_mem>>)
        %dma_wait3A = arith.constant 0 : i32
        %dma_wait3A_53 = tpu.memref_slice %arg13[%add3A_47, %dma_wait3A] : memref<79x128xi32, #tpu.memory_space<vmem>> -> memref<1x128xi32, #tpu.memory_space<vmem>>
        %dma_wait3A_54 = tpu.memref_squeeze %dma_wait3A_53 : memref<1x128xi32, #tpu.memory_space<vmem>> -> memref<128xi32, #tpu.memory_space<vmem>>
        %dma_wait3A_55 = arith.constant 0 : i32
        %dma_wait3A_56 = arith.constant 0 : i32
        %dma_wait3A_57 = tpu.memref_slice %arg6[%dma_wait3A_55, %dma_wait3A_56] : memref<10000x128xf32, #tpu.memory_space<hbm>> -> memref<10000x128xf32, #tpu.memory_space<hbm>>
        tpu.wait_indirect_dma semaphore(%arg17 : memref<!tpu.dma_semaphore, #tpu.memory_space<semaphore_mem>>) src(%dma_wait3A_57 : memref<10000x128xf32, #tpu.memory_space<hbm>>) dst(%arg15 : memref<128x128xf32, #tpu.memory_space<vmem>>)
        "tpu.region"() ({
          %run_scoped3A = tpu.sem_alloc : memref<!tpu.dma_semaphore, #tpu.memory_space<semaphore_mem>>
          %dma_start3A_58 = arith.constant 0 : i32
          %dma_start3A_59 = tpu.memref_slice %arg14[%add3A_47, %dma_start3A_58] : memref<79x128xi32, #tpu.memory_space<vmem>> -> memref<1x128xi32, #tpu.memory_space<vmem>>
          %dma_start3A_60 = tpu.memref_squeeze %dma_start3A_59 : memref<1x128xi32, #tpu.memory_space<vmem>> -> memref<128xi32, #tpu.memory_space<vmem>>
          %dma_start3A_61 = arith.constant 0 : i32
          %dma_start3A_62 = arith.constant 0 : i32
          %dma_start3A_63 = tpu.memref_slice %arg16[%dma_start3A_61, %dma_start3A_62] : memref<10112x128xf32, #tpu.memory_space<vmem_shared>> -> memref<10112x128xf32, #tpu.memory_space<vmem_shared>>
          tpu.enqueue_indirect_dma source(%arg15 : memref<128x128xf32, #tpu.memory_space<vmem>>) target(%dma_start3A_63 : memref<10112x128xf32, #tpu.memory_space<vmem_shared>>) offsets(%dma_start3A_60 : memref<128xi32, #tpu.memory_space<vmem>>) semaphore(%run_scoped3A : memref<!tpu.dma_semaphore, #tpu.memory_space<semaphore_mem>>) {add = true}
          %dma_wait3A_64 = arith.constant 0 : i32
          %dma_wait3A_65 = tpu.memref_slice %arg14[%add3A_47, %dma_wait3A_64] : memref<79x128xi32, #tpu.memory_space<vmem>> -> memref<1x128xi32, #tpu.memory_space<vmem>>
          %dma_wait3A_66 = tpu.memref_squeeze %dma_wait3A_65 : memref<1x128xi32, #tpu.memory_space<vmem>> -> memref<128xi32, #tpu.memory_space<vmem>>
          %dma_wait3A_67 = arith.constant 0 : i32
          %dma_wait3A_68 = arith.constant 0 : i32
          %dma_wait3A_69 = tpu.memref_slice %arg16[%dma_wait3A_67, %dma_wait3A_68] : memref<10112x128xf32, #tpu.memory_space<vmem_shared>> -> memref<10112x128xf32, #tpu.memory_space<vmem_shared>>
          tpu.wait_indirect_dma semaphore(%run_scoped3A : memref<!tpu.dma_semaphore, #tpu.memory_space<semaphore_mem>>) src(%arg15 : memref<128x128xf32, #tpu.memory_space<vmem>>) dst(%dma_wait3A_69 : memref<10112x128xf32, #tpu.memory_space<vmem_shared>>)
          tpu.yield
        }) : () -> ()
      }
      %scan3A_11 = arith.constant 79 : i32
      %barrier3A_12 = arith.constant 0 : index
      tpu.barrier barrier_id(%barrier3A_12)
      %lt3A = arith.constant 15 : i32
      %lt3A_13 = arith.cmpi slt, %arg1, %lt3A : i32
      %convert_element_type3A_14 = arith.extui %lt3A_13 : i1 to i32
      %cond3A_15 = arith.constant 0 : i32
      %cond3A_16 = arith.cmpi ne, %convert_element_type3A_14, %cond3A_15 : i32
      scf.if %cond3A_16 {
        %mul3A_44 = arith.constant 632 : i32
        %mul3A_45 = arith.muli %arg1, %mul3A_44 : i32
        %multiple_of3A_46 = tpu.assume_multiple %mul3A_45, 8 : i32
        "tpu.region"() ({
          %run_scoped3A = tpu.sem_alloc : memref<!tpu.dma_semaphore, #tpu.memory_space<semaphore_mem>>
          %dma_start3A = arith.constant 0 : i32
          %dma_start3A_47 = tpu.memref_slice %arg10[%multiple_of3A_46, %dma_start3A] : memref<10000x128xf32, #tpu.memory_space<hbm>> -> memref<632x128xf32, #tpu.memory_space<hbm>>
          %dma_start3A_48 = arith.constant 0 : i32
          %dma_start3A_49 = tpu.memref_slice %arg16[%multiple_of3A_46, %dma_start3A_48] : memref<10112x128xf32, #tpu.memory_space<vmem_shared>> -> memref<632x128xf32, #tpu.memory_space<vmem_shared>>
          tpu.enqueue_dma source(%dma_start3A_49 : memref<632x128xf32, #tpu.memory_space<vmem_shared>>) target(%dma_start3A_47 : memref<632x128xf32, #tpu.memory_space<hbm>>) target_semaphore(%run_scoped3A : memref<!tpu.dma_semaphore, #tpu.memory_space<semaphore_mem>>)
          %dma_wait3A = arith.constant 0 : i32
          %dma_wait3A_50 = tpu.memref_slice %arg10[%multiple_of3A_46, %dma_wait3A] : memref<10000x128xf32, #tpu.memory_space<hbm>> -> memref<632x128xf32, #tpu.memory_space<hbm>>
          %dma_wait3A_51 = arith.constant 0 : i32
          %dma_wait3A_52 = tpu.memref_slice %arg16[%multiple_of3A_46, %dma_wait3A_51] : memref<10112x128xf32, #tpu.memory_space<vmem_shared>> -> memref<632x128xf32, #tpu.memory_space<vmem_shared>>
          tpu.wait_dma2 semaphore(%run_scoped3A : memref<!tpu.dma_semaphore, #tpu.memory_space<semaphore_mem>>) src(%dma_wait3A_52 : memref<632x128xf32, #tpu.memory_space<vmem_shared>>) dst(%dma_wait3A_50 : memref<632x128xf32, #tpu.memory_space<hbm>>)
          tpu.yield
        }) : () -> ()
      } else {
      }
      %eq3A_17 = arith.constant 15 : i32
      %eq3A_18 = arith.cmpi eq, %arg1, %eq3A_17 : i32
      %convert_element_type3A_19 = arith.extui %eq3A_18 : i1 to i32
      %cond3A_20 = arith.constant 0 : i32
      %cond3A_21 = arith.cmpi ne, %convert_element_type3A_19, %cond3A_20 : i32
      scf.if %cond3A_21 {
        "tpu.region"() ({
          %run_scoped3A = tpu.sem_alloc : memref<!tpu.dma_semaphore, #tpu.memory_space<semaphore_mem>>
          %dma_start3A = arith.constant 9480 : i32
          %dma_start3A_44 = arith.constant 0 : i32
          %dma_start3A_45 = tpu.memref_slice %arg10[%dma_start3A, %dma_start3A_44] : memref<10000x128xf32, #tpu.memory_space<hbm>> -> memref<520x128xf32, #tpu.memory_space<hbm>>
          %dma_start3A_46 = arith.constant 9480 : i32
          %dma_start3A_47 = arith.constant 0 : i32
          %dma_start3A_48 = tpu.memref_slice %arg16[%dma_start3A_46, %dma_start3A_47] : memref<10112x128xf32, #tpu.memory_space<vmem_shared>> -> memref<520x128xf32, #tpu.memory_space<vmem_shared>>
          tpu.enqueue_dma source(%dma_start3A_48 : memref<520x128xf32, #tpu.memory_space<vmem_shared>>) target(%dma_start3A_45 : memref<520x128xf32, #tpu.memory_space<hbm>>) target_semaphore(%run_scoped3A : memref<!tpu.dma_semaphore, #tpu.memory_space<semaphore_mem>>)
          %dma_wait3A = arith.constant 9480 : i32
          %dma_wait3A_49 = arith.constant 0 : i32
          %dma_wait3A_50 = tpu.memref_slice %arg10[%dma_wait3A, %dma_wait3A_49] : memref<10000x128xf32, #tpu.memory_space<hbm>> -> memref<520x128xf32, #tpu.memory_space<hbm>>
          %dma_wait3A_51 = arith.constant 9480 : i32
          %dma_wait3A_52 = arith.constant 0 : i32
          %dma_wait3A_53 = tpu.memref_slice %arg16[%dma_wait3A_51, %dma_wait3A_52] : memref<10112x128xf32, #tpu.memory_space<vmem_shared>> -> memref<520x128xf32, #tpu.memory_space<vmem_shared>>
          tpu.wait_dma2 semaphore(%run_scoped3A : memref<!tpu.dma_semaphore, #tpu.memory_space<semaphore_mem>>) src(%dma_wait3A_53 : memref<520x128xf32, #tpu.memory_space<vmem_shared>>) dst(%dma_wait3A_50 : memref<520x128xf32, #tpu.memory_space<hbm>>)
          tpu.yield
        }) : () -> ()
      } else {
      }
      %barrier3A_22 = arith.constant 0 : index
      tpu.barrier barrier_id(%barrier3A_22)
      %mul3A_23 = arith.constant 632 : i32
      %mul3A_24 = arith.muli %arg1, %mul3A_23 : i32
      %multiple_of3A_25 = tpu.assume_multiple %mul3A_24, 8 : i32
      "tpu.region"() ({
        %run_scoped3A = tpu.sem_alloc : memref<!tpu.dma_semaphore, #tpu.memory_space<semaphore_mem>>
        %dma_start3A = arith.constant 0 : i32
        %dma_start3A_44 = tpu.memref_slice %arg16[%multiple_of3A_25, %dma_start3A] : memref<10112x128xf32, #tpu.memory_space<vmem_shared>> -> memref<632x128xf32, #tpu.memory_space<vmem_shared>>
        tpu.enqueue_dma source(%arg4 : memref<632x128xf32, #tpu.memory_space<hbm>>) target(%dma_start3A_44 : memref<632x128xf32, #tpu.memory_space<vmem_shared>>) target_semaphore(%run_scoped3A : memref<!tpu.dma_semaphore, #tpu.memory_space<semaphore_mem>>)
        %dma_wait3A = arith.constant 0 : i32
        %dma_wait3A_45 = tpu.memref_slice %arg16[%multiple_of3A_25, %dma_wait3A] : memref<10112x128xf32, #tpu.memory_space<vmem_shared>> -> memref<632x128xf32, #tpu.memory_space<vmem_shared>>
        tpu.wait_dma2 semaphore(%run_scoped3A : memref<!tpu.dma_semaphore, #tpu.memory_space<semaphore_mem>>) src(%arg4 : memref<632x128xf32, #tpu.memory_space<hbm>>) dst(%dma_wait3A_45 : memref<632x128xf32, #tpu.memory_space<vmem_shared>>)
        tpu.yield
      }) : () -> ()
      %barrier3A_26 = arith.constant 0 : index
      tpu.barrier barrier_id(%barrier3A_26)
      %scan3A_27 = arith.constant 0 : i32
      %scan3A_28 = arith.constant 79 : i32
      %scan3A_29 = arith.addi %scan3A_27, %scan3A_28 : i32
      %scan3A_30 = arith.constant 1 : i32
      scf.for %scan3A_44 = %scan3A_27 to %scan3A_29 step %scan3A_30  : i32 {
        %mul3A_45 = arith.constant 1 : i32
        %mul3A_46 = arith.muli %scan3A_44, %mul3A_45 : i32
        %add3A = arith.constant 0 : i32
        %add3A_47 = arith.addi %add3A, %mul3A_46 : i32
        %dma_start3A = arith.constant 0 : i32
        %dma_start3A_48 = tpu.memref_slice %arg13[%add3A_47, %dma_start3A] : memref<79x128xi32, #tpu.memory_space<vmem>> -> memref<1x128xi32, #tpu.memory_space<vmem>>
        %dma_start3A_49 = tpu.memref_squeeze %dma_start3A_48 : memref<1x128xi32, #tpu.memory_space<vmem>> -> memref<128xi32, #tpu.memory_space<vmem>>
        %dma_start3A_50 = arith.constant 0 : i32
        %dma_start3A_51 = arith.constant 0 : i32
        %dma_start3A_52 = tpu.memref_slice %arg8[%dma_start3A_50, %dma_start3A_51] : memref<10000x128xf32, #tpu.memory_space<hbm>> -> memref<10000x128xf32, #tpu.memory_space<hbm>>
        tpu.enqueue_indirect_dma source(%dma_start3A_52 : memref<10000x128xf32, #tpu.memory_space<hbm>>) target(%arg15 : memref<128x128xf32, #tpu.memory_space<vmem>>) offsets(%dma_start3A_49 : memref<128xi32, #tpu.memory_space<vmem>>) semaphore(%arg17 : memref<!tpu.dma_semaphore, #tpu.memory_space<semaphore_mem>>)
        %dma_wait3A = arith.constant 0 : i32
        %dma_wait3A_53 = tpu.memref_slice %arg13[%add3A_47, %dma_wait3A] : memref<79x128xi32, #tpu.memory_space<vmem>> -> memref<1x128xi32, #tpu.memory_space<vmem>>
        %dma_wait3A_54 = tpu.memref_squeeze %dma_wait3A_53 : memref<1x128xi32, #tpu.memory_space<vmem>> -> memref<128xi32, #tpu.memory_space<vmem>>
        %dma_wait3A_55 = arith.constant 0 : i32
        %dma_wait3A_56 = arith.constant 0 : i32
        %dma_wait3A_57 = tpu.memref_slice %arg8[%dma_wait3A_55, %dma_wait3A_56] : memref<10000x128xf32, #tpu.memory_space<hbm>> -> memref<10000x128xf32, #tpu.memory_space<hbm>>
        tpu.wait_indirect_dma semaphore(%arg17 : memref<!tpu.dma_semaphore, #tpu.memory_space<semaphore_mem>>) src(%dma_wait3A_57 : memref<10000x128xf32, #tpu.memory_space<hbm>>) dst(%arg15 : memref<128x128xf32, #tpu.memory_space<vmem>>)
        "tpu.region"() ({
          %run_scoped3A = tpu.sem_alloc : memref<!tpu.dma_semaphore, #tpu.memory_space<semaphore_mem>>
          %dma_start3A_58 = arith.constant 0 : i32
          %dma_start3A_59 = tpu.memref_slice %arg14[%add3A_47, %dma_start3A_58] : memref<79x128xi32, #tpu.memory_space<vmem>> -> memref<1x128xi32, #tpu.memory_space<vmem>>
          %dma_start3A_60 = tpu.memref_squeeze %dma_start3A_59 : memref<1x128xi32, #tpu.memory_space<vmem>> -> memref<128xi32, #tpu.memory_space<vmem>>
          %dma_start3A_61 = arith.constant 0 : i32
          %dma_start3A_62 = arith.constant 0 : i32
          %dma_start3A_63 = tpu.memref_slice %arg16[%dma_start3A_61, %dma_start3A_62] : memref<10112x128xf32, #tpu.memory_space<vmem_shared>> -> memref<10112x128xf32, #tpu.memory_space<vmem_shared>>
          tpu.enqueue_indirect_dma source(%arg15 : memref<128x128xf32, #tpu.memory_space<vmem>>) target(%dma_start3A_63 : memref<10112x128xf32, #tpu.memory_space<vmem_shared>>) offsets(%dma_start3A_60 : memref<128xi32, #tpu.memory_space<vmem>>) semaphore(%run_scoped3A : memref<!tpu.dma_semaphore, #tpu.memory_space<semaphore_mem>>) {add = true}
          %dma_wait3A_64 = arith.constant 0 : i32
          %dma_wait3A_65 = tpu.memref_slice %arg14[%add3A_47, %dma_wait3A_64] : memref<79x128xi32, #tpu.memory_space<vmem>> -> memref<1x128xi32, #tpu.memory_space<vmem>>
          %dma_wait3A_66 = tpu.memref_squeeze %dma_wait3A_65 : memref<1x128xi32, #tpu.memory_space<vmem>> -> memref<128xi32, #tpu.memory_space<vmem>>
          %dma_wait3A_67 = arith.constant 0 : i32
          %dma_wait3A_68 = arith.constant 0 : i32
          %dma_wait3A_69 = tpu.memref_slice %arg16[%dma_wait3A_67, %dma_wait3A_68] : memref<10112x128xf32, #tpu.memory_space<vmem_shared>> -> memref<10112x128xf32, #tpu.memory_space<vmem_shared>>
          tpu.wait_indirect_dma semaphore(%run_scoped3A : memref<!tpu.dma_semaphore, #tpu.memory_space<semaphore_mem>>) src(%arg15 : memref<128x128xf32, #tpu.memory_space<vmem>>) dst(%dma_wait3A_69 : memref<10112x128xf32, #tpu.memory_space<vmem_shared>>)
          tpu.yield
        }) : () -> ()
      }
      %scan3A_31 = arith.constant 79 : i32
      %barrier3A_32 = arith.constant 0 : index
      tpu.barrier barrier_id(%barrier3A_32)
      %lt3A_33 = arith.constant 15 : i32
      %lt3A_34 = arith.cmpi slt, %arg1, %lt3A_33 : i32
      %convert_element_type3A_35 = arith.extui %lt3A_34 : i1 to i32
      %cond3A_36 = arith.constant 0 : i32
      %cond3A_37 = arith.cmpi ne, %convert_element_type3A_35, %cond3A_36 : i32
      scf.if %cond3A_37 {
        %mul3A_44 = arith.constant 632 : i32
        %mul3A_45 = arith.muli %arg1, %mul3A_44 : i32
        %multiple_of3A_46 = tpu.assume_multiple %mul3A_45, 8 : i32
        "tpu.region"() ({
          %run_scoped3A = tpu.sem_alloc : memref<!tpu.dma_semaphore, #tpu.memory_space<semaphore_mem>>
          %dma_start3A = arith.constant 0 : i32
          %dma_start3A_47 = tpu.memref_slice %arg12[%multiple_of3A_46, %dma_start3A] : memref<10000x128xf32, #tpu.memory_space<hbm>> -> memref<632x128xf32, #tpu.memory_space<hbm>>
          %dma_start3A_48 = arith.constant 0 : i32
          %dma_start3A_49 = tpu.memref_slice %arg16[%multiple_of3A_46, %dma_start3A_48] : memref<10112x128xf32, #tpu.memory_space<vmem_shared>> -> memref<632x128xf32, #tpu.memory_space<vmem_shared>>
          tpu.enqueue_dma source(%dma_start3A_49 : memref<632x128xf32, #tpu.memory_space<vmem_shared>>) target(%dma_start3A_47 : memref<632x128xf32, #tpu.memory_space<hbm>>) target_semaphore(%run_scoped3A : memref<!tpu.dma_semaphore, #tpu.memory_space<semaphore_mem>>)
          %dma_wait3A = arith.constant 0 : i32
          %dma_wait3A_50 = tpu.memref_slice %arg12[%multiple_of3A_46, %dma_wait3A] : memref<10000x128xf32, #tpu.memory_space<hbm>> -> memref<632x128xf32, #tpu.memory_space<hbm>>
          %dma_wait3A_51 = arith.constant 0 : i32
          %dma_wait3A_52 = tpu.memref_slice %arg16[%multiple_of3A_46, %dma_wait3A_51] : memref<10112x128xf32, #tpu.memory_space<vmem_shared>> -> memref<632x128xf32, #tpu.memory_space<vmem_shared>>
          tpu.wait_dma2 semaphore(%run_scoped3A : memref<!tpu.dma_semaphore, #tpu.memory_space<semaphore_mem>>) src(%dma_wait3A_52 : memref<632x128xf32, #tpu.memory_space<vmem_shared>>) dst(%dma_wait3A_50 : memref<632x128xf32, #tpu.memory_space<hbm>>)
          tpu.yield
        }) : () -> ()
      } else {
      }
      %eq3A_38 = arith.constant 15 : i32
      %eq3A_39 = arith.cmpi eq, %arg1, %eq3A_38 : i32
      %convert_element_type3A_40 = arith.extui %eq3A_39 : i1 to i32
      %cond3A_41 = arith.constant 0 : i32
      %cond3A_42 = arith.cmpi ne, %convert_element_type3A_40, %cond3A_41 : i32
      scf.if %cond3A_42 {
        "tpu.region"() ({
          %run_scoped3A = tpu.sem_alloc : memref<!tpu.dma_semaphore, #tpu.memory_space<semaphore_mem>>
          %dma_start3A = arith.constant 9480 : i32
          %dma_start3A_44 = arith.constant 0 : i32
          %dma_start3A_45 = tpu.memref_slice %arg12[%dma_start3A, %dma_start3A_44] : memref<10000x128xf32, #tpu.memory_space<hbm>> -> memref<520x128xf32, #tpu.memory_space<hbm>>
          %dma_start3A_46 = arith.constant 9480 : i32
          %dma_start3A_47 = arith.constant 0 : i32
          %dma_start3A_48 = tpu.memref_slice %arg16[%dma_start3A_46, %dma_start3A_47] : memref<10112x128xf32, #tpu.memory_space<vmem_shared>> -> memref<520x128xf32, #tpu.memory_space<vmem_shared>>
          tpu.enqueue_dma source(%dma_start3A_48 : memref<520x128xf32, #tpu.memory_space<vmem_shared>>) target(%dma_start3A_45 : memref<520x128xf32, #tpu.memory_space<hbm>>) target_semaphore(%run_scoped3A : memref<!tpu.dma_semaphore, #tpu.memory_space<semaphore_mem>>)
          %dma_wait3A = arith.constant 9480 : i32
          %dma_wait3A_49 = arith.constant 0 : i32
          %dma_wait3A_50 = tpu.memref_slice %arg12[%dma_wait3A, %dma_wait3A_49] : memref<10000x128xf32, #tpu.memory_space<hbm>> -> memref<520x128xf32, #tpu.memory_space<hbm>>
          %dma_wait3A_51 = arith.constant 9480 : i32
          %dma_wait3A_52 = arith.constant 0 : i32
          %dma_wait3A_53 = tpu.memref_slice %arg16[%dma_wait3A_51, %dma_wait3A_52] : memref<10112x128xf32, #tpu.memory_space<vmem_shared>> -> memref<520x128xf32, #tpu.memory_space<vmem_shared>>
          tpu.wait_dma2 semaphore(%run_scoped3A : memref<!tpu.dma_semaphore, #tpu.memory_space<semaphore_mem>>) src(%dma_wait3A_53 : memref<520x128xf32, #tpu.memory_space<vmem_shared>>) dst(%dma_wait3A_50 : memref<520x128xf32, #tpu.memory_space<hbm>>)
          tpu.yield
        }) : () -> ()
      } else {
      }
      %barrier3A_43 = arith.constant 0 : index
      tpu.barrier barrier_id(%barrier3A_43)
    } else {
    }
    return
  }
}

#map = affine_map<(d0, d1) -> (0, 0, 0)>
#map1 = affine_map<(d0, d1) -> (0, 0)>
module attributes {stable_mosaic.version = 14 : i64} {
  func.func @agg_k(%arg0: i32, %arg1: i32, %arg2: memref<16x79x128xi32, #tpu.memory_space<hbm>>, %arg3: memref<16x79x128xi32, #tpu.memory_space<hbm>>, %arg4: memref<632x128xf32, #tpu.memory_space<hbm>>, %arg5: memref<10000x128xf32, #tpu.memory_space<hbm>>, %arg6: memref<10000x128xf32, #tpu.memory_space<hbm>>, %arg7: memref<10000x128xf32, #tpu.memory_space<hbm>>, %arg8: memref<79x128xi32, #tpu.memory_space<vmem>>, %arg9: memref<79x128xi32, #tpu.memory_space<vmem>>, %arg10: memref<128x128xf32, #tpu.memory_space<vmem>>, %arg11: memref<10112x128xf32, #tpu.memory_space<vmem_shared>>, %arg12: memref<!tpu.dma_semaphore, #tpu.memory_space<semaphore_mem>>) attributes {dimension_semantics = [#tpu.dimension_semantics<core_parallel>, #tpu.dimension_semantics<subcore_parallel>], iteration_bounds = array<i64: 2, 16>, scalar_prefetch = 0 : i64, scratch_operands = 5 : i64, tpu.core_type = #tpu.core_type<sc_vector_subcore>, window_params = [{transform_indices = #map}, {transform_indices = #map}, {transform_indices = #map1}, {transform_indices = #map1}, {transform_indices = #map1}, {transform_indices = #map1}]} {
    "tpu.region"() ({
      %run_scoped3A = tpu.sem_alloc : memref<!tpu.dma_semaphore, #tpu.memory_space<semaphore_mem>>
      %dma_start3A = arith.constant 0 : i32
      %dma_start3A_7 = arith.constant 0 : i32
      %dma_start3A_8 = tpu.memref_slice %arg2[%arg1, %dma_start3A, %dma_start3A_7] : memref<16x79x128xi32, #tpu.memory_space<hbm>> -> memref<1x79x128xi32, #tpu.memory_space<hbm>>
      %dma_start3A_9 = tpu.memref_squeeze %dma_start3A_8 : memref<1x79x128xi32, #tpu.memory_space<hbm>> -> memref<79x128xi32, #tpu.memory_space<hbm>>
      %dma_start3A_10 = arith.constant 0 : i32
      %dma_start3A_11 = arith.constant 0 : i32
      %dma_start3A_12 = tpu.memref_slice %arg2[%arg1, %dma_start3A_10, %dma_start3A_11] : memref<16x79x128xi32, #tpu.memory_space<hbm>> -> memref<1x79x128xi32, #tpu.memory_space<hbm>>
      %dma_start3A_13 = tpu.memref_squeeze %dma_start3A_12 : memref<1x79x128xi32, #tpu.memory_space<hbm>> -> memref<79x128xi32, #tpu.memory_space<hbm>>
      tpu.enqueue_dma source(%dma_start3A_13 : memref<79x128xi32, #tpu.memory_space<hbm>>) target(%arg8 : memref<79x128xi32, #tpu.memory_space<vmem>>) target_semaphore(%run_scoped3A : memref<!tpu.dma_semaphore, #tpu.memory_space<semaphore_mem>>)
      %dma_wait3A = arith.constant 0 : i32
      %dma_wait3A_14 = arith.constant 0 : i32
      %dma_wait3A_15 = tpu.memref_slice %arg2[%arg1, %dma_wait3A, %dma_wait3A_14] : memref<16x79x128xi32, #tpu.memory_space<hbm>> -> memref<1x79x128xi32, #tpu.memory_space<hbm>>
      %dma_wait3A_16 = tpu.memref_squeeze %dma_wait3A_15 : memref<1x79x128xi32, #tpu.memory_space<hbm>> -> memref<79x128xi32, #tpu.memory_space<hbm>>
      %dma_wait3A_17 = arith.constant 0 : i32
      %dma_wait3A_18 = arith.constant 0 : i32
      %dma_wait3A_19 = tpu.memref_slice %arg2[%arg1, %dma_wait3A_17, %dma_wait3A_18] : memref<16x79x128xi32, #tpu.memory_space<hbm>> -> memref<1x79x128xi32, #tpu.memory_space<hbm>>
      %dma_wait3A_20 = tpu.memref_squeeze %dma_wait3A_19 : memref<1x79x128xi32, #tpu.memory_space<hbm>> -> memref<79x128xi32, #tpu.memory_space<hbm>>
      tpu.wait_dma2 semaphore(%run_scoped3A : memref<!tpu.dma_semaphore, #tpu.memory_space<semaphore_mem>>) src(%dma_wait3A_20 : memref<79x128xi32, #tpu.memory_space<hbm>>) dst(%arg8 : memref<79x128xi32, #tpu.memory_space<vmem>>)
      tpu.yield
    }) : () -> ()
    "tpu.region"() ({
      %run_scoped3A = tpu.sem_alloc : memref<!tpu.dma_semaphore, #tpu.memory_space<semaphore_mem>>
      %dma_start3A = arith.constant 0 : i32
      %dma_start3A_7 = arith.constant 0 : i32
      %dma_start3A_8 = tpu.memref_slice %arg3[%arg1, %dma_start3A, %dma_start3A_7] : memref<16x79x128xi32, #tpu.memory_space<hbm>> -> memref<1x79x128xi32, #tpu.memory_space<hbm>>
      %dma_start3A_9 = tpu.memref_squeeze %dma_start3A_8 : memref<1x79x128xi32, #tpu.memory_space<hbm>> -> memref<79x128xi32, #tpu.memory_space<hbm>>
      %dma_start3A_10 = arith.constant 0 : i32
      %dma_start3A_11 = arith.constant 0 : i32
      %dma_start3A_12 = tpu.memref_slice %arg3[%arg1, %dma_start3A_10, %dma_start3A_11] : memref<16x79x128xi32, #tpu.memory_space<hbm>> -> memref<1x79x128xi32, #tpu.memory_space<hbm>>
      %dma_start3A_13 = tpu.memref_squeeze %dma_start3A_12 : memref<1x79x128xi32, #tpu.memory_space<hbm>> -> memref<79x128xi32, #tpu.memory_space<hbm>>
      tpu.enqueue_dma source(%dma_start3A_13 : memref<79x128xi32, #tpu.memory_space<hbm>>) target(%arg9 : memref<79x128xi32, #tpu.memory_space<vmem>>) target_semaphore(%run_scoped3A : memref<!tpu.dma_semaphore, #tpu.memory_space<semaphore_mem>>)
      %dma_wait3A = arith.constant 0 : i32
      %dma_wait3A_14 = arith.constant 0 : i32
      %dma_wait3A_15 = tpu.memref_slice %arg3[%arg1, %dma_wait3A, %dma_wait3A_14] : memref<16x79x128xi32, #tpu.memory_space<hbm>> -> memref<1x79x128xi32, #tpu.memory_space<hbm>>
      %dma_wait3A_16 = tpu.memref_squeeze %dma_wait3A_15 : memref<1x79x128xi32, #tpu.memory_space<hbm>> -> memref<79x128xi32, #tpu.memory_space<hbm>>
      %dma_wait3A_17 = arith.constant 0 : i32
      %dma_wait3A_18 = arith.constant 0 : i32
      %dma_wait3A_19 = tpu.memref_slice %arg3[%arg1, %dma_wait3A_17, %dma_wait3A_18] : memref<16x79x128xi32, #tpu.memory_space<hbm>> -> memref<1x79x128xi32, #tpu.memory_space<hbm>>
      %dma_wait3A_20 = tpu.memref_squeeze %dma_wait3A_19 : memref<1x79x128xi32, #tpu.memory_space<hbm>> -> memref<79x128xi32, #tpu.memory_space<hbm>>
      tpu.wait_dma2 semaphore(%run_scoped3A : memref<!tpu.dma_semaphore, #tpu.memory_space<semaphore_mem>>) src(%dma_wait3A_20 : memref<79x128xi32, #tpu.memory_space<hbm>>) dst(%arg9 : memref<79x128xi32, #tpu.memory_space<vmem>>)
      tpu.yield
    }) : () -> ()
    %eq3A = arith.constant 0 : i32
    %eq3A_0 = arith.cmpi eq, %arg0, %eq3A : i32
    %convert_element_type3A = arith.extui %eq3A_0 : i1 to i32
    %cond3A = arith.constant 0 : i32
    %cond3A_1 = arith.cmpi ne, %convert_element_type3A, %cond3A : i32
    scf.if %cond3A_1 {
      %mul3A = arith.constant 632 : i32
      %mul3A_7 = arith.muli %arg1, %mul3A : i32
      %multiple_of3A = tpu.assume_multiple %mul3A_7, 8 : i32
      "tpu.region"() ({
        %run_scoped3A = tpu.sem_alloc : memref<!tpu.dma_semaphore, #tpu.memory_space<semaphore_mem>>
        %dma_start3A = arith.constant 0 : i32
        %dma_start3A_23 = tpu.memref_slice %arg11[%multiple_of3A, %dma_start3A] : memref<10112x128xf32, #tpu.memory_space<vmem_shared>> -> memref<632x128xf32, #tpu.memory_space<vmem_shared>>
        tpu.enqueue_dma source(%arg4 : memref<632x128xf32, #tpu.memory_space<hbm>>) target(%dma_start3A_23 : memref<632x128xf32, #tpu.memory_space<vmem_shared>>) target_semaphore(%run_scoped3A : memref<!tpu.dma_semaphore, #tpu.memory_space<semaphore_mem>>)
        %dma_wait3A = arith.constant 0 : i32
        %dma_wait3A_24 = tpu.memref_slice %arg11[%multiple_of3A, %dma_wait3A] : memref<10112x128xf32, #tpu.memory_space<vmem_shared>> -> memref<632x128xf32, #tpu.memory_space<vmem_shared>>
        tpu.wait_dma2 semaphore(%run_scoped3A : memref<!tpu.dma_semaphore, #tpu.memory_space<semaphore_mem>>) src(%arg4 : memref<632x128xf32, #tpu.memory_space<hbm>>) dst(%dma_wait3A_24 : memref<632x128xf32, #tpu.memory_space<vmem_shared>>)
        tpu.yield
      }) : () -> ()
      %barrier3A = arith.constant 0 : index
      tpu.barrier barrier_id(%barrier3A)
      %scan3A = arith.constant 0 : i32
      %scan3A_8 = arith.constant 39 : i32
      %scan3A_9 = arith.addi %scan3A, %scan3A_8 : i32
      %scan3A_10 = arith.constant 1 : i32
      scf.for %scan3A_23 = %scan3A to %scan3A_9 step %scan3A_10  : i32 {
        %mul3A_24 = arith.constant 1 : i32
        %mul3A_25 = arith.muli %scan3A_23, %mul3A_24 : i32
        %add3A = arith.constant 0 : i32
        %add3A_26 = arith.addi %add3A, %mul3A_25 : i32
        %dma_start3A = arith.constant 0 : i32
        %dma_start3A_27 = tpu.memref_slice %arg8[%add3A_26, %dma_start3A] : memref<79x128xi32, #tpu.memory_space<vmem>> -> memref<1x128xi32, #tpu.memory_space<vmem>>
        %dma_start3A_28 = tpu.memref_squeeze %dma_start3A_27 : memref<1x128xi32, #tpu.memory_space<vmem>> -> memref<128xi32, #tpu.memory_space<vmem>>
        %dma_start3A_29 = arith.constant 0 : i32
        %dma_start3A_30 = arith.constant 0 : i32
        %dma_start3A_31 = tpu.memref_slice %arg5[%dma_start3A_29, %dma_start3A_30] : memref<10000x128xf32, #tpu.memory_space<hbm>> -> memref<10000x128xf32, #tpu.memory_space<hbm>>
        tpu.enqueue_indirect_dma source(%dma_start3A_31 : memref<10000x128xf32, #tpu.memory_space<hbm>>) target(%arg10 : memref<128x128xf32, #tpu.memory_space<vmem>>) offsets(%dma_start3A_28 : memref<128xi32, #tpu.memory_space<vmem>>) semaphore(%arg12 : memref<!tpu.dma_semaphore, #tpu.memory_space<semaphore_mem>>)
        %dma_wait3A = arith.constant 0 : i32
        %dma_wait3A_32 = tpu.memref_slice %arg8[%add3A_26, %dma_wait3A] : memref<79x128xi32, #tpu.memory_space<vmem>> -> memref<1x128xi32, #tpu.memory_space<vmem>>
        %dma_wait3A_33 = tpu.memref_squeeze %dma_wait3A_32 : memref<1x128xi32, #tpu.memory_space<vmem>> -> memref<128xi32, #tpu.memory_space<vmem>>
        %dma_wait3A_34 = arith.constant 0 : i32
        %dma_wait3A_35 = arith.constant 0 : i32
        %dma_wait3A_36 = tpu.memref_slice %arg5[%dma_wait3A_34, %dma_wait3A_35] : memref<10000x128xf32, #tpu.memory_space<hbm>> -> memref<10000x128xf32, #tpu.memory_space<hbm>>
        tpu.wait_indirect_dma semaphore(%arg12 : memref<!tpu.dma_semaphore, #tpu.memory_space<semaphore_mem>>) src(%dma_wait3A_36 : memref<10000x128xf32, #tpu.memory_space<hbm>>) dst(%arg10 : memref<128x128xf32, #tpu.memory_space<vmem>>)
        "tpu.region"() ({
          %run_scoped3A = tpu.sem_alloc : memref<!tpu.dma_semaphore, #tpu.memory_space<semaphore_mem>>
          %dma_start3A_37 = arith.constant 0 : i32
          %dma_start3A_38 = tpu.memref_slice %arg9[%add3A_26, %dma_start3A_37] : memref<79x128xi32, #tpu.memory_space<vmem>> -> memref<1x128xi32, #tpu.memory_space<vmem>>
          %dma_start3A_39 = tpu.memref_squeeze %dma_start3A_38 : memref<1x128xi32, #tpu.memory_space<vmem>> -> memref<128xi32, #tpu.memory_space<vmem>>
          %dma_start3A_40 = arith.constant 0 : i32
          %dma_start3A_41 = arith.constant 0 : i32
          %dma_start3A_42 = tpu.memref_slice %arg11[%dma_start3A_40, %dma_start3A_41] : memref<10112x128xf32, #tpu.memory_space<vmem_shared>> -> memref<10112x128xf32, #tpu.memory_space<vmem_shared>>
          tpu.enqueue_indirect_dma source(%arg10 : memref<128x128xf32, #tpu.memory_space<vmem>>) target(%dma_start3A_42 : memref<10112x128xf32, #tpu.memory_space<vmem_shared>>) offsets(%dma_start3A_39 : memref<128xi32, #tpu.memory_space<vmem>>) semaphore(%run_scoped3A : memref<!tpu.dma_semaphore, #tpu.memory_space<semaphore_mem>>) {add = true}
          %dma_wait3A_43 = arith.constant 0 : i32
          %dma_wait3A_44 = tpu.memref_slice %arg9[%add3A_26, %dma_wait3A_43] : memref<79x128xi32, #tpu.memory_space<vmem>> -> memref<1x128xi32, #tpu.memory_space<vmem>>
          %dma_wait3A_45 = tpu.memref_squeeze %dma_wait3A_44 : memref<1x128xi32, #tpu.memory_space<vmem>> -> memref<128xi32, #tpu.memory_space<vmem>>
          %dma_wait3A_46 = arith.constant 0 : i32
          %dma_wait3A_47 = arith.constant 0 : i32
          %dma_wait3A_48 = tpu.memref_slice %arg11[%dma_wait3A_46, %dma_wait3A_47] : memref<10112x128xf32, #tpu.memory_space<vmem_shared>> -> memref<10112x128xf32, #tpu.memory_space<vmem_shared>>
          tpu.wait_indirect_dma semaphore(%run_scoped3A : memref<!tpu.dma_semaphore, #tpu.memory_space<semaphore_mem>>) src(%arg10 : memref<128x128xf32, #tpu.memory_space<vmem>>) dst(%dma_wait3A_48 : memref<10112x128xf32, #tpu.memory_space<vmem_shared>>)
          tpu.yield
        }) : () -> ()
      }
      %scan3A_11 = arith.constant 39 : i32
      %barrier3A_12 = arith.constant 0 : index
      tpu.barrier barrier_id(%barrier3A_12)
      %lt3A = arith.constant 15 : i32
      %lt3A_13 = arith.cmpi slt, %arg1, %lt3A : i32
      %convert_element_type3A_14 = arith.extui %lt3A_13 : i1 to i32
      %cond3A_15 = arith.constant 0 : i32
      %cond3A_16 = arith.cmpi ne, %convert_element_type3A_14, %cond3A_15 : i32
      scf.if %cond3A_16 {
        %mul3A_23 = arith.constant 632 : i32
        %mul3A_24 = arith.muli %arg1, %mul3A_23 : i32
        %multiple_of3A_25 = tpu.assume_multiple %mul3A_24, 8 : i32
        "tpu.region"() ({
          %run_scoped3A = tpu.sem_alloc : memref<!tpu.dma_semaphore, #tpu.memory_space<semaphore_mem>>
          %dma_start3A = arith.constant 0 : i32
          %dma_start3A_26 = tpu.memref_slice %arg6[%multiple_of3A_25, %dma_start3A] : memref<10000x128xf32, #tpu.memory_space<hbm>> -> memref<632x128xf32, #tpu.memory_space<hbm>>
          %dma_start3A_27 = arith.constant 0 : i32
          %dma_start3A_28 = tpu.memref_slice %arg11[%multiple_of3A_25, %dma_start3A_27] : memref<10112x128xf32, #tpu.memory_space<vmem_shared>> -> memref<632x128xf32, #tpu.memory_space<vmem_shared>>
          tpu.enqueue_dma source(%dma_start3A_28 : memref<632x128xf32, #tpu.memory_space<vmem_shared>>) target(%dma_start3A_26 : memref<632x128xf32, #tpu.memory_space<hbm>>) target_semaphore(%run_scoped3A : memref<!tpu.dma_semaphore, #tpu.memory_space<semaphore_mem>>)
          %dma_wait3A = arith.constant 0 : i32
          %dma_wait3A_29 = tpu.memref_slice %arg6[%multiple_of3A_25, %dma_wait3A] : memref<10000x128xf32, #tpu.memory_space<hbm>> -> memref<632x128xf32, #tpu.memory_space<hbm>>
          %dma_wait3A_30 = arith.constant 0 : i32
          %dma_wait3A_31 = tpu.memref_slice %arg11[%multiple_of3A_25, %dma_wait3A_30] : memref<10112x128xf32, #tpu.memory_space<vmem_shared>> -> memref<632x128xf32, #tpu.memory_space<vmem_shared>>
          tpu.wait_dma2 semaphore(%run_scoped3A : memref<!tpu.dma_semaphore, #tpu.memory_space<semaphore_mem>>) src(%dma_wait3A_31 : memref<632x128xf32, #tpu.memory_space<vmem_shared>>) dst(%dma_wait3A_29 : memref<632x128xf32, #tpu.memory_space<hbm>>)
          tpu.yield
        }) : () -> ()
      } else {
      }
      %eq3A_17 = arith.constant 15 : i32
      %eq3A_18 = arith.cmpi eq, %arg1, %eq3A_17 : i32
      %convert_element_type3A_19 = arith.extui %eq3A_18 : i1 to i32
      %cond3A_20 = arith.constant 0 : i32
      %cond3A_21 = arith.cmpi ne, %convert_element_type3A_19, %cond3A_20 : i32
      scf.if %cond3A_21 {
        "tpu.region"() ({
          %run_scoped3A = tpu.sem_alloc : memref<!tpu.dma_semaphore, #tpu.memory_space<semaphore_mem>>
          %dma_start3A = arith.constant 9480 : i32
          %dma_start3A_23 = arith.constant 0 : i32
          %dma_start3A_24 = tpu.memref_slice %arg6[%dma_start3A, %dma_start3A_23] : memref<10000x128xf32, #tpu.memory_space<hbm>> -> memref<520x128xf32, #tpu.memory_space<hbm>>
          %dma_start3A_25 = arith.constant 9480 : i32
          %dma_start3A_26 = arith.constant 0 : i32
          %dma_start3A_27 = tpu.memref_slice %arg11[%dma_start3A_25, %dma_start3A_26] : memref<10112x128xf32, #tpu.memory_space<vmem_shared>> -> memref<520x128xf32, #tpu.memory_space<vmem_shared>>
          tpu.enqueue_dma source(%dma_start3A_27 : memref<520x128xf32, #tpu.memory_space<vmem_shared>>) target(%dma_start3A_24 : memref<520x128xf32, #tpu.memory_space<hbm>>) target_semaphore(%run_scoped3A : memref<!tpu.dma_semaphore, #tpu.memory_space<semaphore_mem>>)
          %dma_wait3A = arith.constant 9480 : i32
          %dma_wait3A_28 = arith.constant 0 : i32
          %dma_wait3A_29 = tpu.memref_slice %arg6[%dma_wait3A, %dma_wait3A_28] : memref<10000x128xf32, #tpu.memory_space<hbm>> -> memref<520x128xf32, #tpu.memory_space<hbm>>
          %dma_wait3A_30 = arith.constant 9480 : i32
          %dma_wait3A_31 = arith.constant 0 : i32
          %dma_wait3A_32 = tpu.memref_slice %arg11[%dma_wait3A_30, %dma_wait3A_31] : memref<10112x128xf32, #tpu.memory_space<vmem_shared>> -> memref<520x128xf32, #tpu.memory_space<vmem_shared>>
          tpu.wait_dma2 semaphore(%run_scoped3A : memref<!tpu.dma_semaphore, #tpu.memory_space<semaphore_mem>>) src(%dma_wait3A_32 : memref<520x128xf32, #tpu.memory_space<vmem_shared>>) dst(%dma_wait3A_29 : memref<520x128xf32, #tpu.memory_space<hbm>>)
          tpu.yield
        }) : () -> ()
      } else {
      }
      %barrier3A_22 = arith.constant 0 : index
      tpu.barrier barrier_id(%barrier3A_22)
    } else {
    }
    %eq3A_2 = arith.constant 1 : i32
    %eq3A_3 = arith.cmpi eq, %arg0, %eq3A_2 : i32
    %convert_element_type3A_4 = arith.extui %eq3A_3 : i1 to i32
    %cond3A_5 = arith.constant 0 : i32
    %cond3A_6 = arith.cmpi ne, %convert_element_type3A_4, %cond3A_5 : i32
    scf.if %cond3A_6 {
      %mul3A = arith.constant 632 : i32
      %mul3A_7 = arith.muli %arg1, %mul3A : i32
      %multiple_of3A = tpu.assume_multiple %mul3A_7, 8 : i32
      "tpu.region"() ({
        %run_scoped3A = tpu.sem_alloc : memref<!tpu.dma_semaphore, #tpu.memory_space<semaphore_mem>>
        %dma_start3A = arith.constant 0 : i32
        %dma_start3A_23 = tpu.memref_slice %arg11[%multiple_of3A, %dma_start3A] : memref<10112x128xf32, #tpu.memory_space<vmem_shared>> -> memref<632x128xf32, #tpu.memory_space<vmem_shared>>
        tpu.enqueue_dma source(%arg4 : memref<632x128xf32, #tpu.memory_space<hbm>>) target(%dma_start3A_23 : memref<632x128xf32, #tpu.memory_space<vmem_shared>>) target_semaphore(%run_scoped3A : memref<!tpu.dma_semaphore, #tpu.memory_space<semaphore_mem>>)
        %dma_wait3A = arith.constant 0 : i32
        %dma_wait3A_24 = tpu.memref_slice %arg11[%multiple_of3A, %dma_wait3A] : memref<10112x128xf32, #tpu.memory_space<vmem_shared>> -> memref<632x128xf32, #tpu.memory_space<vmem_shared>>
        tpu.wait_dma2 semaphore(%run_scoped3A : memref<!tpu.dma_semaphore, #tpu.memory_space<semaphore_mem>>) src(%arg4 : memref<632x128xf32, #tpu.memory_space<hbm>>) dst(%dma_wait3A_24 : memref<632x128xf32, #tpu.memory_space<vmem_shared>>)
        tpu.yield
      }) : () -> ()
      %barrier3A = arith.constant 0 : index
      tpu.barrier barrier_id(%barrier3A)
      %scan3A = arith.constant 0 : i32
      %scan3A_8 = arith.constant 40 : i32
      %scan3A_9 = arith.addi %scan3A, %scan3A_8 : i32
      %scan3A_10 = arith.constant 1 : i32
      scf.for %scan3A_23 = %scan3A to %scan3A_9 step %scan3A_10  : i32 {
        %mul3A_24 = arith.constant 1 : i32
        %mul3A_25 = arith.muli %scan3A_23, %mul3A_24 : i32
        %add3A = arith.constant 39 : i32
        %add3A_26 = arith.addi %add3A, %mul3A_25 : i32
        %dma_start3A = arith.constant 0 : i32
        %dma_start3A_27 = tpu.memref_slice %arg8[%add3A_26, %dma_start3A] : memref<79x128xi32, #tpu.memory_space<vmem>> -> memref<1x128xi32, #tpu.memory_space<vmem>>
        %dma_start3A_28 = tpu.memref_squeeze %dma_start3A_27 : memref<1x128xi32, #tpu.memory_space<vmem>> -> memref<128xi32, #tpu.memory_space<vmem>>
        %dma_start3A_29 = arith.constant 0 : i32
        %dma_start3A_30 = arith.constant 0 : i32
        %dma_start3A_31 = tpu.memref_slice %arg5[%dma_start3A_29, %dma_start3A_30] : memref<10000x128xf32, #tpu.memory_space<hbm>> -> memref<10000x128xf32, #tpu.memory_space<hbm>>
        tpu.enqueue_indirect_dma source(%dma_start3A_31 : memref<10000x128xf32, #tpu.memory_space<hbm>>) target(%arg10 : memref<128x128xf32, #tpu.memory_space<vmem>>) offsets(%dma_start3A_28 : memref<128xi32, #tpu.memory_space<vmem>>) semaphore(%arg12 : memref<!tpu.dma_semaphore, #tpu.memory_space<semaphore_mem>>)
        %dma_wait3A = arith.constant 0 : i32
        %dma_wait3A_32 = tpu.memref_slice %arg8[%add3A_26, %dma_wait3A] : memref<79x128xi32, #tpu.memory_space<vmem>> -> memref<1x128xi32, #tpu.memory_space<vmem>>
        %dma_wait3A_33 = tpu.memref_squeeze %dma_wait3A_32 : memref<1x128xi32, #tpu.memory_space<vmem>> -> memref<128xi32, #tpu.memory_space<vmem>>
        %dma_wait3A_34 = arith.constant 0 : i32
        %dma_wait3A_35 = arith.constant 0 : i32
        %dma_wait3A_36 = tpu.memref_slice %arg5[%dma_wait3A_34, %dma_wait3A_35] : memref<10000x128xf32, #tpu.memory_space<hbm>> -> memref<10000x128xf32, #tpu.memory_space<hbm>>
        tpu.wait_indirect_dma semaphore(%arg12 : memref<!tpu.dma_semaphore, #tpu.memory_space<semaphore_mem>>) src(%dma_wait3A_36 : memref<10000x128xf32, #tpu.memory_space<hbm>>) dst(%arg10 : memref<128x128xf32, #tpu.memory_space<vmem>>)
        "tpu.region"() ({
          %run_scoped3A = tpu.sem_alloc : memref<!tpu.dma_semaphore, #tpu.memory_space<semaphore_mem>>
          %dma_start3A_37 = arith.constant 0 : i32
          %dma_start3A_38 = tpu.memref_slice %arg9[%add3A_26, %dma_start3A_37] : memref<79x128xi32, #tpu.memory_space<vmem>> -> memref<1x128xi32, #tpu.memory_space<vmem>>
          %dma_start3A_39 = tpu.memref_squeeze %dma_start3A_38 : memref<1x128xi32, #tpu.memory_space<vmem>> -> memref<128xi32, #tpu.memory_space<vmem>>
          %dma_start3A_40 = arith.constant 0 : i32
          %dma_start3A_41 = arith.constant 0 : i32
          %dma_start3A_42 = tpu.memref_slice %arg11[%dma_start3A_40, %dma_start3A_41] : memref<10112x128xf32, #tpu.memory_space<vmem_shared>> -> memref<10112x128xf32, #tpu.memory_space<vmem_shared>>
          tpu.enqueue_indirect_dma source(%arg10 : memref<128x128xf32, #tpu.memory_space<vmem>>) target(%dma_start3A_42 : memref<10112x128xf32, #tpu.memory_space<vmem_shared>>) offsets(%dma_start3A_39 : memref<128xi32, #tpu.memory_space<vmem>>) semaphore(%run_scoped3A : memref<!tpu.dma_semaphore, #tpu.memory_space<semaphore_mem>>) {add = true}
          %dma_wait3A_43 = arith.constant 0 : i32
          %dma_wait3A_44 = tpu.memref_slice %arg9[%add3A_26, %dma_wait3A_43] : memref<79x128xi32, #tpu.memory_space<vmem>> -> memref<1x128xi32, #tpu.memory_space<vmem>>
          %dma_wait3A_45 = tpu.memref_squeeze %dma_wait3A_44 : memref<1x128xi32, #tpu.memory_space<vmem>> -> memref<128xi32, #tpu.memory_space<vmem>>
          %dma_wait3A_46 = arith.constant 0 : i32
          %dma_wait3A_47 = arith.constant 0 : i32
          %dma_wait3A_48 = tpu.memref_slice %arg11[%dma_wait3A_46, %dma_wait3A_47] : memref<10112x128xf32, #tpu.memory_space<vmem_shared>> -> memref<10112x128xf32, #tpu.memory_space<vmem_shared>>
          tpu.wait_indirect_dma semaphore(%run_scoped3A : memref<!tpu.dma_semaphore, #tpu.memory_space<semaphore_mem>>) src(%arg10 : memref<128x128xf32, #tpu.memory_space<vmem>>) dst(%dma_wait3A_48 : memref<10112x128xf32, #tpu.memory_space<vmem_shared>>)
          tpu.yield
        }) : () -> ()
      }
      %scan3A_11 = arith.constant 40 : i32
      %barrier3A_12 = arith.constant 0 : index
      tpu.barrier barrier_id(%barrier3A_12)
      %lt3A = arith.constant 15 : i32
      %lt3A_13 = arith.cmpi slt, %arg1, %lt3A : i32
      %convert_element_type3A_14 = arith.extui %lt3A_13 : i1 to i32
      %cond3A_15 = arith.constant 0 : i32
      %cond3A_16 = arith.cmpi ne, %convert_element_type3A_14, %cond3A_15 : i32
      scf.if %cond3A_16 {
        %mul3A_23 = arith.constant 632 : i32
        %mul3A_24 = arith.muli %arg1, %mul3A_23 : i32
        %multiple_of3A_25 = tpu.assume_multiple %mul3A_24, 8 : i32
        "tpu.region"() ({
          %run_scoped3A = tpu.sem_alloc : memref<!tpu.dma_semaphore, #tpu.memory_space<semaphore_mem>>
          %dma_start3A = arith.constant 0 : i32
          %dma_start3A_26 = tpu.memref_slice %arg7[%multiple_of3A_25, %dma_start3A] : memref<10000x128xf32, #tpu.memory_space<hbm>> -> memref<632x128xf32, #tpu.memory_space<hbm>>
          %dma_start3A_27 = arith.constant 0 : i32
          %dma_start3A_28 = tpu.memref_slice %arg11[%multiple_of3A_25, %dma_start3A_27] : memref<10112x128xf32, #tpu.memory_space<vmem_shared>> -> memref<632x128xf32, #tpu.memory_space<vmem_shared>>
          tpu.enqueue_dma source(%dma_start3A_28 : memref<632x128xf32, #tpu.memory_space<vmem_shared>>) target(%dma_start3A_26 : memref<632x128xf32, #tpu.memory_space<hbm>>) target_semaphore(%run_scoped3A : memref<!tpu.dma_semaphore, #tpu.memory_space<semaphore_mem>>)
          %dma_wait3A = arith.constant 0 : i32
          %dma_wait3A_29 = tpu.memref_slice %arg7[%multiple_of3A_25, %dma_wait3A] : memref<10000x128xf32, #tpu.memory_space<hbm>> -> memref<632x128xf32, #tpu.memory_space<hbm>>
          %dma_wait3A_30 = arith.constant 0 : i32
          %dma_wait3A_31 = tpu.memref_slice %arg11[%multiple_of3A_25, %dma_wait3A_30] : memref<10112x128xf32, #tpu.memory_space<vmem_shared>> -> memref<632x128xf32, #tpu.memory_space<vmem_shared>>
          tpu.wait_dma2 semaphore(%run_scoped3A : memref<!tpu.dma_semaphore, #tpu.memory_space<semaphore_mem>>) src(%dma_wait3A_31 : memref<632x128xf32, #tpu.memory_space<vmem_shared>>) dst(%dma_wait3A_29 : memref<632x128xf32, #tpu.memory_space<hbm>>)
          tpu.yield
        }) : () -> ()
      } else {
      }
      %eq3A_17 = arith.constant 15 : i32
      %eq3A_18 = arith.cmpi eq, %arg1, %eq3A_17 : i32
      %convert_element_type3A_19 = arith.extui %eq3A_18 : i1 to i32
      %cond3A_20 = arith.constant 0 : i32
      %cond3A_21 = arith.cmpi ne, %convert_element_type3A_19, %cond3A_20 : i32
      scf.if %cond3A_21 {
        "tpu.region"() ({
          %run_scoped3A = tpu.sem_alloc : memref<!tpu.dma_semaphore, #tpu.memory_space<semaphore_mem>>
          %dma_start3A = arith.constant 9480 : i32
          %dma_start3A_23 = arith.constant 0 : i32
          %dma_start3A_24 = tpu.memref_slice %arg7[%dma_start3A, %dma_start3A_23] : memref<10000x128xf32, #tpu.memory_space<hbm>> -> memref<520x128xf32, #tpu.memory_space<hbm>>
          %dma_start3A_25 = arith.constant 9480 : i32
          %dma_start3A_26 = arith.constant 0 : i32
          %dma_start3A_27 = tpu.memref_slice %arg11[%dma_start3A_25, %dma_start3A_26] : memref<10112x128xf32, #tpu.memory_space<vmem_shared>> -> memref<520x128xf32, #tpu.memory_space<vmem_shared>>
          tpu.enqueue_dma source(%dma_start3A_27 : memref<520x128xf32, #tpu.memory_space<vmem_shared>>) target(%dma_start3A_24 : memref<520x128xf32, #tpu.memory_space<hbm>>) target_semaphore(%run_scoped3A : memref<!tpu.dma_semaphore, #tpu.memory_space<semaphore_mem>>)
          %dma_wait3A = arith.constant 9480 : i32
          %dma_wait3A_28 = arith.constant 0 : i32
          %dma_wait3A_29 = tpu.memref_slice %arg7[%dma_wait3A, %dma_wait3A_28] : memref<10000x128xf32, #tpu.memory_space<hbm>> -> memref<520x128xf32, #tpu.memory_space<hbm>>
          %dma_wait3A_30 = arith.constant 9480 : i32
          %dma_wait3A_31 = arith.constant 0 : i32
          %dma_wait3A_32 = tpu.memref_slice %arg11[%dma_wait3A_30, %dma_wait3A_31] : memref<10112x128xf32, #tpu.memory_space<vmem_shared>> -> memref<520x128xf32, #tpu.memory_space<vmem_shared>>
          tpu.wait_dma2 semaphore(%run_scoped3A : memref<!tpu.dma_semaphore, #tpu.memory_space<semaphore_mem>>) src(%dma_wait3A_32 : memref<520x128xf32, #tpu.memory_space<vmem_shared>>) dst(%dma_wait3A_29 : memref<520x128xf32, #tpu.memory_space<hbm>>)
          tpu.yield
        }) : () -> ()
      } else {
      }
      %barrier3A_22 = arith.constant 0 : index
      tpu.barrier barrier_id(%barrier3A_22)
    } else {
    }
    return
  }
}

module attributes {stable_mosaic.version = 14 : i64} {
  func.func @body(%arg0: i32, %arg1: memref<1000x128xf32, #tpu.memory_space<vmem>>, %arg2: memref<1000x128xf32, #tpu.memory_space<vmem>>, %arg3: memref<1000x128xf32, #tpu.memory_space<vmem>>, %arg4: memref<1000x128xf32, #tpu.memory_space<vmem>>, %arg5: memref<1000x128xf32, #tpu.memory_space<vmem>>, %arg6: memref<1000x128xf32, #tpu.memory_space<vmem>>, %arg7: memref<512x256xf32, #tpu.memory_space<vmem>>, %arg8: memref<1x512xf32, #tpu.memory_space<vmem>>, %arg9: memref<1000x128xf32, #tpu.memory_space<vmem>>, %arg10: memref<1000x128xf32, #tpu.memory_space<vmem>>) attributes {dimension_semantics = [#tpu.dimension_semantics<arbitrary>], iteration_bounds = array<i64: 10>, scalar_prefetch = 0 : i64, scratch_operands = 0 : i64, tpu.core_type = #tpu.core_type<tc>, window_params = [{transform_indices = @transform_0, window_bounds = array<i64: 1000, 128>}, {transform_indices = @transform_1, window_bounds = array<i64: 1000, 128>}, {transform_indices = @transform_2, window_bounds = array<i64: 1000, 128>}, {transform_indices = @transform_3, window_bounds = array<i64: 1000, 128>}, {transform_indices = @transform_4, window_bounds = array<i64: 1000, 128>}, {transform_indices = @transform_5, window_bounds = array<i64: 1000, 128>}, {pipeline_mode = #tpu.pipeline_mode<synchronous>, transform_indices = @transform_6, window_bounds = array<i64: 512, 256>}, {pipeline_mode = #tpu.pipeline_mode<synchronous>, transform_indices = @transform_7, window_bounds = array<i64: 1, 512>}, {transform_indices = @transform_8, window_bounds = array<i64: 1000, 128>}, {transform_indices = @transform_9, window_bounds = array<i64: 1000, 128>}]} {
    %get3A = arith.constant 0 : index
    %get3A_0 = arith.constant 0 : index
    %get3A_1 = vector.load %arg1[%get3A, %get3A_0] : memref<1000x128xf32, #tpu.memory_space<vmem>>, vector<1000x128xf32>
    %get3A_2 = arith.constant 0 : index
    %get3A_3 = arith.constant 0 : index
    %get3A_4 = vector.load %arg2[%get3A_2, %get3A_3] : memref<1000x128xf32, #tpu.memory_space<vmem>>, vector<1000x128xf32>
    %get3A_5 = arith.constant 0 : index
    %get3A_6 = arith.constant 0 : index
    %get3A_7 = vector.load %arg3[%get3A_5, %get3A_6] : memref<1000x128xf32, #tpu.memory_space<vmem>>, vector<1000x128xf32>
    %get3A_8 = arith.constant 0 : index
    %get3A_9 = arith.constant 0 : index
    %get3A_10 = vector.load %arg4[%get3A_8, %get3A_9] : memref<1000x128xf32, #tpu.memory_space<vmem>>, vector<1000x128xf32>
    %concatenate3A = tpu.concatenate %get3A_1, %get3A_4, %get3A_7, %get3A_10 in 1 : vector<1000x128xf32>, vector<1000x128xf32>, vector<1000x128xf32>, vector<1000x128xf32> -> vector<1000x512xf32>
    %get3A_11 = arith.constant 0 : index
    %get3A_12 = arith.constant 0 : index
    %get3A_13 = vector.load %arg5[%get3A_11, %get3A_12] : memref<1000x128xf32, #tpu.memory_space<vmem>>, vector<1000x128xf32>
    %slice3A = vector.extract_strided_slice %get3A_13 {offsets = [0, 0], sizes = [1000, 1], strides = [1, 1]} : vector<1000x128xf32> to vector<1000x1xf32>
    %max3A = arith.constant 1.000000e+00 : f32
    %max3A_14 = vector.broadcast %max3A : f32 to vector<1000x1xf32>
    %max3A_15 = arith.maximumf %slice3A, %max3A_14 : vector<1000x1xf32>
    %rsqrt3A = math.rsqrt %max3A_15 : vector<1000x1xf32>
    %mul3A = vector.broadcast %rsqrt3A : vector<1000x1xf32> to vector<1000x512xf32>
    %mul3A_16 = arith.mulf %concatenate3A, %mul3A : vector<1000x512xf32>
    %get3A_17 = arith.constant 0 : index
    %get3A_18 = arith.constant 0 : index
    %get3A_19 = vector.load %arg8[%get3A_17, %get3A_18] : memref<1x512xf32, #tpu.memory_space<vmem>>, vector<1x512xf32>
    %add3A = vector.broadcast %get3A_19 : vector<1x512xf32> to vector<1000x512xf32>
    %add3A_20 = arith.addf %mul3A_16, %add3A : vector<1000x512xf32>
    %max3A_21 = arith.constant 0.000000e+00 : f32
    %max3A_22 = vector.broadcast %max3A_21 : f32 to vector<1000x512xf32>
    %max3A_23 = arith.maximumf %add3A_20, %max3A_22 : vector<1000x512xf32>
    %get3A_24 = arith.constant 0 : index
    %get3A_25 = arith.constant 0 : index
    %get3A_26 = vector.load %arg7[%get3A_24, %get3A_25] : memref<512x256xf32, #tpu.memory_space<vmem>>, vector<512x256xf32>
    %dot_general3A = arith.constant dense<0.000000e+00> : vector<1000x256xf32>
    %dot_general3A_27 = tpu.matmul %max3A_23, %get3A_26, %dot_general3A {dimension_numbers = #tpu.dot_dimension_numbers<[1], [0], [0], [1], [0, 0, 1, 1], [], []>, transpose_lhs_hint = false} : vector<1000x512xf32>, vector<512x256xf32>, vector<1000x256xf32> -> vector<1000x256xf32>
    %get3A_28 = arith.constant 0 : index
    %get3A_29 = arith.constant 0 : index
    %get3A_30 = vector.load %arg6[%get3A_28, %get3A_29] : memref<1000x128xf32, #tpu.memory_space<vmem>>, vector<1000x128xf32>
    %slice3A_31 = vector.extract_strided_slice %get3A_30 {offsets = [0, 0], sizes = [1000, 1], strides = [1, 1]} : vector<1000x128xf32> to vector<1000x1xf32>
    %max3A_32 = arith.constant 1.000000e+00 : f32
    %max3A_33 = vector.broadcast %max3A_32 : f32 to vector<1000x1xf32>
    %max3A_34 = arith.maximumf %slice3A_31, %max3A_33 : vector<1000x1xf32>
    %rsqrt3A_35 = math.rsqrt %max3A_34 : vector<1000x1xf32>
    %mul3A_36 = vector.broadcast %rsqrt3A_35 : vector<1000x1xf32> to vector<1000x256xf32>
    %mul3A_37 = arith.mulf %dot_general3A_27, %mul3A_36 : vector<1000x256xf32>
    %slice3A_38 = vector.extract_strided_slice %mul3A_37 {offsets = [0, 0], sizes = [1000, 128], strides = [1, 1]} : vector<1000x256xf32> to vector<1000x128xf32>
    %swap3A = arith.constant 0 : index
    %swap3A_39 = arith.constant 0 : index
    %swap3A_40 = vector.load %arg9[%swap3A, %swap3A_39] : memref<1000x128xf32, #tpu.memory_space<vmem>>, vector<1000x128xf32>
    tpu.vector_store %arg9[%swap3A, %swap3A_39], %slice3A_38 {strides = array<i32>} : memref<1000x128xf32, #tpu.memory_space<vmem>>, vector<1000x128xf32>,
    %slice3A_41 = vector.extract_strided_slice %mul3A_37 {offsets = [0, 128], sizes = [1000, 128], strides = [1, 1]} : vector<1000x256xf32> to vector<1000x128xf32>
    %swap3A_42 = arith.constant 0 : index
    %swap3A_43 = arith.constant 0 : index
    %swap3A_44 = vector.load %arg10[%swap3A_42, %swap3A_43] : memref<1000x128xf32, #tpu.memory_space<vmem>>, vector<1000x128xf32>
    tpu.vector_store %arg10[%swap3A_42, %swap3A_43], %slice3A_41 {strides = array<i32>} : memref<1000x128xf32, #tpu.memory_space<vmem>>, vector<1000x128xf32>,
    return
  }
  func.func @transform_0(%arg0: i32) -> (i32, i32) {
    %c0_i32 = arith.constant 0 : i32
    %c0_i32_0 = arith.constant 0 : i32
    return %arg0, %c0_i32 : i32, i32
  }
  func.func @transform_1(%arg0: i32) -> (i32, i32) {
    %c0_i32 = arith.constant 0 : i32
    %c0_i32_0 = arith.constant 0 : i32
    return %arg0, %c0_i32 : i32, i32
  }
  func.func @transform_2(%arg0: i32) -> (i32, i32) {
    %c0_i32 = arith.constant 0 : i32
    %c0_i32_0 = arith.constant 0 : i32
    return %arg0, %c0_i32 : i32, i32
  }
  func.func @transform_3(%arg0: i32) -> (i32, i32) {
    %c0_i32 = arith.constant 0 : i32
    %c0_i32_0 = arith.constant 0 : i32
    return %arg0, %c0_i32 : i32, i32
  }
  func.func @transform_4(%arg0: i32) -> (i32, i32) {
    %c0_i32 = arith.constant 0 : i32
    %c0_i32_0 = arith.constant 0 : i32
    return %arg0, %c0_i32 : i32, i32
  }
  func.func @transform_5(%arg0: i32) -> (i32, i32) {
    %c0_i32 = arith.constant 0 : i32
    %c0_i32_0 = arith.constant 0 : i32
    return %arg0, %c0_i32 : i32, i32
  }
  func.func @transform_6(%arg0: i32) -> (i32, i32) {
    %c0_i32 = arith.constant 0 : i32
    %c0_i32_0 = arith.constant 0 : i32
    %c0_i32_1 = arith.constant 0 : i32
    return %c0_i32, %c0_i32_0 : i32, i32
  }
  func.func @transform_7(%arg0: i32) -> (i32, i32) {
    %c0_i32 = arith.constant 0 : i32
    %c0_i32_0 = arith.constant 0 : i32
    %c0_i32_1 = arith.constant 0 : i32
    return %c0_i32, %c0_i32_0 : i32, i32
  }
  func.func @transform_8(%arg0: i32) -> (i32, i32) {
    %c0_i32 = arith.constant 0 : i32
    %c0_i32_0 = arith.constant 0 : i32
    return %arg0, %c0_i32 : i32, i32
  }
  func.func @transform_9(%arg0: i32) -> (i32, i32) {
    %c0_i32 = arith.constant 0 : i32
    %c0_i32_0 = arith.constant 0 : i32
    return %arg0, %c0_i32 : i32, i32
  }
}

module attributes {stable_mosaic.version = 14 : i64} {
  func.func @body(%arg0: i32, %arg1: memref<1000x256xf32, #tpu.memory_space<vmem>>, %arg2: memref<1000x256xf32, #tpu.memory_space<vmem>>, %arg3: memref<1000x128xf32, #tpu.memory_space<vmem>>, %arg4: memref<256x512xf32, #tpu.memory_space<vmem>>, %arg5: memref<256x512xf32, #tpu.memory_space<vmem>>, %arg6: memref<1000x128xf32, #tpu.memory_space<vmem>>, %arg7: memref<1000x128xf32, #tpu.memory_space<vmem>>, %arg8: memref<1000x128xf32, #tpu.memory_space<vmem>>, %arg9: memref<1000x128xf32, #tpu.memory_space<vmem>>) attributes {dimension_semantics = [#tpu.dimension_semantics<arbitrary>], iteration_bounds = array<i64: 10>, scalar_prefetch = 0 : i64, scratch_operands = 0 : i64, tpu.core_type = #tpu.core_type<tc>, window_params = [{transform_indices = @transform_0, window_bounds = array<i64: 1000, 256>}, {transform_indices = @transform_1, window_bounds = array<i64: 1000, 256>}, {transform_indices = @transform_2, window_bounds = array<i64: 1000, 128>}, {pipeline_mode = #tpu.pipeline_mode<synchronous>, transform_indices = @transform_3, window_bounds = array<i64: 256, 512>}, {pipeline_mode = #tpu.pipeline_mode<synchronous>, transform_indices = @transform_4, window_bounds = array<i64: 256, 512>}, {transform_indices = @transform_5, window_bounds = array<i64: 1000, 128>}, {transform_indices = @transform_6, window_bounds = array<i64: 1000, 128>}, {transform_indices = @transform_7, window_bounds = array<i64: 1000, 128>}, {transform_indices = @transform_8, window_bounds = array<i64: 1000, 128>}]} {
    %get3A = arith.constant 0 : index
    %get3A_0 = arith.constant 0 : index
    %get3A_1 = vector.load %arg1[%get3A, %get3A_0] : memref<1000x256xf32, #tpu.memory_space<vmem>>, vector<1000x256xf32>
    %get3A_2 = arith.constant 0 : index
    %get3A_3 = arith.constant 0 : index
    %get3A_4 = vector.load %arg4[%get3A_2, %get3A_3] : memref<256x512xf32, #tpu.memory_space<vmem>>, vector<256x512xf32>
    %dot_general3A = arith.constant dense<0.000000e+00> : vector<1000x512xf32>
    %dot_general3A_5 = tpu.matmul %get3A_1, %get3A_4, %dot_general3A {dimension_numbers = #tpu.dot_dimension_numbers<[1], [0], [0], [1], [0, 0, 1, 1], [], []>, transpose_lhs_hint = false} : vector<1000x256xf32>, vector<256x512xf32>, vector<1000x512xf32> -> vector<1000x512xf32>
    %get3A_6 = arith.constant 0 : index
    %get3A_7 = arith.constant 0 : index
    %get3A_8 = vector.load %arg2[%get3A_6, %get3A_7] : memref<1000x256xf32, #tpu.memory_space<vmem>>, vector<1000x256xf32>
    %get3A_9 = arith.constant 0 : index
    %get3A_10 = arith.constant 0 : index
    %get3A_11 = vector.load %arg5[%get3A_9, %get3A_10] : memref<256x512xf32, #tpu.memory_space<vmem>>, vector<256x512xf32>
    %dot_general3A_12 = arith.constant dense<0.000000e+00> : vector<1000x512xf32>
    %dot_general3A_13 = tpu.matmul %get3A_8, %get3A_11, %dot_general3A_12 {dimension_numbers = #tpu.dot_dimension_numbers<[1], [0], [0], [1], [0, 0, 1, 1], [], []>, transpose_lhs_hint = false} : vector<1000x256xf32>, vector<256x512xf32>, vector<1000x512xf32> -> vector<1000x512xf32>
    %add3A = arith.addf %dot_general3A_5, %dot_general3A_13 : vector<1000x512xf32>
    %get3A_14 = arith.constant 0 : index
    %get3A_15 = arith.constant 0 : index
    %get3A_16 = vector.load %arg3[%get3A_14, %get3A_15] : memref<1000x128xf32, #tpu.memory_space<vmem>>, vector<1000x128xf32>
    %slice3A = vector.extract_strided_slice %get3A_16 {offsets = [0, 0], sizes = [1000, 1], strides = [1, 1]} : vector<1000x128xf32> to vector<1000x1xf32>
    %max3A = arith.constant 1.000000e+00 : f32
    %max3A_17 = vector.broadcast %max3A : f32 to vector<1000x1xf32>
    %max3A_18 = arith.maximumf %slice3A, %max3A_17 : vector<1000x1xf32>
    %rsqrt3A = math.rsqrt %max3A_18 : vector<1000x1xf32>
    %mul3A = vector.broadcast %rsqrt3A : vector<1000x1xf32> to vector<1000x512xf32>
    %mul3A_19 = arith.mulf %add3A, %mul3A : vector<1000x512xf32>
    %slice3A_20 = vector.extract_strided_slice %mul3A_19 {offsets = [0, 0], sizes = [1000, 128], strides = [1, 1]} : vector<1000x512xf32> to vector<1000x128xf32>
    %swap3A = arith.constant 0 : index
    %swap3A_21 = arith.constant 0 : index
    %swap3A_22 = vector.load %arg6[%swap3A, %swap3A_21] : memref<1000x128xf32, #tpu.memory_space<vmem>>, vector<1000x128xf32>
    tpu.vector_store %arg6[%swap3A, %swap3A_21], %slice3A_20 {strides = array<i32>} : memref<1000x128xf32, #tpu.memory_space<vmem>>, vector<1000x128xf32>,
    %slice3A_23 = vector.extract_strided_slice %mul3A_19 {offsets = [0, 128], sizes = [1000, 128], strides = [1, 1]} : vector<1000x512xf32> to vector<1000x128xf32>
    %swap3A_24 = arith.constant 0 : index
    %swap3A_25 = arith.constant 0 : index
    %swap3A_26 = vector.load %arg7[%swap3A_24, %swap3A_25] : memref<1000x128xf32, #tpu.memory_space<vmem>>, vector<1000x128xf32>
    tpu.vector_store %arg7[%swap3A_24, %swap3A_25], %slice3A_23 {strides = array<i32>} : memref<1000x128xf32, #tpu.memory_space<vmem>>, vector<1000x128xf32>,
    %slice3A_27 = vector.extract_strided_slice %mul3A_19 {offsets = [0, 256], sizes = [1000, 128], strides = [1, 1]} : vector<1000x512xf32> to vector<1000x128xf32>
    %swap3A_28 = arith.constant 0 : index
    %swap3A_29 = arith.constant 0 : index
    %swap3A_30 = vector.load %arg8[%swap3A_28, %swap3A_29] : memref<1000x128xf32, #tpu.memory_space<vmem>>, vector<1000x128xf32>
    tpu.vector_store %arg8[%swap3A_28, %swap3A_29], %slice3A_27 {strides = array<i32>} : memref<1000x128xf32, #tpu.memory_space<vmem>>, vector<1000x128xf32>,
    %slice3A_31 = vector.extract_strided_slice %mul3A_19 {offsets = [0, 384], sizes = [1000, 128], strides = [1, 1]} : vector<1000x512xf32> to vector<1000x128xf32>
    %swap3A_32 = arith.constant 0 : index
    %swap3A_33 = arith.constant 0 : index
    %swap3A_34 = vector.load %arg9[%swap3A_32, %swap3A_33] : memref<1000x128xf32, #tpu.memory_space<vmem>>, vector<1000x128xf32>
    tpu.vector_store %arg9[%swap3A_32, %swap3A_33], %slice3A_31 {strides = array<i32>} : memref<1000x128xf32, #tpu.memory_space<vmem>>, vector<1000x128xf32>,
    return
  }
  func.func @transform_0(%arg0: i32) -> (i32, i32) {
    %c0_i32 = arith.constant 0 : i32
    %c0_i32_0 = arith.constant 0 : i32
    return %arg0, %c0_i32 : i32, i32
  }
  func.func @transform_1(%arg0: i32) -> (i32, i32) {
    %c0_i32 = arith.constant 0 : i32
    %c0_i32_0 = arith.constant 0 : i32
    return %arg0, %c0_i32 : i32, i32
  }
  func.func @transform_2(%arg0: i32) -> (i32, i32) {
    %c0_i32 = arith.constant 0 : i32
    %c0_i32_0 = arith.constant 0 : i32
    return %arg0, %c0_i32 : i32, i32
  }
  func.func @transform_3(%arg0: i32) -> (i32, i32) {
    %c0_i32 = arith.constant 0 : i32
    %c0_i32_0 = arith.constant 0 : i32
    %c0_i32_1 = arith.constant 0 : i32
    return %c0_i32, %c0_i32_0 : i32, i32
  }
  func.func @transform_4(%arg0: i32) -> (i32, i32) {
    %c0_i32 = arith.constant 0 : i32
    %c0_i32_0 = arith.constant 0 : i32
    %c0_i32_1 = arith.constant 0 : i32
    return %c0_i32, %c0_i32_0 : i32, i32
  }
  func.func @transform_5(%arg0: i32) -> (i32, i32) {
    %c0_i32 = arith.constant 0 : i32
    %c0_i32_0 = arith.constant 0 : i32
    return %arg0, %c0_i32 : i32, i32
  }
  func.func @transform_6(%arg0: i32) -> (i32, i32) {
    %c0_i32 = arith.constant 0 : i32
    %c0_i32_0 = arith.constant 0 : i32
    return %arg0, %c0_i32 : i32, i32
  }
  func.func @transform_7(%arg0: i32) -> (i32, i32) {
    %c0_i32 = arith.constant 0 : i32
    %c0_i32_0 = arith.constant 0 : i32
    return %arg0, %c0_i32 : i32, i32
  }
  func.func @transform_8(%arg0: i32) -> (i32, i32) {
    %c0_i32 = arith.constant 0 : i32
    %c0_i32_0 = arith.constant 0 : i32
    return %arg0, %c0_i32 : i32, i32
  }
}

module attributes {stable_mosaic.version = 14 : i64} {
  func.func @body(%arg0: i32, %arg1: memref<1000x128xf32, #tpu.memory_space<vmem>>, %arg2: memref<1000x128xf32, #tpu.memory_space<vmem>>, %arg3: memref<1000x128xf32, #tpu.memory_space<vmem>>, %arg4: memref<1000x128xf32, #tpu.memory_space<vmem>>, %arg5: memref<256x64xf32, #tpu.memory_space<vmem>>, %arg6: memref<1x256xf32, #tpu.memory_space<vmem>>, %arg7: memref<1000x128xf32, #tpu.memory_space<vmem>>) attributes {dimension_semantics = [#tpu.dimension_semantics<arbitrary>], iteration_bounds = array<i64: 10>, scalar_prefetch = 0 : i64, scratch_operands = 0 : i64, tpu.core_type = #tpu.core_type<tc>, window_params = [{transform_indices = @transform_0, window_bounds = array<i64: 1000, 128>}, {transform_indices = @transform_1, window_bounds = array<i64: 1000, 128>}, {transform_indices = @transform_2, window_bounds = array<i64: 1000, 128>}, {transform_indices = @transform_3, window_bounds = array<i64: 1000, 128>}, {pipeline_mode = #tpu.pipeline_mode<synchronous>, transform_indices = @transform_4, window_bounds = array<i64: 256, 64>}, {pipeline_mode = #tpu.pipeline_mode<synchronous>, transform_indices = @transform_5, window_bounds = array<i64: 1, 256>}, {transform_indices = @transform_6, window_bounds = array<i64: 1000, 128>}]} {
    %get3A = arith.constant 0 : index
    %get3A_0 = arith.constant 0 : index
    %get3A_1 = vector.load %arg1[%get3A, %get3A_0] : memref<1000x128xf32, #tpu.memory_space<vmem>>, vector<1000x128xf32>
    %get3A_2 = arith.constant 0 : index
    %get3A_3 = arith.constant 0 : index
    %get3A_4 = vector.load %arg2[%get3A_2, %get3A_3] : memref<1000x128xf32, #tpu.memory_space<vmem>>, vector<1000x128xf32>
    %concatenate3A = tpu.concatenate %get3A_1, %get3A_4 in 1 : vector<1000x128xf32>, vector<1000x128xf32> -> vector<1000x256xf32>
    %get3A_5 = arith.constant 0 : index
    %get3A_6 = arith.constant 0 : index
    %get3A_7 = vector.load %arg3[%get3A_5, %get3A_6] : memref<1000x128xf32, #tpu.memory_space<vmem>>, vector<1000x128xf32>
    %slice3A = vector.extract_strided_slice %get3A_7 {offsets = [0, 0], sizes = [1000, 1], strides = [1, 1]} : vector<1000x128xf32> to vector<1000x1xf32>
    %max3A = arith.constant 1.000000e+00 : f32
    %max3A_8 = vector.broadcast %max3A : f32 to vector<1000x1xf32>
    %max3A_9 = arith.maximumf %slice3A, %max3A_8 : vector<1000x1xf32>
    %rsqrt3A = math.rsqrt %max3A_9 : vector<1000x1xf32>
    %mul3A = vector.broadcast %rsqrt3A : vector<1000x1xf32> to vector<1000x256xf32>
    %mul3A_10 = arith.mulf %concatenate3A, %mul3A : vector<1000x256xf32>
    %get3A_11 = arith.constant 0 : index
    %get3A_12 = arith.constant 0 : index
    %get3A_13 = vector.load %arg6[%get3A_11, %get3A_12] : memref<1x256xf32, #tpu.memory_space<vmem>>, vector<1x256xf32>
    %add3A = vector.broadcast %get3A_13 : vector<1x256xf32> to vector<1000x256xf32>
    %add3A_14 = arith.addf %mul3A_10, %add3A : vector<1000x256xf32>
    %max3A_15 = arith.constant 0.000000e+00 : f32
    %max3A_16 = vector.broadcast %max3A_15 : f32 to vector<1000x256xf32>
    %max3A_17 = arith.maximumf %add3A_14, %max3A_16 : vector<1000x256xf32>
    %get3A_18 = arith.constant 0 : index
    %get3A_19 = arith.constant 0 : index
    %get3A_20 = vector.load %arg5[%get3A_18, %get3A_19] : memref<256x64xf32, #tpu.memory_space<vmem>>, vector<256x64xf32>
    %dot_general3A = arith.constant dense<0.000000e+00> : vector<1000x64xf32>
    %dot_general3A_21 = tpu.matmul %max3A_17, %get3A_20, %dot_general3A {dimension_numbers = #tpu.dot_dimension_numbers<[1], [0], [0], [1], [0, 0, 1, 1], [], []>, transpose_lhs_hint = false} : vector<1000x256xf32>, vector<256x64xf32>, vector<1000x64xf32> -> vector<1000x64xf32>
    %get3A_22 = arith.constant 0 : index
    %get3A_23 = arith.constant 0 : index
    %get3A_24 = vector.load %arg4[%get3A_22, %get3A_23] : memref<1000x128xf32, #tpu.memory_space<vmem>>, vector<1000x128xf32>
    %slice3A_25 = vector.extract_strided_slice %get3A_24 {offsets = [0, 0], sizes = [1000, 1], strides = [1, 1]} : vector<1000x128xf32> to vector<1000x1xf32>
    %max3A_26 = arith.constant 1.000000e+00 : f32
    %max3A_27 = vector.broadcast %max3A_26 : f32 to vector<1000x1xf32>
    %max3A_28 = arith.maximumf %slice3A_25, %max3A_27 : vector<1000x1xf32>
    %rsqrt3A_29 = math.rsqrt %max3A_28 : vector<1000x1xf32>
    %mul3A_30 = vector.broadcast %rsqrt3A_29 : vector<1000x1xf32> to vector<1000x64xf32>
    %mul3A_31 = arith.mulf %dot_general3A_21, %mul3A_30 : vector<1000x64xf32>
    %broadcast_in_dim3A = arith.constant 0.000000e+00 : f32
    %broadcast_in_dim3A_32 = vector.broadcast %broadcast_in_dim3A : f32 to vector<1000x64xf32>
    %concatenate3A_33 = tpu.concatenate %mul3A_31, %broadcast_in_dim3A_32 in 1 : vector<1000x64xf32>, vector<1000x64xf32> -> vector<1000x128xf32>
    %swap3A = arith.constant 0 : index
    %swap3A_34 = arith.constant 0 : index
    %swap3A_35 = vector.load %arg7[%swap3A, %swap3A_34] : memref<1000x128xf32, #tpu.memory_space<vmem>>, vector<1000x128xf32>
    tpu.vector_store %arg7[%swap3A, %swap3A_34], %concatenate3A_33 {strides = array<i32>} : memref<1000x128xf32, #tpu.memory_space<vmem>>, vector<1000x128xf32>,
    return
  }
  func.func @transform_0(%arg0: i32) -> (i32, i32) {
    %c0_i32 = arith.constant 0 : i32
    %c0_i32_0 = arith.constant 0 : i32
    return %arg0, %c0_i32 : i32, i32
  }
  func.func @transform_1(%arg0: i32) -> (i32, i32) {
    %c0_i32 = arith.constant 0 : i32
    %c0_i32_0 = arith.constant 0 : i32
    return %arg0, %c0_i32 : i32, i32
  }
  func.func @transform_2(%arg0: i32) -> (i32, i32) {
    %c0_i32 = arith.constant 0 : i32
    %c0_i32_0 = arith.constant 0 : i32
    return %arg0, %c0_i32 : i32, i32
  }
  func.func @transform_3(%arg0: i32) -> (i32, i32) {
    %c0_i32 = arith.constant 0 : i32
    %c0_i32_0 = arith.constant 0 : i32
    return %arg0, %c0_i32 : i32, i32
  }
  func.func @transform_4(%arg0: i32) -> (i32, i32) {
    %c0_i32 = arith.constant 0 : i32
    %c0_i32_0 = arith.constant 0 : i32
    %c0_i32_1 = arith.constant 0 : i32
    return %c0_i32, %c0_i32_0 : i32, i32
  }
  func.func @transform_5(%arg0: i32) -> (i32, i32) {
    %c0_i32 = arith.constant 0 : i32
    %c0_i32_0 = arith.constant 0 : i32
    %c0_i32_1 = arith.constant 0 : i32
    return %c0_i32, %c0_i32_0 : i32, i32
  }
  func.func @transform_6(%arg0: i32) -> (i32, i32) {
    %c0_i32 = arith.constant 0 : i32
    %c0_i32_0 = arith.constant 0 : i32
    return %arg0, %c0_i32 : i32, i32
  }
}

module attributes {stable_mosaic.version = 14 : i64} {
  func.func @body(%arg0: i32, %arg1: memref<1000x128xf32, #tpu.memory_space<vmem>>, %arg2: memref<1000x128xf32, #tpu.memory_space<vmem>>, %arg3: memref<1000x128xf32, #tpu.memory_space<vmem>>, %arg4: memref<1x64xf32, #tpu.memory_space<vmem>>, %arg5: memref<1x128xf32, #tpu.memory_space<vmem>>) attributes {dimension_semantics = [#tpu.dimension_semantics<arbitrary>], iteration_bounds = array<i64: 10>, scalar_prefetch = 0 : i64, scratch_operands = 0 : i64, tpu.core_type = #tpu.core_type<tc>, window_params = [{transform_indices = @transform_0, window_bounds = array<i64: 1000, 128>}, {transform_indices = @transform_1, window_bounds = array<i64: 1000, 128>}, {transform_indices = @transform_2, window_bounds = array<i64: 1000, 128>}, {pipeline_mode = #tpu.pipeline_mode<synchronous>, transform_indices = @transform_3, window_bounds = array<i64: 1, 64>}, {pipeline_mode = #tpu.pipeline_mode<synchronous>, transform_indices = @transform_4, window_bounds = array<i64: 1, 128>}]} {
    %get3A = arith.constant 0 : index
    %get3A_0 = arith.constant 0 : index
    %get3A_1 = vector.load %arg1[%get3A, %get3A_0] : memref<1000x128xf32, #tpu.memory_space<vmem>>, vector<1000x128xf32>
    %get3A_2 = arith.constant 0 : index
    %get3A_3 = arith.constant 0 : index
    %get3A_4 = vector.load %arg2[%get3A_2, %get3A_3] : memref<1000x128xf32, #tpu.memory_space<vmem>>, vector<1000x128xf32>
    %add3A = arith.addf %get3A_1, %get3A_4 : vector<1000x128xf32>
    %slice3A = vector.extract_strided_slice %add3A {offsets = [0, 0], sizes = [1000, 64], strides = [1, 1]} : vector<1000x128xf32> to vector<1000x64xf32>
    %get3A_5 = arith.constant 0 : index
    %get3A_6 = arith.constant 0 : index
    %get3A_7 = vector.load %arg3[%get3A_5, %get3A_6] : memref<1000x128xf32, #tpu.memory_space<vmem>>, vector<1000x128xf32>
    %slice3A_8 = vector.extract_strided_slice %get3A_7 {offsets = [0, 0], sizes = [1000, 1], strides = [1, 1]} : vector<1000x128xf32> to vector<1000x1xf32>
    %max3A = arith.constant 1.000000e+00 : f32
    %max3A_9 = vector.broadcast %max3A : f32 to vector<1000x1xf32>
    %max3A_10 = arith.maximumf %slice3A_8, %max3A_9 : vector<1000x1xf32>
    %rsqrt3A = math.rsqrt %max3A_10 : vector<1000x1xf32>
    %mul3A = vector.broadcast %rsqrt3A : vector<1000x1xf32> to vector<1000x64xf32>
    %mul3A_11 = arith.mulf %slice3A, %mul3A : vector<1000x64xf32>
    %get3A_12 = arith.constant 0 : index
    %get3A_13 = arith.constant 0 : index
    %get3A_14 = vector.load %arg4[%get3A_12, %get3A_13] : memref<1x64xf32, #tpu.memory_space<vmem>>, vector<1x64xf32>
    %add3A_15 = vector.broadcast %get3A_14 : vector<1x64xf32> to vector<1000x64xf32>
    %add3A_16 = arith.addf %mul3A_11, %add3A_15 : vector<1000x64xf32>
    %reduce_max3A = vector.shape_cast %add3A_16 : vector<1000x64xf32> to vector<1x1000x64xf32>
    %reduce_max3A_17 = arith.constant dense<0xFF800000> : vector<1xf32>
    %reduce_max3A_18 = vector.multi_reduction <maximumf>, %reduce_max3A, %reduce_max3A_17 [1, 2] : vector<1x1000x64xf32> to vector<1xf32>
    %reduce_max3A_19 = vector.shape_cast %reduce_max3A_18 : vector<1xf32> to vector<1x1x1xf32>
    %reduce_max3A_20 = vector.extract %reduce_max3A_19[0, 0, 0] : f32 from vector<1x1x1xf32>
    %eq3A = arith.constant 0 : i32
    %eq3A_21 = arith.cmpi eq, %arg0, %eq3A : i32
    %convert_element_type3A = arith.extui %eq3A_21 : i1 to i32
    %cond3A = arith.constant 0 : i32
    %cond3A_22 = arith.cmpi ne, %convert_element_type3A, %cond3A : i32
    scf.if %cond3A_22 {
      %broadcast_in_dim3A = arith.constant 0xFF800000 : f32
      %broadcast_in_dim3A_30 = vector.broadcast %broadcast_in_dim3A : f32 to vector<1x128xf32>
      %swap3A_31 = arith.constant 0 : index
      %swap3A_32 = arith.constant 0 : index
      %swap3A_33 = vector.load %arg5[%swap3A_31, %swap3A_32] : memref<1x128xf32, #tpu.memory_space<vmem>>, vector<1x128xf32>
      tpu.vector_store %arg5[%swap3A_31, %swap3A_32], %broadcast_in_dim3A_30 {strides = array<i32>} : memref<1x128xf32, #tpu.memory_space<vmem>>, vector<1x128xf32>,
    } else {
    }
    %get3A_23 = arith.constant 0 : index
    %get3A_24 = arith.constant 0 : index
    %get3A_25 = vector.load %arg5[%get3A_23, %get3A_24] : memref<1x128xf32, #tpu.memory_space<vmem>>, vector<1x128xf32>
    %max3A_26 = vector.broadcast %reduce_max3A_20 : f32 to vector<1x128xf32>
    %max3A_27 = arith.maximumf %get3A_25, %max3A_26 : vector<1x128xf32>
    %swap3A = arith.constant 0 : index
    %swap3A_28 = arith.constant 0 : index
    %swap3A_29 = vector.load %arg5[%swap3A, %swap3A_28] : memref<1x128xf32, #tpu.memory_space<vmem>>, vector<1x128xf32>
    tpu.vector_store %arg5[%swap3A, %swap3A_28], %max3A_27 {strides = array<i32>} : memref<1x128xf32, #tpu.memory_space<vmem>>, vector<1x128xf32>,
    return
  }
  func.func @transform_0(%arg0: i32) -> (i32, i32) {
    %c0_i32 = arith.constant 0 : i32
    %c0_i32_0 = arith.constant 0 : i32
    return %arg0, %c0_i32 : i32, i32
  }
  func.func @transform_1(%arg0: i32) -> (i32, i32) {
    %c0_i32 = arith.constant 0 : i32
    %c0_i32_0 = arith.constant 0 : i32
    return %arg0, %c0_i32 : i32, i32
  }
  func.func @transform_2(%arg0: i32) -> (i32, i32) {
    %c0_i32 = arith.constant 0 : i32
    %c0_i32_0 = arith.constant 0 : i32
    return %arg0, %c0_i32 : i32, i32
  }
  func.func @transform_3(%arg0: i32) -> (i32, i32) {
    %c0_i32 = arith.constant 0 : i32
    %c0_i32_0 = arith.constant 0 : i32
    %c0_i32_1 = arith.constant 0 : i32
    return %c0_i32, %c0_i32_0 : i32, i32
  }
  func.func @transform_4(%arg0: i32) -> (i32, i32) {
    %c0_i32 = arith.constant 0 : i32
    %c0_i32_0 = arith.constant 0 : i32
    %c0_i32_1 = arith.constant 0 : i32
    return %c0_i32, %c0_i32_0 : i32, i32
  }
}

</mosaic_0001>

<sc_bundles>
// kernel: kernel.10.cloned.1.call-start
scs
__scs_entry_jumppad:
0x0: {  	(pc) =	sbr.rel $0x88, $3  }
0x1: {  	(tag) =	ssettag $0x0;
	lr =	simm.s32 $0x1  }
0x2: {  	[smem:$0x3F98] =	sst lr;
	_ =	strace $0xD0000000  }
0x3: {  	_ = 	snop  }
0x4: {  	_ = 	snop  }
0x5: {  	_ = 	snop  }
0x6: {  	_ = 	snop  }
0x7: {  	_ = 	snop  }
__scs_overlays_trampoline_lowered:
0x8: {  	[smem:$0x3FA7] =	sst s0  }
0x9: {  	[smem:$0x3FA8] =	sst s1  }
0xa: {  	[smem:$0x3FA9] =	sst s2  }
0xb: {  	[smem:$0x3FAA] =	sst s3  }
0xc: {  	[smem:$0x3FAB] =	sst s4  }
0xd: {  	[smem:$0x3FAC] =	sst s5  }
0xe: {  	[smem:$0x3FAD] =	sst s6  }
0xf: {  	[smem:$0x3FAE] =	sst s7  }
0x10: {  	[smem:$0x3FAF] =	sst s8  }
0x11: {  	[smem:$0x3FB0] =	sst s9;
	s0 =	simm.s32 @!p0 $0x0  }
0x12: {  	s1 =	sld [smem:$0x3F96];
	s0 =	simm.s32 @p0 $0x1  }
0x13: {  	[smem:$0x3FB1] =	sst s0;
	s0 =	simm.s32 @!p1 $0x0  }
0x14: {  	s2 =	sld [smem:$0x3F95];
	s0 =	simm.s32 @p1 $0x1  }
0x15: {  	[smem:$0x3FB2] =	sst s0;
	s0 =	simm.s32 @!p2 $0x0  }
0x16: {  	s3 =	sld [smem:$0x3FDB];
	s0 =	simm.s32 @p2 $0x1  }
0x17: {  	s4 =	simm.s32 $0x1BF5;
	[smem:$0x3FB4] =	sst s0  }
0x18: {  	s0 =	sld [smem:$0x3F97];
	_ =	swait.ge [sflag:s4], $0x0  }
0x19: {  	s7 =	sld [smem:$0x3F98]  }
0x1a: {  	s8 =	sadd.s32 $0xFFFFE003, lr  }
0x1b: {  	s9 =	sadd.s32 $0xFFFFFEF7, lr;
	s5 =	simm.s32 $0xFFFFFFFF;
	p2 =	slt.u32 s8, $0xFFFFF086  }
0x1c: {  	p1 =	slt.u32 s9, $0xF7A;
	s5 =	simm.s32 @!p2 $0x0  }
0x1d: {  	s5 =	simm.s32 @p1 $0x1;
	p0 =	seq.s32 s7, s2  }
0x1e: {  	s7 =	smul.u32 @!p0 $0xF7A, s2;
	p2 =	seq.s32 @!p0 s5, $0x0  }
0x1f: {  	s9 =	smul.u32 $0xF7A, s1;
	s8 =	simm.s32 @!p0 $0x1BF5;
	p2 =	por !p2, p0  }
0x20: {  	[sflag:s8] =	ssyncset.s32 @!p0 $0xFFFFF086;
	s6 =	sadd.s32 @!p0 s3, s7;
	s7 =	simm.s32 @!p0 $0x108  }
0x21: {  	s3 =	sadd.s32 s3, s9;
	s6 =	sadd.s32 @!p0 $0x88, s6;
	s7 =	simm.s32 @p2 $0x1082  }
0x22: {  	[simem:s7], [sflag:s8] =	dma.local @!p0 [hbm:s6], $0xF7A  }
0x23: {  	s9 =	sor.u32 $0xD0000000, s2;
	s6 =	simm.s32 $0x108;
	_ =	swait.ge @!p0 [sflag:s8], $0x0  }
0x24: {  	s3 =	sadd.s32 $0x88, s3;
	s6 =	simm.s32 @!p1 $0x1082;
	[sflag:s4] =	ssyncset.s32 $0xFFFFF086  }
0x25: {  	[simem:s6], [sflag:s4] =	dma.local [hbm:s3], $0xF7A  }
0x26: {  	[smem:$0x3F98] =	sst s1;
	(tag) =	ssettag s2;
	_ =	strace s9  }
0x27: {  	s1 =	sld [smem:$0x3FA8]  }
0x28: {  	s2 =	sld [smem:$0x3FA9]  }
0x29: {  	s4 =	sld [smem:$0x3FAB]  }
0x2a: {  	p0 =	seq.s32 s5, $0x0;
	s5 =	sld [smem:$0x3FAC]  }
0x2b: {  	s6 =	sld [smem:$0x3FAD]  }
0x2c: {  	s7 =	sld [smem:$0x3FAE]  }
0x2d: {  	s3 =	simm.s32 $0x108;
	s8 =	sld [smem:$0x3FAF]  }
0x2e: {  	s3 =	simm.s32 @!p0 $0x1082;
	s9 =	sld [smem:$0x3FB0]  }
0x2f: {  	lr =	sadd.s32 s0, s3;
	s0 =	sld [smem:$0x3FA7]  }
0x30: {  	s3 =	sld [smem:$0x3FAA]  }
0x31: {  	[smem:$0x3FB3] =	sst s10  }
0x32: {  	s10 =	sld [smem:$0x3FB1];
	_ =	sdelay $0x3  }
0x33: {  	p0 =	seq.s32 s10, $0x1;
	s10 =	sld [smem:$0x3FB3];
	_ =	sdelay $0x3  }
0x34: {  	[smem:$0x3FB3] =	sst s10  }
0x35: {  	s10 =	sld [smem:$0x3FB2];
	_ =	sdelay $0x3  }
0x36: {  	p1 =	seq.s32 s10, $0x1;
	s10 =	sld [smem:$0x3FB3];
	_ =	sdelay $0x3  }
0x37: {  	[smem:$0x3FB3] =	sst s10  }
0x38: {  	s10 =	sld [smem:$0x3FB4]  }
0x39: {  	_ = 	snop;
	(pc) =	sbr.ind lr, $3  }
0x3a: {  	_ = 	snop  }
0x3b: {  	_ = 	snop  }
0x3c: {  	p2 =	seq.s32 s10, $0x1;
	s10 =	sld [smem:$0x3FB3]  }
0x3d: {  	_ =	shalt  }
0x3e: {  	_ =	shalt  }
0x3f: {  	_ =	shalt  }
0x40: {  	_ =	shalt  }
0x41: {  	_ =	shalt  }
0x42: {  	_ =	shalt  }
0x43: {  	_ =	shalt  }
0x44: {  	_ =	shalt  }
0x45: {  	_ =	shalt  }
0x46: {  	_ =	shalt  }
0x47: {  	_ =	shalt  }
0x48: {  	_ =	shalt  }
0x49: {  	_ =	shalt  }
0x4a: {  	_ =	shalt  }
0x4b: {  	_ =	shalt  }
0x4c: {  	_ =	shalt  }
0x4d: {  	_ =	shalt  }
0x4e: {  	_ =	shalt  }
0x4f: {  	_ =	shalt  }
0x50: {  	_ =	shalt  }
0x51: {  	_ =	shalt  }
0x52: {  	_ =	shalt  }
0x53: {  	_ =	shalt  }
0x54: {  	_ =	shalt  }
0x55: {  	_ =	shalt  }
0x56: {  	_ =	shalt  }
0x57: {  	_ =	shalt  }
0x58: {  	_ =	shalt  }
0x59: {  	_ =	shalt  }
0x5a: {  	_ =	shalt  }
0x5b: {  	_ =	shalt  }
0x5c: {  	_ =	shalt  }
0x5d: {  	_ =	shalt  }
0x5e: {  	_ =	shalt  }
0x5f: {  	_ =	shalt  }
0x60: {  	_ =	shalt  }
0x61: {  	_ =	shalt  }
0x62: {  	_ =	shalt  }
0x63: {  	_ =	shalt  }
0x64: {  	_ =	shalt  }
0x65: {  	_ =	shalt  }
0x66: {  	_ =	shalt  }
0x67: {  	_ =	shalt  }
0x68: {  	_ =	shalt  }
0x69: {  	_ =	shalt  }
0x6a: {  	_ =	shalt  }
0x6b: {  	_ =	shalt  }
0x6c: {  	_ =	shalt  }
0x6d: {  	_ =	shalt  }
0x6e: {  	_ =	shalt  }
0x6f: {  	_ =	shalt  }
0x70: {  	_ =	shalt  }
0x71: {  	_ =	shalt  }
0x72: {  	_ =	shalt  }
0x73: {  	_ =	shalt  }
0x74: {  	_ =	shalt  }
0x75: {  	_ =	shalt  }
0x76: {  	_ =	shalt  }
0x77: {  	_ =	shalt  }
0x78: {  	_ =	shalt  }
0x79: {  	_ =	shalt  }
0x7a: {  	_ =	shalt  }
0x7b: {  	_ =	shalt  }
0x7c: {  	_ =	shalt  }
0x7d: {  	_ =	shalt  }
0x7e: {  	_ =	shalt  }
0x7f: {  	_ =	shalt  }
0x80: {  	_ =	shalt  }
0x81: {  	_ =	shalt  }
0x82: {  	_ =	shalt  }
0x83: {  	_ =	shalt  }
0x84: {  	_ =	shalt  }
0x85: {  	_ =	shalt  }
0x86: {  	_ =	shalt  }
0x87: {  	_ =	shalt  }
.Lfunc_end0:
.L_simem_size_0:
called_computation_lowered:
.L_overlay_start_0:
0x88: {  	s2 =	sld [smem:$0x3FD9]  }
0x89: {  	s3 =	sld [smem:$0x3FFE];
	_ =	sdelay $0x1  }
0x8a: {  	s1 =	srdreg.scid  }
0x8b: {  	s0 =	sand.u32 $0x1, s1  }
0x8c: {  	s16 =	sshll.u32 s0, $0xA;
	s2 =	sadd.s32 s3, s2  }
0x8d: {  	s2 =	sadd.s32 s2, s16  }
0x8e: {  	[smem:$0x3FBF] =	sst s2  }
0x8f: {  	_ = 	snop  }
0x90: {  	(tm) =	ssettm $0x1  }
0x91: {  	s17 =	sld [smem:$0x3FFB];
	_ =	sdelay $0x3  }
0x92: {  	_ =	strace s17  }
0x93: {  	s2 =	sld [smem:$0x3FFC];
	_ =	sdelay $0x3  }
0x94: {  	_ =	strace s2  }
0x95: {  	s2 =	sld [smem:$0x3FFD];
	_ =	sdelay $0x3  }
0x96: {  	_ =	strace s2  }
0x97: {  	_ =	strace $0x8FFFFFFF  }
0x98: {  	s18 =	sld [smem:$0x3FDB];
	_ =	sdelay $0x1  }
0x99: {  	s19 =	simm.s32 $_scs_section_size  }
0x9a: {  	s4 =	simm.s32 $_size__tile_overlayer_lowered;
	s5 =	simm.s32 $_tile_overlayer_lowered  }
0x9b: {  	s22 =	simm.s32 $0x1BFF;
	s21 =	sshll.u32 s5, $0x1;
	s2 =	sadd.s32 s19, s18  }
0x9c: {  	s6 =	simm.s32 $0x0;
	s20 =	sshll.u32 s4, $0x1;
	s4 =	sadd.s32 s21, s2  }
0x9d: {  	[timem:s6], [sflag:s22] =	dma.local [hbm:s4], s20  }
0x9e: {  	_ =	swait.ge [sflag:s22], s20  }
0x9f: {  	s3 =	ssub.s32 $0x0, s20;
	[sflag:s22] =	ssyncset.done $0x0  }
0xa0: {  	[sflag:s22] =	ssyncadd.s32 s3;
	_ =	sdelay $0x1  }
0xa1: {  	s23 =	simm.s32 $0x1B8B  }
0xa2: {  	_ =	swait.ge [sflag:s23], $0x1  }
0xa3: {  	[sflag:s23] =	ssyncset.done $0x0  }
0xa4: {  	s25 =	simm.s32 $0x1B8E;
	s24 =	sld [smem:$0x3FFE];
	[sflag:s23] =	ssyncadd.s32 $0xFFFFFFFF  }
0xa5: {  	s26 =	simm.s32 $execute0_lowered;
	[smem:$0x3FD2] =	sst s25  }
0xa6: {  	s4 =	sshll.u32 s26, $0x1;
	_ =	strace $0x80000046;
	[dreg:$0x1] =	wrdreg $0xFFFFFFFF  }
0xa7: {  	s28 =	simm.s32 $_size_execute0_lowered;
	s2 =	sadd.s32 s2, s4;
	[dreg:$0x0] =	wrdreg $0x0  }
0xa8: {  	s4 =	sshll.u32 s28, $0x1;
	[dreg:$0x2] =	wrdreg s2  }
0xa9: {  	[dreg:$0x3] =	wrdreg s4  }
0xaa: {  	[dreg:$0x4] =	wrdreg $0xC0  }
0xab: {  	_ =	task [dreg:s6], $0x5FFFF  }
0xac: {  	[dreg:$0x1] =	wrdreg $0xFFFFFFFF  }
0xad: {  	[dreg:$0x0] =	wrdreg $0x60  }
0xae: {  	[dreg:$0x2] =	wrdreg s24  }
0xaf: {  	[dreg:$0x3] =	wrdreg $0x68000  }
0xb0: {  	[dreg:$0x4] =	wrdreg $0x9  }
0xb1: {  	_ =	task.clear_ibuf [dreg:s6], $0x5FFFF;
	_ =	strace $0x90000046  }
0xb2: {  	s29 =	simm.s32 $0x9;
	_ =	strace $0x80000048  }
0xb3: {  	_ =	swait.ge [sflag:s29], $0x1  }
0xb4: {  	[sflag:s29] =	ssyncadd.s32 $0xFFFFFFFF  }
0xb5: {  	_ =	strace $0x90000048  }
0xb6: {  	_ =	sfence  }
0xb7: {  	s30 =	sld [smem:$0x0];
	_ =	sdelay $0x2  }
0xb8: {  	s31 =	sshll.u32 s1, $0xD;
	s1 =	sshrl.u32 s1, $0x2  }
0xb9: {  	s3 =	sand.u32 $0x4000, s31;
	s1 =	sadd.s32 s1, s30  }
0xba: {  	s0 =	sor.u32 s3, s0;
	s1 =	sshll.u32 s1, $0x11  }
0xbb: {  	s0 =	sor.u32 s1, s0  }
0xbc: {  	s0 =	sadd.s32 $0x8F2B, s0  }
0xbd: {  	[sflag:s0] =	ssyncadd.remote.s32 $0x1  }
0xbe: {  	_ =	sfence.sel $0xFFFF  }
0xbf: {  	[dreg:$0x0] =	wrdreg $0xFFFFFFFF;
	(pc) =	sbr.abs _section_cstart, $3  }
0xc0: {  	[dreg:$0x1] =	wrdreg $0xFFFFFFFF  }
0xc1: {  	_ =	task.clear_ibuf [dreg:s6], $0x2FFFF;
	_ =	strace $0x9FFFFFFF  }
0xc2: {  	(tm) =	ssettm $0x7FFFFFFF  }
0xc3: {  	_ =	shalt  }
tec
execute0_lowered:
.L_overlay_start_1:
0x0: {  	(tag) =	ssettag $0x1  }
0x1: {  	s12 =	rddreg [dreg:$0x0]  }
0x2: {  	s2 =	rddreg [dreg:$0x1]  }
0x3: {  	s0 =	rddreg [dreg:$0x2];
	s3 =	simm.s32 $0x0;
	s1 =	stileid.u32  }
0x4: {  	s5 =	srdreg.scid;
	s15 =	simm.s32 $0x1;
	s16 =	simm.s32 $0x2800  }
0x5: {  	s17 =	simm.s32 $0x80;
	s20 =	simm.s32 $0x0;
	s4 =	smul.u32 $0x500, s1  }
0x6: {  	[smem:$0x7FF] =	sst s3;
	s6 =	smul.u32 $0x2780, s1;
	s7 =	sand.u32 $0x1, s5  }
0x7: {  	s8 =	smul.u32 $0x4F000, s1;
	s5 =	sadd.s32 $0xEE00, s12;
	s18 =	sadd.s32 $0x128400, s2  }
0x8: {  	s31 =	sshll.u32 s1, $0x6;
	p1 =	seq.s32 s1, $0xF;
	_ =	strace $0x80000047  }
0x9: {  	s9 =	ssub.s32 $0x2, s7;
	p0 =	seq.s32 s7, $0x1;
	s18 =	sshrl.u32 @p1 s18, $0x3  }
0xa: {  	s10 =	sadd.s32 s4, s12;
	s4 =	sadd.s32 $0x11600, s12;
	s11 =	sadd.s32 s6, s12  }
.Ltmp0:
0xb: {  	s30 =	sshrl.u32 s9, $0x1;
	s8 =	sshrl.u32 s8, $0x2;
	(pc) =	sbr.rel .LBB2_1-.Ltmp0, $4  }
0xc: {  	s6 =	sor.u32 $0x1C01, s31;
	s13 =	ssub.s32 s9, s30;
	s19 =	sadd.s32 s8, s2  }
0xd: {  	s7 =	sadd.s32 $0x9E00, s10;
	s8 =	sadd.s32 $0x39000, s11;
	s9 =	sadd.s32 $0x5E080, s12  }
0xe: {  	s10 =	sadd.s32 $0x4E00, s10;
	s11 =	sadd.s32 $0x11E00, s11;
	s12 =	sadd.s32 $0x36E80, s12  }
0xf: {  	s13 =	smax.u32 s13, $0x1;
	s14 =	sshrl.u32 s19, $0x3;
	s19 =	sshrl.u32 @!p1 s19, $0x3  }
.LBB2_7:
0x10: {  	[sflag:s15] =	ssyncadd.s32 $0xFFFFC000  }
0x11: {  	s21 =	simm.s32 @p1 $0x1;
	[bflag:$0x0] =	sbarrier.arrive $0xFFFF  }
0x12: {  	[hbm:s12], [sflag:s6] =	dma.local @p1 [spmem:s18], $0x2080  }
0x13: {  	_ =	swait.ge @p1 [sflag:s21], $0x2080  }
0x14: {  	[sflag:s21] =	ssyncset.done @p1 $0x0  }
0x15: {  	[sflag:s21] =	ssyncadd.s32 @p1 $0xFFFFDF80;
	s21 =	simm.s32 @!p1 $0x1  }
0x16: {  	[hbm:s11], [sflag:s6] =	dma.local @!p1 [spmem:s19], $0x2780  }
0x17: {  	_ =	swait.ge @!p1 [sflag:s21], $0x2780  }
0x18: {  	[sflag:s21] =	ssyncset.done @!p1 $0x0  }
0x19: {  	[sflag:s21] =	ssyncadd.s32 @!p1 $0xFFFFD880  }
.LBB2_8:
0x1a: {  	s20 =	sadd.s32 $0x1, s20  }
0x1b: {  	p2 =	sne.s32 s20, s13  }
.Ltmp1:
0x1c: {  	_ = 	snop;
	(pc) =	sbr.rel @!p2 .LBB2_9-.Ltmp1, $1  }
0x1d: {  	_ =	sdelay $0x3  }
.LBB2_1:
0x1e: {  	[spmem:s14], [sflag:s6] =	dma.local [hbm:s5], $0x2780  }
0x1f: {  	_ =	swait.ge [sflag:s15], $0x2780  }
0x20: {  	[sflag:s15] =	ssyncset.done $0x0  }
0x21: {  	[sflag:s15] =	ssyncadd.s32 $0xFFFFD880  }
0x22: {  	[tilespmem:s16], [sflag:$0x1] =	stream.linear.gather [hbm4b:s4+s3], $0x4000, $0x38;
	[tilespmem:$0x1A400] =	vst v63  }
.Ltmp2:
0x23: {  	_ =	swait.ge [sflag:s15], $0x4000;
	(pc) =	sbr.rel @!p0 .LBB2_2-.Ltmp2, $4  }
0x24: {  	[sflag:s15] =	ssyncset.done $0x0  }
0x25: {  	[sflag:s15] =	ssyncadd.s32 $0xFFFFC000  }
0x26: {  	[bflag:$0x0] =	sbarrier.arrive $0xFFFF  }
0x27: {  	s21 =	simm.s32 $0x0  }
0x28: {  	[tilespmem:s21], [sflag:$0x1] =	stream.linear.gather [hbm4b:s10+s21], $0x2780, $0x38;
	[tilespmem:$0x1A400] =	vst v63  }
0x29: {  	_ =	swait.ge [sflag:s15], $0x2780  }
0x2a: {  	[sflag:s15] =	ssyncset.done $0x0  }
0x2b: {  	s31 =	simm.s32 $0x0;
	[sflag:s15] =	ssyncadd.s32 $0xFFFFD880  }
0x2c: {  	[spmem:s2] =	stream.indirect.scatter.add.f32 [tilespmem:s16], [sflag:$0x1], $0x80, s31, s17, $0xb8;
	[tilespmem:$0x1A400] =	vst v63  }
0x2d: {  	_ =	swait.ge [sflag:s15], $0x4000  }
0x2e: {  	s21 =	simm.s32 $0x200;
	[sflag:s15] =	ssyncset.done $0x0  }
.LBB2_6:
0x2f: {  	s22 =	sshra.s32 s21, $0x2;
	[sflag:s15] =	ssyncadd.s32 $0xFFFFC000;
	p2 =	sne.s32 s21, $0x9C00  }
0x30: {  	[spmem:s2] =	stream.indirect.scatter.add.f32 [tilespmem:s16], [sflag:$0x1], $0x80, s22, s17, $0xb8;
	[tilespmem:$0x1A400] =	vst v63  }
.Ltmp3:
0x31: {  	_ = 	snop;
	(pc) =	sbr.rel @p2 .LBB2_6-.Ltmp3, $4  }
0x32: {  	_ = 	snop  }
0x33: {  	s21 =	sadd.s32 $0x200, s21  }
0x34: {  	_ =	swait.ge [sflag:s15], $0x4000  }
0x35: {  	[sflag:s15] =	ssyncset.done $0x0  }
.Ltmp4:
0x36: {  	_ = 	snop;
	(pc) =	sbr.rel .LBB2_7-.Ltmp4, $1  }
0x37: {  	_ =	sdelay $0x3  }
.LBB2_2:
0x38: {  	[tilespmem:s21], [sflag:$0x1] =	stream.linear.gather [hbm4b:s7+s21], $0x2780, $0x38;
	[tilespmem:$0x1A400] =	vst v63  }
0x39: {  	_ =	swait.ge [sflag:s15], $0x2780  }
0x3a: {  	[sflag:s15] =	ssyncset.done $0x0  }
0x3b: {  	s31 =	simm.s32 $0x0;
	[sflag:s15] =	ssyncadd.s32 $0xFFFFD880  }
0x3c: {  	[spmem:s2] =	stream.indirect.scatter.add.f32 [tilespmem:s16], [sflag:$0x1], $0x80, s31, s17, $0xb8;
	[tilespmem:$0x1A400] =	vst v63  }
0x3d: {  	_ =	swait.ge [sflag:s15], $0x4000  }
0x3e: {  	s21 =	simm.s32 $0x200;
	[sflag:s15] =	ssyncset.done $0x0  }
.LBB2_3:
0x3f: {  	s22 =	sshra.s32 s21, $0x2;
	[sflag:s15] =	ssyncadd.s32 $0xFFFFC000;
	p2 =	sne.s32 s21, $0x9C00  }
0x40: {  	[spmem:s2] =	stream.indirect.scatter.add.f32 [tilespmem:s16], [sflag:$0x1], $0x80, s22, s17, $0xb8;
	[tilespmem:$0x1A400] =	vst v63  }
.Ltmp5:
0x41: {  	_ = 	snop;
	(pc) =	sbr.rel @p2 .LBB2_3-.Ltmp5, $4  }
0x42: {  	_ = 	snop  }
0x43: {  	s21 =	sadd.s32 $0x200, s21  }
0x44: {  	_ =	swait.ge [sflag:s15], $0x4000  }
0x45: {  	[sflag:s15] =	ssyncset.done $0x0  }
0x46: {  	[sflag:s15] =	ssyncadd.s32 $0xFFFFC000  }
0x47: {  	s21 =	simm.s32 @p1 $0x1;
	[bflag:$0x0] =	sbarrier.arrive $0xFFFF  }
0x48: {  	[hbm:s9], [sflag:s6] =	dma.local @p1 [spmem:s18], $0x2080  }
0x49: {  	_ =	swait.ge @p1 [sflag:s21], $0x2080  }
0x4a: {  	[sflag:s21] =	ssyncset.done @p1 $0x0  }
.Ltmp6:
0x4b: {  	[sflag:s21] =	ssyncadd.s32 @p1 $0xFFFFDF80;
	s21 =	simm.s32 @!p1 $0x1;
	(pc) =	sbr.rel .LBB2_8-.Ltmp6, $4  }
0x4c: {  	[hbm:s8], [sflag:s6] =	dma.local @!p1 [spmem:s19], $0x2780  }
0x4d: {  	_ =	swait.ge @!p1 [sflag:s21], $0x2780  }
0x4e: {  	[sflag:s21] =	ssyncset.done @!p1 $0x0  }
0x4f: {  	[sflag:s21] =	ssyncadd.s32 @!p1 $0xFFFFD880  }
.LBB2_9:
0x50: {  	_ =	sfence.sel $0x180000  }
0x51: {  	[bflag:$0x0] =	sbarrier.arrive $0xFFFF  }
0x52: {  	p0 =	sne.s32 s1, $0x0;
	_ =	strace $0x90000047  }
0x53: {  	s0 =	sadd.s32 @!p0 $0x100000, s0;
	[bflag:$0x2] =	sbarrier.arrive $0xFFFF  }
0x54: {  	[sflag:s0] =	ssyncadd.tile.s32 @!p0 $0x1;
	_ =	shalt  }
.Lfunc_end2:
_tile_overlayer_lowered:
.L_overlay_start_2:
0x55: {  	(tag) =	ssettag $0x2  }
0x56: {  	s0 =	rddreg [dreg:$0x0];
	s2 =	stileid.u32  }
0x57: {  	s1 =	rddreg [dreg:$0x1];
	p0 =	sne.s32 s2, $0x0  }
0x58: {  	s3 =	rddreg [dreg:$0x2];
	[bflag:$0x3] =	sbarrier.arrive $0xFFFF;
	s2 =	simm.s32 @!p0 $0x1C01  }
0x59: {  	[timem:s3], [sflag:s2] =	dma.local @!p0 [hbm:s0], s1  }
0x5a: {  	s0 =	simm.s32 @!p0 $0x1  }
0x5b: {  	_ =	swait.ge @!p0 [sflag:s0], s1  }
0x5c: {  	s1 =	ssub.s32 @!p0 $0x0, s1;
	[sflag:s0] =	ssyncset.done @!p0 $0x0  }
0x5d: {  	[sflag:s0] =	ssyncadd.s32 @!p0 s1  }
0x5e: {  	[bflag:$0x3] =	sbarrier.arrive $0xFFFF  }
0x5f: {  	_ =	shalt  }

// kernel: kernel.13.cloned.1.call-start
scs
__scs_entry_jumppad:
0x0: {  	(pc) =	sbr.rel $0x88, $3  }
0x1: {  	(tag) =	ssettag $0x0;
	lr =	simm.s32 $0x1  }
0x2: {  	[smem:$0x3F98] =	sst lr;
	_ =	strace $0xD0000000  }
0x3: {  	_ = 	snop  }
0x4: {  	_ = 	snop  }
0x5: {  	_ = 	snop  }
0x6: {  	_ = 	snop  }
0x7: {  	_ = 	snop  }
__scs_overlays_trampoline_lowered:
0x8: {  	[smem:$0x3FA7] =	sst s0  }
0x9: {  	[smem:$0x3FA8] =	sst s1  }
0xa: {  	[smem:$0x3FA9] =	sst s2  }
0xb: {  	[smem:$0x3FAA] =	sst s3  }
0xc: {  	[smem:$0x3FAB] =	sst s4  }
0xd: {  	[smem:$0x3FAC] =	sst s5  }
0xe: {  	[smem:$0x3FAD] =	sst s6  }
0xf: {  	[smem:$0x3FAE] =	sst s7  }
0x10: {  	[smem:$0x3FAF] =	sst s8  }
0x11: {  	[smem:$0x3FB0] =	sst s9;
	s0 =	simm.s32 @!p0 $0x0  }
0x12: {  	s1 =	sld [smem:$0x3F96];
	s0 =	simm.s32 @p0 $0x1  }
0x13: {  	[smem:$0x3FB1] =	sst s0;
	s0 =	simm.s32 @!p1 $0x0  }
0x14: {  	s2 =	sld [smem:$0x3F95];
	s0 =	simm.s32 @p1 $0x1  }
0x15: {  	[smem:$0x3FB2] =	sst s0;
	s0 =	simm.s32 @!p2 $0x0  }
0x16: {  	s3 =	sld [smem:$0x3FDB];
	s0 =	simm.s32 @p2 $0x1  }
0x17: {  	s4 =	simm.s32 $0x1BF5;
	[smem:$0x3FB4] =	sst s0  }
0x18: {  	s0 =	sld [smem:$0x3F97];
	_ =	swait.ge [sflag:s4], $0x0  }
0x19: {  	s7 =	sld [smem:$0x3F98]  }
0x1a: {  	s8 =	sadd.s32 $0xFFFFE003, lr  }
0x1b: {  	s9 =	sadd.s32 $0xFFFFFEF7, lr;
	s5 =	simm.s32 $0xFFFFFFFF;
	p2 =	slt.u32 s8, $0xFFFFF086  }
0x1c: {  	p1 =	slt.u32 s9, $0xF7A;
	s5 =	simm.s32 @!p2 $0x0  }
0x1d: {  	s5 =	simm.s32 @p1 $0x1;
	p0 =	seq.s32 s7, s2  }
0x1e: {  	s7 =	smul.u32 @!p0 $0xF7A, s2;
	p2 =	seq.s32 @!p0 s5, $0x0  }
0x1f: {  	s9 =	smul.u32 $0xF7A, s1;
	s8 =	simm.s32 @!p0 $0x1BF5;
	p2 =	por !p2, p0  }
0x20: {  	[sflag:s8] =	ssyncset.s32 @!p0 $0xFFFFF086;
	s6 =	sadd.s32 @!p0 s3, s7;
	s7 =	simm.s32 @!p0 $0x108  }
0x21: {  	s3 =	sadd.s32 s3, s9;
	s6 =	sadd.s32 @!p0 $0x88, s6;
	s7 =	simm.s32 @p2 $0x1082  }
0x22: {  	[simem:s7], [sflag:s8] =	dma.local @!p0 [hbm:s6], $0xF7A  }
0x23: {  	s9 =	sor.u32 $0xD0000000, s2;
	s6 =	simm.s32 $0x108;
	_ =	swait.ge @!p0 [sflag:s8], $0x0  }
0x24: {  	s3 =	sadd.s32 $0x88, s3;
	s6 =	simm.s32 @!p1 $0x1082;
	[sflag:s4] =	ssyncset.s32 $0xFFFFF086  }
0x25: {  	[simem:s6], [sflag:s4] =	dma.local [hbm:s3], $0xF7A  }
0x26: {  	[smem:$0x3F98] =	sst s1;
	(tag) =	ssettag s2;
	_ =	strace s9  }
0x27: {  	s1 =	sld [smem:$0x3FA8]  }
0x28: {  	s2 =	sld [smem:$0x3FA9]  }
0x29: {  	s4 =	sld [smem:$0x3FAB]  }
0x2a: {  	p0 =	seq.s32 s5, $0x0;
	s5 =	sld [smem:$0x3FAC]  }
0x2b: {  	s6 =	sld [smem:$0x3FAD]  }
0x2c: {  	s7 =	sld [smem:$0x3FAE]  }
0x2d: {  	s3 =	simm.s32 $0x108;
	s8 =	sld [smem:$0x3FAF]  }
0x2e: {  	s3 =	simm.s32 @!p0 $0x1082;
	s9 =	sld [smem:$0x3FB0]  }
0x2f: {  	lr =	sadd.s32 s0, s3;
	s0 =	sld [smem:$0x3FA7]  }
0x30: {  	s3 =	sld [smem:$0x3FAA]  }
0x31: {  	[smem:$0x3FB3] =	sst s10  }
0x32: {  	s10 =	sld [smem:$0x3FB1];
	_ =	sdelay $0x3  }
0x33: {  	p0 =	seq.s32 s10, $0x1;
	s10 =	sld [smem:$0x3FB3];
	_ =	sdelay $0x3  }
0x34: {  	[smem:$0x3FB3] =	sst s10  }
0x35: {  	s10 =	sld [smem:$0x3FB2];
	_ =	sdelay $0x3  }
0x36: {  	p1 =	seq.s32 s10, $0x1;
	s10 =	sld [smem:$0x3FB3];
	_ =	sdelay $0x3  }
0x37: {  	[smem:$0x3FB3] =	sst s10  }
0x38: {  	s10 =	sld [smem:$0x3FB4]  }
0x39: {  	_ = 	snop;
	(pc) =	sbr.ind lr, $3  }
0x3a: {  	_ = 	snop  }
0x3b: {  	_ = 	snop  }
0x3c: {  	p2 =	seq.s32 s10, $0x1;
	s10 =	sld [smem:$0x3FB3]  }
0x3d: {  	_ =	shalt  }
0x3e: {  	_ =	shalt  }
0x3f: {  	_ =	shalt  }
0x40: {  	_ =	shalt  }
0x41: {  	_ =	shalt  }
0x42: {  	_ =	shalt  }
0x43: {  	_ =	shalt  }
0x44: {  	_ =	shalt  }
0x45: {  	_ =	shalt  }
0x46: {  	_ =	shalt  }
0x47: {  	_ =	shalt  }
0x48: {  	_ =	shalt  }
0x49: {  	_ =	shalt  }
0x4a: {  	_ =	shalt  }
0x4b: {  	_ =	shalt  }
0x4c: {  	_ =	shalt  }
0x4d: {  	_ =	shalt  }
0x4e: {  	_ =	shalt  }
0x4f: {  	_ =	shalt  }
0x50: {  	_ =	shalt  }
0x51: {  	_ =	shalt  }
0x52: {  	_ =	shalt  }
0x53: {  	_ =	shalt  }
0x54: {  	_ =	shalt  }
0x55: {  	_ =	shalt  }
0x56: {  	_ =	shalt  }
0x57: {  	_ =	shalt  }
0x58: {  	_ =	shalt  }
0x59: {  	_ =	shalt  }
0x5a: {  	_ =	shalt  }
0x5b: {  	_ =	shalt  }
0x5c: {  	_ =	shalt  }
0x5d: {  	_ =	shalt  }
0x5e: {  	_ =	shalt  }
0x5f: {  	_ =	shalt  }
0x60: {  	_ =	shalt  }
0x61: {  	_ =	shalt  }
0x62: {  	_ =	shalt  }
0x63: {  	_ =	shalt  }
0x64: {  	_ =	shalt  }
0x65: {  	_ =	shalt  }
0x66: {  	_ =	shalt  }
0x67: {  	_ =	shalt  }
0x68: {  	_ =	shalt  }
0x69: {  	_ =	shalt  }
0x6a: {  	_ =	shalt  }
0x6b: {  	_ =	shalt  }
0x6c: {  	_ =	shalt  }
0x6d: {  	_ =	shalt  }
0x6e: {  	_ =	shalt  }
0x6f: {  	_ =	shalt  }
0x70: {  	_ =	shalt  }
0x71: {  	_ =	shalt  }
0x72: {  	_ =	shalt  }
0x73: {  	_ =	shalt  }
0x74: {  	_ =	shalt  }
0x75: {  	_ =	shalt  }
0x76: {  	_ =	shalt  }
0x77: {  	_ =	shalt  }
0x78: {  	_ =	shalt  }
0x79: {  	_ =	shalt  }
0x7a: {  	_ =	shalt  }
0x7b: {  	_ =	shalt  }
0x7c: {  	_ =	shalt  }
0x7d: {  	_ =	shalt  }
0x7e: {  	_ =	shalt  }
0x7f: {  	_ =	shalt  }
0x80: {  	_ =	shalt  }
0x81: {  	_ =	shalt  }
0x82: {  	_ =	shalt  }
0x83: {  	_ =	shalt  }
0x84: {  	_ =	shalt  }
0x85: {  	_ =	shalt  }
0x86: {  	_ =	shalt  }
0x87: {  	_ =	shalt  }
.Lfunc_end0:
.L_simem_size_0:
called_computation.1_lowered:
.L_overlay_start_0:
0x88: {  	s2 =	sld [smem:$0x3FD9]  }
0x89: {  	s3 =	sld [smem:$0x3FFE];
	_ =	sdelay $0x1  }
0x8a: {  	s1 =	srdreg.scid  }
0x8b: {  	s0 =	sand.u32 $0x1, s1  }
0x8c: {  	s16 =	sshll.u32 s0, $0xA;
	s2 =	sadd.s32 s3, s2  }
0x8d: {  	s2 =	sadd.s32 s2, s16  }
0x8e: {  	[smem:$0x3FBF] =	sst s2  }
0x8f: {  	_ = 	snop  }
0x90: {  	(tm) =	ssettm $0x1  }
0x91: {  	s17 =	sld [smem:$0x3FFB];
	_ =	sdelay $0x3  }
0x92: {  	_ =	strace s17  }
0x93: {  	s2 =	sld [smem:$0x3FFC];
	_ =	sdelay $0x3  }
0x94: {  	_ =	strace s2  }
0x95: {  	s2 =	sld [smem:$0x3FFD];
	_ =	sdelay $0x3  }
0x96: {  	_ =	strace s2  }
0x97: {  	_ =	strace $0x8FFFFFFF  }
0x98: {  	s18 =	sld [smem:$0x3FDB];
	_ =	sdelay $0x1  }
0x99: {  	s19 =	simm.s32 $_scs_section_size  }
0x9a: {  	s4 =	simm.s32 $_size__tile_overlayer_lowered;
	s5 =	simm.s32 $_tile_overlayer_lowered  }
0x9b: {  	s22 =	simm.s32 $0x1BFF;
	s21 =	sshll.u32 s5, $0x1;
	s2 =	sadd.s32 s19, s18  }
0x9c: {  	s6 =	simm.s32 $0x0;
	s20 =	sshll.u32 s4, $0x1;
	s4 =	sadd.s32 s21, s2  }
0x9d: {  	[timem:s6], [sflag:s22] =	dma.local [hbm:s4], s20  }
0x9e: {  	_ =	swait.ge [sflag:s22], s20  }
0x9f: {  	s3 =	ssub.s32 $0x0, s20;
	[sflag:s22] =	ssyncset.done $0x0  }
0xa0: {  	[sflag:s22] =	ssyncadd.s32 s3;
	_ =	sdelay $0x1  }
0xa1: {  	s23 =	simm.s32 $0x1B8B  }
0xa2: {  	_ =	swait.ge [sflag:s23], $0x1  }
0xa3: {  	[sflag:s23] =	ssyncset.done $0x0  }
0xa4: {  	s25 =	simm.s32 $0x1B8E;
	s24 =	sld [smem:$0x3FFE];
	[sflag:s23] =	ssyncadd.s32 $0xFFFFFFFF  }
0xa5: {  	s26 =	simm.s32 $execute0_lowered;
	[smem:$0x3FD2] =	sst s25  }
0xa6: {  	s4 =	sshll.u32 s26, $0x1;
	_ =	strace $0x80000049;
	[dreg:$0x1] =	wrdreg $0xFFFFFFFF  }
0xa7: {  	s28 =	simm.s32 $_size_execute0_lowered;
	s2 =	sadd.s32 s2, s4;
	[dreg:$0x0] =	wrdreg $0x0  }
0xa8: {  	s4 =	sshll.u32 s28, $0x1;
	[dreg:$0x2] =	wrdreg s2  }
0xa9: {  	[dreg:$0x3] =	wrdreg s4  }
0xaa: {  	[dreg:$0x4] =	wrdreg $0xC0  }
0xab: {  	_ =	task [dreg:s6], $0x5FFFF  }
0xac: {  	[dreg:$0x1] =	wrdreg $0xFFFFFFFF  }
0xad: {  	[dreg:$0x0] =	wrdreg $0x60  }
0xae: {  	[dreg:$0x2] =	wrdreg s24  }
0xaf: {  	[dreg:$0x3] =	wrdreg $0x90000  }
0xb0: {  	[dreg:$0x4] =	wrdreg $0x9  }
0xb1: {  	_ =	task.clear_ibuf [dreg:s6], $0x5FFFF;
	_ =	strace $0x90000049  }
0xb2: {  	s29 =	simm.s32 $0x9;
	_ =	strace $0x8000004B  }
0xb3: {  	_ =	swait.ge [sflag:s29], $0x1  }
0xb4: {  	[sflag:s29] =	ssyncadd.s32 $0xFFFFFFFF  }
0xb5: {  	_ =	strace $0x9000004B  }
0xb6: {  	_ =	sfence  }
0xb7: {  	s30 =	sld [smem:$0x0];
	_ =	sdelay $0x2  }
0xb8: {  	s31 =	sshll.u32 s1, $0xD;
	s1 =	sshrl.u32 s1, $0x2  }
0xb9: {  	s3 =	sand.u32 $0x4000, s31;
	s1 =	sadd.s32 s1, s30  }
0xba: {  	s0 =	sor.u32 s3, s0;
	s1 =	sshll.u32 s1, $0x11  }
0xbb: {  	s0 =	sor.u32 s1, s0  }
0xbc: {  	s0 =	sadd.s32 $0x8F2B, s0  }
0xbd: {  	[sflag:s0] =	ssyncadd.remote.s32 $0x1  }
0xbe: {  	_ =	sfence.sel $0xFFFF  }
0xbf: {  	[dreg:$0x0] =	wrdreg $0xFFFFFFFF;
	(pc) =	sbr.abs _section_cstart, $3  }
0xc0: {  	[dreg:$0x1] =	wrdreg $0xFFFFFFFF  }
0xc1: {  	_ =	task.clear_ibuf [dreg:s6], $0x2FFFF;
	_ =	strace $0x9FFFFFFF  }
0xc2: {  	(tm) =	ssettm $0x7FFFFFFF  }
0xc3: {  	_ =	shalt  }
tec
execute0_lowered:
.L_overlay_start_1:
0x0: {  	(tag) =	ssettag $0x1  }
0x1: {  	s0 =	rddreg [dreg:$0x0]  }
0x2: {  	s2 =	rddreg [dreg:$0x1]  }
0x3: {  	s3 =	simm.s32 $0x0;
	s14 =	stileid.u32;
	s6 =	srdreg.scid  }
0x4: {  	s22 =	simm.s32 $0x2;
	s28 =	simm.s32 $0x5000;
	[smem:$0x7FF] =	sst s3  }
0x5: {  	s1 =	smul.u32 $0x500, s14;
	s4 =	sadd.s32 $0xEE00, s0;
	s5 =	sadd.s32 $0x65200, s0  }
0x6: {  	s9 =	smul.u32 $0x2780, s14;
	s11 =	sand.u32 $0x1, s6;
	s6 =	sadd.s32 $0x8C400, s0  }
0x7: {  	s7 =	sadd.s32 $0xB3600, s0;
	s8 =	sadd.s32 $0xDA800, s0;
	s23 =	smul.u32 $0x4F000, s14  }
0x8: {  	s29 =	simm.s32 $0x1;
	s25 =	sadd.s32 $0x126A80, s0;
	s15 =	sadd.s32 $0x174E80, s0  }
0x9: {  	s30 =	simm.s32 $0x0;
	s18 =	sadd.s32 $0x14DC80, s0;
	s20 =	sadd.s32 $0x19C080, s0  }
0xa: {  	s31 =	sshll.u32 s14, $0x6;
	p1 =	seq.s32 s14, $0xF;
	_ =	strace $0x8000004A  }
0xb: {  	s12 =	ssub.s32 $0x2, s11;
	p0 =	seq.s32 s11, $0x1;
	[dreg:$0x4] =	wrdreg s25  }
0xc: {  	s1 =	sadd.s32 s1, s0;
	s19 =	sadd.s32 s9, s0;
	s13 =	sshrl.u32 s12, $0x1  }
0xd: {  	s9 =	sadd.s32 $0x60200, s1;
	s10 =	sadd.s32 $0x4E00, s1;
	s24 =	sadd.s32 $0x101A00, s19  }
.Ltmp0:
0xe: {  	s21 =	ssub.s32 s12, s13;
	s12 =	sadd.s32 $0x128400, s2;
	(pc) =	sbr.rel .LBB2_1-.Ltmp0, $4  }
0xf: {  	s26 =	sadd.s32 $0x14FE00, s19;
	s1 =	sshrl.u32 s23, $0x2;
	s16 =	sadd.s32 $0x128C00, s19  }
0x10: {  	s19 =	sadd.s32 $0x177000, s19;
	s23 =	simm.s32 $0x2800;
	[dreg:$0x3] =	wrdreg s24  }
0x11: {  	[dreg:$0x5] =	wrdreg s26;
	s17 =	sadd.s32 s1, s2;
	s21 =	smax.u32 s21, $0x1  }
0x12: {  	s24 =	sor.u32 $0x1C02, s31;
	s26 =	simm.s32 $0x80;
	s25 =	sshrl.u32 s17, $0x3  }
.LBB2_11:
0x13: {  	s1 =	sshra.s32 s1, $0x2;
	[sflag:s22] =	ssyncadd.s32 $0xFFFFC000  }
0x14: {  	[tilespmem:s28], [sflag:$0x1] =	stream.indirect.gather [hbm4b:s8+s26], $0x80, s1, s26, $0xb8;
	[tilespmem:$0x1CC00] =	vst v63  }
0x15: {  	_ =	swait.ge [sflag:s29], $0x4000  }
0x16: {  	[sflag:s29] =	ssyncset.done $0x0  }
0x17: {  	s1 =	sadd.s32 $0x2800, s1;
	[sflag:s29] =	ssyncadd.s32 $0xFFFFC000  }
0x18: {  	[spmem:s2] =	stream.indirect.scatter.add.f32 [tilespmem:s28], [sflag:$0x2], $0x80, s1, s26, $0xb8;
	[tilespmem:$0x1CC00] =	vst v63  }
0x19: {  	_ =	swait.ge [sflag:s22], $0x4000  }
0x1a: {  	[sflag:s22] =	ssyncset.done $0x0  }
0x1b: {  	[sflag:s22] =	ssyncadd.s32 $0xFFFFC000  }
0x1c: {  	[bflag:$0x0] =	sbarrier.arrive $0xFFFF  }
0x1d: {  	[hbm:s20], [sflag:s24] =	dma.local @p1 [spmem:s0], $0x2080  }
0x1e: {  	s0 =	simm.s32 @p1 $0x2  }
0x1f: {  	_ =	swait.ge @p1 [sflag:s0], $0x2080  }
0x20: {  	[sflag:s0] =	ssyncset.done @p1 $0x0  }
0x21: {  	[sflag:s0] =	ssyncadd.s32 @p1 $0xFFFFDF80;
	s0 =	simm.s32 @!p1 $0x2  }
0x22: {  	[hbm:s19], [sflag:s24] =	dma.local @!p1 [spmem:s31], $0x2780  }
0x23: {  	_ =	swait.ge @!p1 [sflag:s0], $0x2780  }
0x24: {  	[sflag:s0] =	ssyncset.done @!p1 $0x0  }
0x25: {  	[sflag:s0] =	ssyncadd.s32 @!p1 $0xFFFFD880  }
.LBB2_12:
0x26: {  	s30 =	sadd.s32 $0x1, s30  }
0x27: {  	p2 =	sne.s32 s30, s21  }
.Ltmp1:
0x28: {  	_ = 	snop;
	(pc) =	sbr.rel @!p2 .LBB2_13-.Ltmp1, $2  }
0x29: {  	_ =	sdelay $0x1  }
0x2a: {  	[bflag:$0x0] =	sbarrier.arrive $0xFFFF;
	_ =	sdelay $0x1  }
.LBB2_1:
0x2b: {  	[tilespmem:s3], [sflag:$0x2] =	stream.linear.gather [hbm4b:s9+s3], $0x2780, $0x38;
	[tilespmem:$0x1CC00] =	vst v63  }
0x2c: {  	_ =	swait.ge [sflag:s22], $0x2780  }
0x2d: {  	[sflag:s22] =	ssyncset.done $0x0  }
0x2e: {  	[sflag:s22] =	ssyncadd.s32 $0xFFFFD880  }
0x2f: {  	[tilespmem:s23], [sflag:$0x2] =	stream.linear.gather [hbm4b:s10+s3], $0x2780, $0x38;
	[tilespmem:$0x1CC00] =	vst v63  }
0x30: {  	_ =	swait.ge [sflag:s22], $0x2780  }
0x31: {  	[sflag:s22] =	ssyncset.done $0x0  }
0x32: {  	[sflag:s22] =	ssyncadd.s32 $0xFFFFD880  }
0x33: {  	[spmem:s25], [sflag:s24] =	dma.local [hbm:s4], $0x2780  }
.Ltmp2:
0x34: {  	_ =	swait.ge [sflag:s22], $0x2780;
	(pc) =	sbr.rel @!p0 .LBB2_2-.Ltmp2, $4  }
0x35: {  	[sflag:s22] =	ssyncset.done $0x0  }
0x36: {  	[sflag:s22] =	ssyncadd.s32 $0xFFFFD880  }
0x37: {  	[bflag:$0x0] =	sbarrier.arrive $0xFFFF  }
0x38: {  	s0 =	sshrl.u32 @p1 s12, $0x3;
	s31 =	sshrl.u32 @!p1 s17, $0x3;
	s1 =	simm.s32 $0x0  }
0x39: {  	[tilespmem:s28], [sflag:$0x1] =	stream.indirect.gather [hbm4b:s6+s26], $0x80, s1, s26, $0xb8;
	[tilespmem:$0x1CC00] =	vst v63  }
0x3a: {  	_ =	swait.ge [sflag:s29], $0x4000  }
0x3b: {  	[sflag:s29] =	ssyncset.done $0x0  }
0x3c: {  	s14 =	simm.s32 $0x2800;
	[sflag:s29] =	ssyncadd.s32 $0xFFFFC000  }
0x3d: {  	[spmem:s2] =	stream.indirect.scatter.add.f32 [tilespmem:s28], [sflag:$0x2], $0x80, s14, s26, $0xb8;
	[tilespmem:$0x1CC00] =	vst v63  }
0x3e: {  	_ =	swait.ge [sflag:s22], $0x4000  }
0x3f: {  	s1 =	simm.s32 $0x200;
	s11 =	simm.s32 $0x400;
	[sflag:s22] =	ssyncset.done $0x0  }
.LBB2_8:
0x40: {  	s13 =	sshra.s32 s1, $0x2  }
0x41: {  	[sflag:s22] =	ssyncadd.s32 $0xFFFFC000;
	s1 =	smov.u32 s11;
	s14 =	sadd.s32 $0x200, s11  }
0x42: {  	[tilespmem:s28], [sflag:$0x1] =	stream.indirect.gather [hbm4b:s6+s26], $0x80, s13, s26, $0xb8;
	[tilespmem:$0x1CC00] =	vst v63  }
0x43: {  	p2 =	sne.s32 s11, $0x9C00;
	_ =	swait.ge [sflag:s29], $0x4000  }
.Ltmp3:
0x44: {  	[sflag:s29] =	ssyncset.done $0x0;
	(pc) =	sbr.rel @p2 .LBB2_8-.Ltmp3, $4  }
0x45: {  	s11 =	sadd.s32 $0x2800, s13;
	[sflag:s29] =	ssyncadd.s32 $0xFFFFC000  }
0x46: {  	[spmem:s2] =	stream.indirect.scatter.add.f32 [tilespmem:s28], [sflag:$0x2], $0x80, s11, s26, $0xb8;
	[tilespmem:$0x1CC00] =	vst v63  }
0x47: {  	_ =	swait.ge [sflag:s22], $0x4000  }
0x48: {  	s11 =	smov.u32 s14;
	[sflag:s22] =	ssyncset.done $0x0  }
0x49: {  	s1 =	sshra.s32 s1, $0x2;
	[sflag:s22] =	ssyncadd.s32 $0xFFFFC000  }
0x4a: {  	[tilespmem:s28], [sflag:$0x1] =	stream.indirect.gather [hbm4b:s6+s26], $0x80, s1, s26, $0xb8;
	[tilespmem:$0x1CC00] =	vst v63  }
0x4b: {  	_ =	swait.ge [sflag:s29], $0x4000  }
0x4c: {  	[sflag:s29] =	ssyncset.done $0x0  }
0x4d: {  	s1 =	sadd.s32 $0x2800, s1;
	[sflag:s29] =	ssyncadd.s32 $0xFFFFC000  }
0x4e: {  	[spmem:s2] =	stream.indirect.scatter.add.f32 [tilespmem:s28], [sflag:$0x2], $0x80, s1, s26, $0xb8;
	[tilespmem:$0x1CC00] =	vst v63  }
0x4f: {  	_ =	swait.ge [sflag:s22], $0x4000  }
0x50: {  	[sflag:s22] =	ssyncset.done $0x0  }
0x51: {  	[sflag:s22] =	ssyncadd.s32 $0xFFFFC000  }
0x52: {  	s1 =	simm.s32 @p1 $0x2;
	[bflag:$0x0] =	sbarrier.arrive $0xFFFF  }
0x53: {  	[hbm:s18], [sflag:s24] =	dma.local @p1 [spmem:s0], $0x2080  }
0x54: {  	_ =	swait.ge @p1 [sflag:s1], $0x2080  }
0x55: {  	[sflag:s1] =	ssyncset.done @p1 $0x0  }
0x56: {  	[sflag:s1] =	ssyncadd.s32 @p1 $0xFFFFDF80;
	s1 =	simm.s32 @!p1 $0x2  }
0x57: {  	[hbm:s16], [sflag:s24] =	dma.local @!p1 [spmem:s31], $0x2780  }
0x58: {  	_ =	swait.ge @!p1 [sflag:s1], $0x2780  }
0x59: {  	[sflag:s1] =	ssyncset.done @!p1 $0x0  }
0x5a: {  	[sflag:s1] =	ssyncadd.s32 @!p1 $0xFFFFD880  }
0x5b: {  	[bflag:$0x0] =	sbarrier.arrive $0xFFFF  }
0x5c: {  	[spmem:s25], [sflag:s24] =	dma.local [hbm:s4], $0x2780  }
0x5d: {  	_ =	swait.ge [sflag:s22], $0x2780  }
0x5e: {  	[sflag:s22] =	ssyncset.done $0x0  }
0x5f: {  	[sflag:s22] =	ssyncadd.s32 $0xFFFFD880  }
0x60: {  	s13 =	simm.s32 $0x0;
	[bflag:$0x0] =	sbarrier.arrive $0xFFFF  }
0x61: {  	[tilespmem:s28], [sflag:$0x1] =	stream.indirect.gather [hbm4b:s8+s26], $0x80, s13, s26, $0xb8;
	[tilespmem:$0x1CC00] =	vst v63  }
0x62: {  	_ =	swait.ge [sflag:s29], $0x4000  }
0x63: {  	[sflag:s29] =	ssyncset.done $0x0  }
0x64: {  	s14 =	simm.s32 $0x2800;
	[sflag:s29] =	ssyncadd.s32 $0xFFFFC000  }
0x65: {  	[spmem:s2] =	stream.indirect.scatter.add.f32 [tilespmem:s28], [sflag:$0x2], $0x80, s14, s26, $0xb8;
	[tilespmem:$0x1CC00] =	vst v63  }
0x66: {  	_ =	swait.ge [sflag:s22], $0x4000  }
0x67: {  	s11 =	simm.s32 $0x400;
	s1 =	simm.s32 $0x200;
	[sflag:s22] =	ssyncset.done $0x0  }
.LBB2_10:
0x68: {  	s13 =	sshra.s32 s1, $0x2  }
0x69: {  	[sflag:s22] =	ssyncadd.s32 $0xFFFFC000;
	s1 =	smov.u32 s11;
	s14 =	sadd.s32 $0x200, s11  }
0x6a: {  	[tilespmem:s28], [sflag:$0x1] =	stream.indirect.gather [hbm4b:s8+s26], $0x80, s13, s26, $0xb8;
	[tilespmem:$0x1CC00] =	vst v63  }
0x6b: {  	p2 =	sne.s32 s11, $0x9C00;
	_ =	swait.ge [sflag:s29], $0x4000  }
.Ltmp4:
0x6c: {  	[sflag:s29] =	ssyncset.done $0x0;
	(pc) =	sbr.rel @p2 .LBB2_10-.Ltmp4, $4  }
0x6d: {  	s11 =	sadd.s32 $0x2800, s13;
	[sflag:s29] =	ssyncadd.s32 $0xFFFFC000  }
0x6e: {  	[spmem:s2] =	stream.indirect.scatter.add.f32 [tilespmem:s28], [sflag:$0x2], $0x80, s11, s26, $0xb8;
	[tilespmem:$0x1CC00] =	vst v63  }
0x6f: {  	_ =	swait.ge [sflag:s22], $0x4000  }
0x70: {  	s11 =	smov.u32 s14;
	[sflag:s22] =	ssyncset.done $0x0  }
.Ltmp5:
0x71: {  	_ = 	snop;
	(pc) =	sbr.rel .LBB2_11-.Ltmp5, $1  }
0x72: {  	_ =	sdelay $0x3  }
.LBB2_2:
0x73: {  	[tilespmem:s28], [sflag:$0x1] =	stream.indirect.gather [hbm4b:s5+s26], $0x80, s1, s26, $0xb8;
	[tilespmem:$0x1CC00] =	vst v63  }
0x74: {  	_ =	swait.ge [sflag:s29], $0x4000  }
0x75: {  	[sflag:s29] =	ssyncset.done $0x0  }
0x76: {  	s14 =	simm.s32 $0x2800;
	[sflag:s29] =	ssyncadd.s32 $0xFFFFC000  }
0x77: {  	[spmem:s2] =	stream.indirect.scatter.add.f32 [tilespmem:s28], [sflag:$0x2], $0x80, s14, s26, $0xb8;
	[tilespmem:$0x1CC00] =	vst v63  }
0x78: {  	_ =	swait.ge [sflag:s22], $0x4000  }
0x79: {  	s1 =	simm.s32 $0x200;
	s11 =	simm.s32 $0x400;
	[sflag:s22] =	ssyncset.done $0x0  }
.LBB2_3:
0x7a: {  	s13 =	sshra.s32 s1, $0x2  }
0x7b: {  	[sflag:s22] =	ssyncadd.s32 $0xFFFFC000;
	s1 =	smov.u32 s11;
	s14 =	sadd.s32 $0x200, s11  }
0x7c: {  	[tilespmem:s28], [sflag:$0x1] =	stream.indirect.gather [hbm4b:s5+s26], $0x80, s13, s26, $0xb8;
	[tilespmem:$0x1CC00] =	vst v63  }
0x7d: {  	p2 =	sne.s32 s11, $0x9C00;
	_ =	swait.ge [sflag:s29], $0x4000  }
.Ltmp6:
0x7e: {  	[sflag:s29] =	ssyncset.done $0x0;
	(pc) =	sbr.rel @p2 .LBB2_3-.Ltmp6, $4  }
0x7f: {  	s11 =	sadd.s32 $0x2800, s13;
	[sflag:s29] =	ssyncadd.s32 $0xFFFFC000  }
0x80: {  	[spmem:s2] =	stream.indirect.scatter.add.f32 [tilespmem:s28], [sflag:$0x2], $0x80, s11, s26, $0xb8;
	[tilespmem:$0x1CC00] =	vst v63  }
0x81: {  	_ =	swait.ge [sflag:s22], $0x4000  }
0x82: {  	s11 =	smov.u32 s14;
	[sflag:s22] =	ssyncset.done $0x0  }
0x83: {  	s1 =	sshra.s32 s1, $0x2;
	[sflag:s22] =	ssyncadd.s32 $0xFFFFC000  }
0x84: {  	[tilespmem:s28], [sflag:$0x1] =	stream.indirect.gather [hbm4b:s5+s26], $0x80, s1, s26, $0xb8;
	[tilespmem:$0x1CC00] =	vst v63  }
0x85: {  	_ =	swait.ge [sflag:s29], $0x4000  }
0x86: {  	[sflag:s29] =	ssyncset.done $0x0  }
0x87: {  	s1 =	sadd.s32 $0x2800, s1;
	[sflag:s29] =	ssyncadd.s32 $0xFFFFC000  }
0x88: {  	[spmem:s2] =	stream.indirect.scatter.add.f32 [tilespmem:s28], [sflag:$0x2], $0x80, s1, s26, $0xb8;
	[tilespmem:$0x1CC00] =	vst v63  }
0x89: {  	_ =	swait.ge [sflag:s22], $0x4000  }
0x8a: {  	[sflag:s22] =	ssyncset.done $0x0  }
0x8b: {  	[sflag:s22] =	ssyncadd.s32 $0xFFFFC000  }
0x8c: {  	[bflag:$0x0] =	sbarrier.arrive $0xFFFF  }
0x8d: {  	s1 =	rddreg [dreg:$0x4]  }
0x8e: {  	[hbm:s1], [sflag:s24] =	dma.local @p1 [spmem:s0], $0x2080  }
0x8f: {  	s1 =	simm.s32 @p1 $0x2  }
0x90: {  	_ =	swait.ge @p1 [sflag:s1], $0x2080  }
0x91: {  	[sflag:s1] =	ssyncset.done @p1 $0x0  }
0x92: {  	[sflag:s1] =	ssyncadd.s32 @p1 $0xFFFFDF80;
	s1 =	rddreg [dreg:$0x3]  }
0x93: {  	[hbm:s1], [sflag:s24] =	dma.local @!p1 [spmem:s31], $0x2780  }
0x94: {  	s1 =	simm.s32 @!p1 $0x2  }
0x95: {  	_ =	swait.ge @!p1 [sflag:s1], $0x2780  }
0x96: {  	[sflag:s1] =	ssyncset.done @!p1 $0x0  }
0x97: {  	[sflag:s1] =	ssyncadd.s32 @!p1 $0xFFFFD880  }
0x98: {  	[bflag:$0x0] =	sbarrier.arrive $0xFFFF  }
0x99: {  	[spmem:s25], [sflag:s24] =	dma.local [hbm:s4], $0x2780  }
0x9a: {  	_ =	swait.ge [sflag:s22], $0x2780  }
0x9b: {  	[sflag:s22] =	ssyncset.done $0x0  }
0x9c: {  	[sflag:s22] =	ssyncadd.s32 $0xFFFFD880  }
0x9d: {  	s13 =	simm.s32 $0x0;
	[bflag:$0x0] =	sbarrier.arrive $0xFFFF  }
0x9e: {  	[tilespmem:s28], [sflag:$0x1] =	stream.indirect.gather [hbm4b:s7+s26], $0x80, s13, s26, $0xb8;
	[tilespmem:$0x1CC00] =	vst v63  }
0x9f: {  	_ =	swait.ge [sflag:s29], $0x4000  }
0xa0: {  	[sflag:s29] =	ssyncset.done $0x0  }
0xa1: {  	s14 =	simm.s32 $0x2800;
	[sflag:s29] =	ssyncadd.s32 $0xFFFFC000  }
0xa2: {  	[spmem:s2] =	stream.indirect.scatter.add.f32 [tilespmem:s28], [sflag:$0x2], $0x80, s14, s26, $0xb8;
	[tilespmem:$0x1CC00] =	vst v63  }
0xa3: {  	_ =	swait.ge [sflag:s22], $0x4000  }
0xa4: {  	s11 =	simm.s32 $0x400;
	s1 =	simm.s32 $0x200;
	[sflag:s22] =	ssyncset.done $0x0  }
.LBB2_5:
0xa5: {  	s13 =	sshra.s32 s1, $0x2  }
0xa6: {  	[sflag:s22] =	ssyncadd.s32 $0xFFFFC000;
	s1 =	smov.u32 s11;
	s14 =	sadd.s32 $0x200, s11  }
0xa7: {  	[tilespmem:s28], [sflag:$0x1] =	stream.indirect.gather [hbm4b:s7+s26], $0x80, s13, s26, $0xb8;
	[tilespmem:$0x1CC00] =	vst v63  }
0xa8: {  	p2 =	sne.s32 s11, $0x9C00;
	_ =	swait.ge [sflag:s29], $0x4000  }
.Ltmp7:
0xa9: {  	[sflag:s29] =	ssyncset.done $0x0;
	(pc) =	sbr.rel @p2 .LBB2_5-.Ltmp7, $4  }
0xaa: {  	s11 =	sadd.s32 $0x2800, s13;
	[sflag:s29] =	ssyncadd.s32 $0xFFFFC000  }
0xab: {  	[spmem:s2] =	stream.indirect.scatter.add.f32 [tilespmem:s28], [sflag:$0x2], $0x80, s11, s26, $0xb8;
	[tilespmem:$0x1CC00] =	vst v63  }
0xac: {  	_ =	swait.ge [sflag:s22], $0x4000  }
0xad: {  	s11 =	smov.u32 s14;
	[sflag:s22] =	ssyncset.done $0x0  }
0xae: {  	s1 =	sshra.s32 s1, $0x2;
	[sflag:s22] =	ssyncadd.s32 $0xFFFFC000  }
0xaf: {  	[tilespmem:s28], [sflag:$0x1] =	stream.indirect.gather [hbm4b:s7+s26], $0x80, s1, s26, $0xb8;
	[tilespmem:$0x1CC00] =	vst v63  }
0xb0: {  	_ =	swait.ge [sflag:s29], $0x4000  }
0xb1: {  	[sflag:s29] =	ssyncset.done $0x0  }
0xb2: {  	s1 =	sadd.s32 $0x2800, s1;
	[sflag:s29] =	ssyncadd.s32 $0xFFFFC000  }
0xb3: {  	[spmem:s2] =	stream.indirect.scatter.add.f32 [tilespmem:s28], [sflag:$0x2], $0x80, s1, s26, $0xb8;
	[tilespmem:$0x1CC00] =	vst v63  }
0xb4: {  	_ =	swait.ge [sflag:s22], $0x4000  }
0xb5: {  	[sflag:s22] =	ssyncset.done $0x0  }
0xb6: {  	[sflag:s22] =	ssyncadd.s32 $0xFFFFC000  }
0xb7: {  	[bflag:$0x0] =	sbarrier.arrive $0xFFFF  }
0xb8: {  	[hbm:s15], [sflag:s24] =	dma.local @p1 [spmem:s0], $0x2080  }
0xb9: {  	s0 =	simm.s32 @p1 $0x2  }
0xba: {  	_ =	swait.ge @p1 [sflag:s0], $0x2080  }
0xbb: {  	[sflag:s0] =	ssyncset.done @p1 $0x0  }
0xbc: {  	[sflag:s0] =	ssyncadd.s32 @p1 $0xFFFFDF80;
	s0 =	rddreg [dreg:$0x5]  }
0xbd: {  	[hbm:s0], [sflag:s24] =	dma.local @!p1 [spmem:s31], $0x2780  }
.Ltmp8:
0xbe: {  	_ = 	snop;
	(pc) =	sbr.rel .LBB2_12-.Ltmp8, $4  }
0xbf: {  	s0 =	simm.s32 @!p1 $0x2  }
0xc0: {  	_ =	swait.ge @!p1 [sflag:s0], $0x2780  }
0xc1: {  	[sflag:s0] =	ssyncset.done @!p1 $0x0  }
0xc2: {  	[sflag:s0] =	ssyncadd.s32 @!p1 $0xFFFFD880  }
.LBB2_13:
0xc3: {  	_ =	sfence.sel $0x180000  }
0xc4: {  	[bflag:$0x0] =	sbarrier.arrive $0xFFFF  }
0xc5: {  	_ =	strace $0x9000004A  }
0xc6: {  	s0 =	stileid.u32;
	[bflag:$0x2] =	sbarrier.arrive $0xFFFF  }
0xc7: {  	p0 =	sne.s32 s0, $0x0;
	s0 =	rddreg [dreg:$0x2]  }
0xc8: {  	s0 =	sadd.s32 @!p0 $0x100000, s0  }
0xc9: {  	[sflag:s0] =	ssyncadd.tile.s32 @!p0 $0x1;
	_ =	shalt  }
.Lfunc_end2:
_tile_overlayer_lowered:
.L_overlay_start_2:
0xca: {  	(tag) =	ssettag $0x2  }
0xcb: {  	s0 =	rddreg [dreg:$0x0];
	s2 =	stileid.u32  }
0xcc: {  	s1 =	rddreg [dreg:$0x1];
	p0 =	sne.s32 s2, $0x0  }
0xcd: {  	s3 =	rddreg [dreg:$0x2];
	[bflag:$0x3] =	sbarrier.arrive $0xFFFF;
	s2 =	simm.s32 @!p0 $0x1C02  }
0xce: {  	[timem:s3], [sflag:s2] =	dma.local @!p0 [hbm:s0], s1  }
0xcf: {  	s0 =	simm.s32 @!p0 $0x2  }
0xd0: {  	_ =	swait.ge @!p0 [sflag:s0], s1  }
0xd1: {  	s1 =	ssub.s32 @!p0 $0x0, s1;
	[sflag:s0] =	ssyncset.done @!p0 $0x0  }
0xd2: {  	[sflag:s0] =	ssyncadd.s32 @!p0 s1  }
0xd3: {  	[bflag:$0x3] =	sbarrier.arrive $0xFFFF  }
0xd4: {  	_ =	shalt  }

// kernel: kernel.16.cloned.1.call-start
scs
__scs_entry_jumppad:
0x0: {  	(pc) =	sbr.rel $0x88, $3  }
0x1: {  	(tag) =	ssettag $0x0;
	lr =	simm.s32 $0x1  }
0x2: {  	[smem:$0x3F98] =	sst lr;
	_ =	strace $0xD0000000  }
0x3: {  	_ = 	snop  }
0x4: {  	_ = 	snop  }
0x5: {  	_ = 	snop  }
0x6: {  	_ = 	snop  }
0x7: {  	_ = 	snop  }
__scs_overlays_trampoline_lowered:
0x8: {  	[smem:$0x3FA7] =	sst s0  }
0x9: {  	[smem:$0x3FA8] =	sst s1  }
0xa: {  	[smem:$0x3FA9] =	sst s2  }
0xb: {  	[smem:$0x3FAA] =	sst s3  }
0xc: {  	[smem:$0x3FAB] =	sst s4  }
0xd: {  	[smem:$0x3FAC] =	sst s5  }
0xe: {  	[smem:$0x3FAD] =	sst s6  }
0xf: {  	[smem:$0x3FAE] =	sst s7  }
0x10: {  	[smem:$0x3FAF] =	sst s8  }
0x11: {  	[smem:$0x3FB0] =	sst s9;
	s0 =	simm.s32 @!p0 $0x0  }
0x12: {  	s1 =	sld [smem:$0x3F96];
	s0 =	simm.s32 @p0 $0x1  }
0x13: {  	[smem:$0x3FB1] =	sst s0;
	s0 =	simm.s32 @!p1 $0x0  }
0x14: {  	s2 =	sld [smem:$0x3F95];
	s0 =	simm.s32 @p1 $0x1  }
0x15: {  	[smem:$0x3FB2] =	sst s0;
	s0 =	simm.s32 @!p2 $0x0  }
0x16: {  	s3 =	sld [smem:$0x3FDB];
	s0 =	simm.s32 @p2 $0x1  }
0x17: {  	s4 =	simm.s32 $0x1BF5;
	[smem:$0x3FB4] =	sst s0  }
0x18: {  	s0 =	sld [smem:$0x3F97];
	_ =	swait.ge [sflag:s4], $0x0  }
0x19: {  	s7 =	sld [smem:$0x3F98]  }
0x1a: {  	s8 =	sadd.s32 $0xFFFFE003, lr  }
0x1b: {  	s9 =	sadd.s32 $0xFFFFFEF7, lr;
	s5 =	simm.s32 $0xFFFFFFFF;
	p2 =	slt.u32 s8, $0xFFFFF086  }
0x1c: {  	p1 =	slt.u32 s9, $0xF7A;
	s5 =	simm.s32 @!p2 $0x0  }
0x1d: {  	s5 =	simm.s32 @p1 $0x1;
	p0 =	seq.s32 s7, s2  }
0x1e: {  	s7 =	smul.u32 @!p0 $0xF7A, s2;
	p2 =	seq.s32 @!p0 s5, $0x0  }
0x1f: {  	s9 =	smul.u32 $0xF7A, s1;
	s8 =	simm.s32 @!p0 $0x1BF5;
	p2 =	por !p2, p0  }
0x20: {  	[sflag:s8] =	ssyncset.s32 @!p0 $0xFFFFF086;
	s6 =	sadd.s32 @!p0 s3, s7;
	s7 =	simm.s32 @!p0 $0x108  }
0x21: {  	s3 =	sadd.s32 s3, s9;
	s6 =	sadd.s32 @!p0 $0x88, s6;
	s7 =	simm.s32 @p2 $0x1082  }
0x22: {  	[simem:s7], [sflag:s8] =	dma.local @!p0 [hbm:s6], $0xF7A  }
0x23: {  	s9 =	sor.u32 $0xD0000000, s2;
	s6 =	simm.s32 $0x108;
	_ =	swait.ge @!p0 [sflag:s8], $0x0  }
0x24: {  	s3 =	sadd.s32 $0x88, s3;
	s6 =	simm.s32 @!p1 $0x1082;
	[sflag:s4] =	ssyncset.s32 $0xFFFFF086  }
0x25: {  	[simem:s6], [sflag:s4] =	dma.local [hbm:s3], $0xF7A  }
0x26: {  	[smem:$0x3F98] =	sst s1;
	(tag) =	ssettag s2;
	_ =	strace s9  }
0x27: {  	s1 =	sld [smem:$0x3FA8]  }
0x28: {  	s2 =	sld [smem:$0x3FA9]  }
0x29: {  	s4 =	sld [smem:$0x3FAB]  }
0x2a: {  	p0 =	seq.s32 s5, $0x0;
	s5 =	sld [smem:$0x3FAC]  }
0x2b: {  	s6 =	sld [smem:$0x3FAD]  }
0x2c: {  	s7 =	sld [smem:$0x3FAE]  }
0x2d: {  	s3 =	simm.s32 $0x108;
	s8 =	sld [smem:$0x3FAF]  }
0x2e: {  	s3 =	simm.s32 @!p0 $0x1082;
	s9 =	sld [smem:$0x3FB0]  }
0x2f: {  	lr =	sadd.s32 s0, s3;
	s0 =	sld [smem:$0x3FA7]  }
0x30: {  	s3 =	sld [smem:$0x3FAA]  }
0x31: {  	[smem:$0x3FB3] =	sst s10  }
0x32: {  	s10 =	sld [smem:$0x3FB1];
	_ =	sdelay $0x3  }
0x33: {  	p0 =	seq.s32 s10, $0x1;
	s10 =	sld [smem:$0x3FB3];
	_ =	sdelay $0x3  }
0x34: {  	[smem:$0x3FB3] =	sst s10  }
0x35: {  	s10 =	sld [smem:$0x3FB2];
	_ =	sdelay $0x3  }
0x36: {  	p1 =	seq.s32 s10, $0x1;
	s10 =	sld [smem:$0x3FB3];
	_ =	sdelay $0x3  }
0x37: {  	[smem:$0x3FB3] =	sst s10  }
0x38: {  	s10 =	sld [smem:$0x3FB4]  }
0x39: {  	_ = 	snop;
	(pc) =	sbr.ind lr, $3  }
0x3a: {  	_ = 	snop  }
0x3b: {  	_ = 	snop  }
0x3c: {  	p2 =	seq.s32 s10, $0x1;
	s10 =	sld [smem:$0x3FB3]  }
0x3d: {  	_ =	shalt  }
0x3e: {  	_ =	shalt  }
0x3f: {  	_ =	shalt  }
0x40: {  	_ =	shalt  }
0x41: {  	_ =	shalt  }
0x42: {  	_ =	shalt  }
0x43: {  	_ =	shalt  }
0x44: {  	_ =	shalt  }
0x45: {  	_ =	shalt  }
0x46: {  	_ =	shalt  }
0x47: {  	_ =	shalt  }
0x48: {  	_ =	shalt  }
0x49: {  	_ =	shalt  }
0x4a: {  	_ =	shalt  }
0x4b: {  	_ =	shalt  }
0x4c: {  	_ =	shalt  }
0x4d: {  	_ =	shalt  }
0x4e: {  	_ =	shalt  }
0x4f: {  	_ =	shalt  }
0x50: {  	_ =	shalt  }
0x51: {  	_ =	shalt  }
0x52: {  	_ =	shalt  }
0x53: {  	_ =	shalt  }
0x54: {  	_ =	shalt  }
0x55: {  	_ =	shalt  }
0x56: {  	_ =	shalt  }
0x57: {  	_ =	shalt  }
0x58: {  	_ =	shalt  }
0x59: {  	_ =	shalt  }
0x5a: {  	_ =	shalt  }
0x5b: {  	_ =	shalt  }
0x5c: {  	_ =	shalt  }
0x5d: {  	_ =	shalt  }
0x5e: {  	_ =	shalt  }
0x5f: {  	_ =	shalt  }
0x60: {  	_ =	shalt  }
0x61: {  	_ =	shalt  }
0x62: {  	_ =	shalt  }
0x63: {  	_ =	shalt  }
0x64: {  	_ =	shalt  }
0x65: {  	_ =	shalt  }
0x66: {  	_ =	shalt  }
0x67: {  	_ =	shalt  }
0x68: {  	_ =	shalt  }
0x69: {  	_ =	shalt  }
0x6a: {  	_ =	shalt  }
0x6b: {  	_ =	shalt  }
0x6c: {  	_ =	shalt  }
0x6d: {  	_ =	shalt  }
0x6e: {  	_ =	shalt  }
0x6f: {  	_ =	shalt  }
0x70: {  	_ =	shalt  }
0x71: {  	_ =	shalt  }
0x72: {  	_ =	shalt  }
0x73: {  	_ =	shalt  }
0x74: {  	_ =	shalt  }
0x75: {  	_ =	shalt  }
0x76: {  	_ =	shalt  }
0x77: {  	_ =	shalt  }
0x78: {  	_ =	shalt  }
0x79: {  	_ =	shalt  }
0x7a: {  	_ =	shalt  }
0x7b: {  	_ =	shalt  }
0x7c: {  	_ =	shalt  }
0x7d: {  	_ =	shalt  }
0x7e: {  	_ =	shalt  }
0x7f: {  	_ =	shalt  }
0x80: {  	_ =	shalt  }
0x81: {  	_ =	shalt  }
0x82: {  	_ =	shalt  }
0x83: {  	_ =	shalt  }
0x84: {  	_ =	shalt  }
0x85: {  	_ =	shalt  }
0x86: {  	_ =	shalt  }
0x87: {  	_ =	shalt  }
.Lfunc_end0:
.L_simem_size_0:
called_computation.2_lowered:
.L_overlay_start_0:
0x88: {  	s2 =	sld [smem:$0x3FD9]  }
0x89: {  	s3 =	sld [smem:$0x3FFE];
	_ =	sdelay $0x1  }
0x8a: {  	s1 =	srdreg.scid  }
0x8b: {  	s0 =	sand.u32 $0x1, s1  }
0x8c: {  	s16 =	sshll.u32 s0, $0xA;
	s2 =	sadd.s32 s3, s2  }
0x8d: {  	s2 =	sadd.s32 s2, s16  }
0x8e: {  	[smem:$0x3FBF] =	sst s2  }
0x8f: {  	_ = 	snop  }
0x90: {  	(tm) =	ssettm $0x1  }
0x91: {  	s17 =	sld [smem:$0x3FFB];
	_ =	sdelay $0x3  }
0x92: {  	_ =	strace s17  }
0x93: {  	s2 =	sld [smem:$0x3FFC];
	_ =	sdelay $0x3  }
0x94: {  	_ =	strace s2  }
0x95: {  	s2 =	sld [smem:$0x3FFD];
	_ =	sdelay $0x3  }
0x96: {  	_ =	strace s2  }
0x97: {  	_ =	strace $0x8FFFFFFF  }
0x98: {  	s18 =	sld [smem:$0x3FDB];
	_ =	sdelay $0x1  }
0x99: {  	s19 =	simm.s32 $_scs_section_size  }
0x9a: {  	s4 =	simm.s32 $_size__tile_overlayer_lowered;
	s5 =	simm.s32 $_tile_overlayer_lowered  }
0x9b: {  	s22 =	simm.s32 $0x1BFF;
	s21 =	sshll.u32 s5, $0x1;
	s2 =	sadd.s32 s19, s18  }
0x9c: {  	s6 =	simm.s32 $0x0;
	s20 =	sshll.u32 s4, $0x1;
	s4 =	sadd.s32 s21, s2  }
0x9d: {  	[timem:s6], [sflag:s22] =	dma.local [hbm:s4], s20  }
0x9e: {  	_ =	swait.ge [sflag:s22], s20  }
0x9f: {  	s3 =	ssub.s32 $0x0, s20;
	[sflag:s22] =	ssyncset.done $0x0  }
0xa0: {  	[sflag:s22] =	ssyncadd.s32 s3;
	_ =	sdelay $0x1  }
0xa1: {  	s23 =	simm.s32 $0x1B8B  }
0xa2: {  	_ =	swait.ge [sflag:s23], $0x1  }
0xa3: {  	[sflag:s23] =	ssyncset.done $0x0  }
0xa4: {  	s25 =	simm.s32 $0x1B8E;
	s24 =	sld [smem:$0x3FFE];
	[sflag:s23] =	ssyncadd.s32 $0xFFFFFFFF  }
0xa5: {  	s26 =	simm.s32 $execute0_lowered;
	[smem:$0x3FD2] =	sst s25  }
0xa6: {  	s4 =	sshll.u32 s26, $0x1;
	_ =	strace $0x8000004C;
	[dreg:$0x1] =	wrdreg $0xFFFFFFFF  }
0xa7: {  	s28 =	simm.s32 $_size_execute0_lowered;
	s2 =	sadd.s32 s2, s4;
	[dreg:$0x0] =	wrdreg $0x0  }
0xa8: {  	s4 =	sshll.u32 s28, $0x1;
	[dreg:$0x2] =	wrdreg s2  }
0xa9: {  	[dreg:$0x3] =	wrdreg s4  }
0xaa: {  	[dreg:$0x4] =	wrdreg $0xC0  }
0xab: {  	_ =	task [dreg:s6], $0x5FFFF  }
0xac: {  	[dreg:$0x1] =	wrdreg $0xFFFFFFFF  }
0xad: {  	[dreg:$0x0] =	wrdreg $0x60  }
0xae: {  	[dreg:$0x2] =	wrdreg s24  }
0xaf: {  	[dreg:$0x3] =	wrdreg $0x90000  }
0xb0: {  	[dreg:$0x4] =	wrdreg $0x9  }
0xb1: {  	_ =	task.clear_ibuf [dreg:s6], $0x5FFFF;
	_ =	strace $0x9000004C  }
0xb2: {  	s29 =	simm.s32 $0x9;
	_ =	strace $0x8000004E  }
0xb3: {  	_ =	swait.ge [sflag:s29], $0x1  }
0xb4: {  	[sflag:s29] =	ssyncadd.s32 $0xFFFFFFFF  }
0xb5: {  	_ =	strace $0x9000004E  }
0xb6: {  	_ =	sfence  }
0xb7: {  	s30 =	sld [smem:$0x0];
	_ =	sdelay $0x2  }
0xb8: {  	s31 =	sshll.u32 s1, $0xD;
	s1 =	sshrl.u32 s1, $0x2  }
0xb9: {  	s3 =	sand.u32 $0x4000, s31;
	s1 =	sadd.s32 s1, s30  }
0xba: {  	s0 =	sor.u32 s3, s0;
	s1 =	sshll.u32 s1, $0x11  }
0xbb: {  	s0 =	sor.u32 s1, s0  }
0xbc: {  	s0 =	sadd.s32 $0x8F2B, s0  }
0xbd: {  	[sflag:s0] =	ssyncadd.remote.s32 $0x1  }
0xbe: {  	_ =	sfence.sel $0xFFFF  }
0xbf: {  	[dreg:$0x0] =	wrdreg $0xFFFFFFFF;
	(pc) =	sbr.abs _section_cstart, $3  }
0xc0: {  	[dreg:$0x1] =	wrdreg $0xFFFFFFFF  }
0xc1: {  	_ =	task.clear_ibuf [dreg:s6], $0x2FFFF;
	_ =	strace $0x9FFFFFFF  }
0xc2: {  	(tm) =	ssettm $0x7FFFFFFF  }
0xc3: {  	_ =	shalt  }
tec
execute0_lowered:
.L_overlay_start_1:
0x0: {  	(tag) =	ssettag $0x1  }
0x1: {  	s12 =	rddreg [dreg:$0x0]  }
0x2: {  	s2 =	rddreg [dreg:$0x1]  }
0x3: {  	s1 =	stileid.u32;
	s0 =	rddreg [dreg:$0x2];
	s3 =	simm.s32 $0x0  }
0x4: {  	s5 =	srdreg.scid;
	s15 =	simm.s32 $0x2800;
	s18 =	simm.s32 $0x80  }
0x5: {  	s19 =	simm.s32 $0x5000;
	s20 =	simm.s32 $0x1;
	s4 =	smul.u32 $0x500, s1  }
0x6: {  	s23 =	simm.s32 $0x0;
	[smem:$0x7FF] =	sst s3;
	s7 =	smul.u32 $0x2780, s1  }
0x7: {  	s9 =	sand.u32 $0x1, s5;
	s5 =	sadd.s32 $0x65200, s12;
	s11 =	smul.u32 $0x4F000, s1  }
0x8: {  	s6 =	sadd.s32 $0x8C400, s12;
	s21 =	sadd.s32 $0x128400, s2;
	s16 =	sshll.u32 s1, $0x6  }
0x9: {  	p1 =	seq.s32 s1, $0xF;
	_ =	strace $0x8000004D;
	s10 =	ssub.s32 $0x2, s9  }
0xa: {  	p0 =	seq.s32 s9, $0x1;
	s16 =	sor.u32 $0x1C02, s16;
	s21 =	sshrl.u32 @p1 s21, $0x3  }
0xb: {  	s8 =	sadd.s32 s4, s12;
	s4 =	sadd.s32 $0xEE00, s12;
	s13 =	sadd.s32 s7, s12  }
.Ltmp0:
0xc: {  	s30 =	sshrl.u32 s10, $0x1;
	s31 =	sshrl.u32 s11, $0x2;
	(pc) =	sbr.rel .LBB2_1-.Ltmp0, $4  }
0xd: {  	s14 =	ssub.s32 s10, s30;
	s7 =	sadd.s32 $0x60200, s8;
	s8 =	sadd.s32 $0x4E00, s8  }
0xe: {  	s22 =	sadd.s32 s31, s2;
	s9 =	sadd.s32 $0xB3600, s13;
	s10 =	sadd.s32 $0xD8680, s12  }
0xf: {  	s11 =	sadd.s32 $0xDA800, s13;
	s12 =	sadd.s32 $0xFF880, s12;
	s13 =	smax.u32 s14, $0x1  }
0x10: {  	s14 =	simm.s32 $0x2;
	s17 =	sshrl.u32 s22, $0x3;
	s22 =	sshrl.u32 @!p1 s22, $0x3  }
.LBB2_7:
0x11: {  	s24 =	sshra.s32 s24, $0x2;
	[sflag:s14] =	ssyncadd.s32 $0xFFFFC000  }
0x12: {  	[tilespmem:s19], [sflag:$0x1] =	stream.indirect.gather [hbm4b:s6+s18], $0x80, s24, s18, $0xb8;
	[tilespmem:$0x1CC00] =	vst v63  }
0x13: {  	_ =	swait.ge [sflag:s20], $0x4000  }
0x14: {  	[sflag:s20] =	ssyncset.done $0x0  }
0x15: {  	s24 =	sadd.s32 $0x2800, s24;
	[sflag:s20] =	ssyncadd.s32 $0xFFFFC000  }
0x16: {  	[spmem:s2] =	stream.indirect.scatter.add.f32 [tilespmem:s19], [sflag:$0x2], $0x80, s24, s18, $0xb8;
	[tilespmem:$0x1CC00] =	vst v63  }
0x17: {  	_ =	swait.ge [sflag:s14], $0x4000  }
0x18: {  	[sflag:s14] =	ssyncset.done $0x0  }
0x19: {  	[sflag:s14] =	ssyncadd.s32 $0xFFFFC000  }
0x1a: {  	s24 =	simm.s32 @p1 $0x2;
	[bflag:$0x0] =	sbarrier.arrive $0xFFFF  }
0x1b: {  	[hbm:s12], [sflag:s16] =	dma.local @p1 [spmem:s21], $0x2080  }
0x1c: {  	_ =	swait.ge @p1 [sflag:s24], $0x2080  }
0x1d: {  	[sflag:s24] =	ssyncset.done @p1 $0x0  }
0x1e: {  	[sflag:s24] =	ssyncadd.s32 @p1 $0xFFFFDF80;
	s24 =	simm.s32 @!p1 $0x2  }
0x1f: {  	[hbm:s11], [sflag:s16] =	dma.local @!p1 [spmem:s22], $0x2780  }
0x20: {  	_ =	swait.ge @!p1 [sflag:s24], $0x2780  }
0x21: {  	[sflag:s24] =	ssyncset.done @!p1 $0x0  }
0x22: {  	[sflag:s24] =	ssyncadd.s32 @!p1 $0xFFFFD880  }
.LBB2_8:
0x23: {  	s23 =	sadd.s32 $0x1, s23  }
0x24: {  	p2 =	sne.s32 s23, s13  }
.Ltmp1:
0x25: {  	_ = 	snop;
	(pc) =	sbr.rel @!p2 .LBB2_9-.Ltmp1, $2  }
0x26: {  	_ =	sdelay $0x1  }
0x27: {  	[bflag:$0x0] =	sbarrier.arrive $0xFFFF;
	_ =	sdelay $0x1  }
.LBB2_1:
0x28: {  	[tilespmem:s3], [sflag:$0x2] =	stream.linear.gather [hbm4b:s7+s3], $0x2780, $0x38;
	[tilespmem:$0x1CC00] =	vst v63  }
0x29: {  	_ =	swait.ge [sflag:s14], $0x2780  }
0x2a: {  	[sflag:s14] =	ssyncset.done $0x0  }
0x2b: {  	[sflag:s14] =	ssyncadd.s32 $0xFFFFD880  }
0x2c: {  	[tilespmem:s15], [sflag:$0x2] =	stream.linear.gather [hbm4b:s8+s3], $0x2780, $0x38;
	[tilespmem:$0x1CC00] =	vst v63  }
0x2d: {  	_ =	swait.ge [sflag:s14], $0x2780  }
0x2e: {  	[sflag:s14] =	ssyncset.done $0x0  }
0x2f: {  	[sflag:s14] =	ssyncadd.s32 $0xFFFFD880  }
0x30: {  	[spmem:s17], [sflag:s16] =	dma.local [hbm:s4], $0x2780  }
.Ltmp2:
0x31: {  	_ =	swait.ge [sflag:s14], $0x2780;
	(pc) =	sbr.rel @!p0 .LBB2_2-.Ltmp2, $4  }
0x32: {  	[sflag:s14] =	ssyncset.done $0x0  }
0x33: {  	[sflag:s14] =	ssyncadd.s32 $0xFFFFD880  }
0x34: {  	[bflag:$0x0] =	sbarrier.arrive $0xFFFF  }
0x35: {  	s24 =	simm.s32 $0x0  }
0x36: {  	[tilespmem:s19], [sflag:$0x1] =	stream.indirect.gather [hbm4b:s6+s18], $0x80, s24, s18, $0xb8;
	[tilespmem:$0x1CC00] =	vst v63  }
0x37: {  	_ =	swait.ge [sflag:s20], $0x4000  }
0x38: {  	[sflag:s20] =	ssyncset.done $0x0  }
0x39: {  	s31 =	simm.s32 $0x2800;
	[sflag:s20] =	ssyncadd.s32 $0xFFFFC000  }
0x3a: {  	[spmem:s2] =	stream.indirect.scatter.add.f32 [tilespmem:s19], [sflag:$0x2], $0x80, s31, s18, $0xb8;
	[tilespmem:$0x1CC00] =	vst v63  }
0x3b: {  	_ =	swait.ge [sflag:s14], $0x4000  }
0x3c: {  	s24 =	simm.s32 $0x200;
	s25 =	simm.s32 $0x400;
	[sflag:s14] =	ssyncset.done $0x0  }
.LBB2_6:
0x3d: {  	s26 =	sshra.s32 s24, $0x2  }
0x3e: {  	[sflag:s14] =	ssyncadd.s32 $0xFFFFC000;
	s24 =	smov.u32 s25;
	s28 =	sadd.s32 $0x200, s25  }
0x3f: {  	[tilespmem:s19], [sflag:$0x1] =	stream.indirect.gather [hbm4b:s6+s18], $0x80, s26, s18, $0xb8;
	[tilespmem:$0x1CC00] =	vst v63  }
0x40: {  	p2 =	sne.s32 s25, $0x9C00;
	_ =	swait.ge [sflag:s20], $0x4000  }
.Ltmp3:
0x41: {  	[sflag:s20] =	ssyncset.done $0x0;
	(pc) =	sbr.rel @p2 .LBB2_6-.Ltmp3, $4  }
0x42: {  	s25 =	sadd.s32 $0x2800, s26;
	[sflag:s20] =	ssyncadd.s32 $0xFFFFC000  }
0x43: {  	[spmem:s2] =	stream.indirect.scatter.add.f32 [tilespmem:s19], [sflag:$0x2], $0x80, s25, s18, $0xb8;
	[tilespmem:$0x1CC00] =	vst v63  }
0x44: {  	_ =	swait.ge [sflag:s14], $0x4000  }
0x45: {  	s25 =	smov.u32 s28;
	[sflag:s14] =	ssyncset.done $0x0  }
.Ltmp4:
0x46: {  	_ = 	snop;
	(pc) =	sbr.rel .LBB2_7-.Ltmp4, $1  }
0x47: {  	_ =	sdelay $0x3  }
.LBB2_2:
0x48: {  	[tilespmem:s19], [sflag:$0x1] =	stream.indirect.gather [hbm4b:s5+s18], $0x80, s24, s18, $0xb8;
	[tilespmem:$0x1CC00] =	vst v63  }
0x49: {  	_ =	swait.ge [sflag:s20], $0x4000  }
0x4a: {  	[sflag:s20] =	ssyncset.done $0x0  }
0x4b: {  	s31 =	simm.s32 $0x2800;
	[sflag:s20] =	ssyncadd.s32 $0xFFFFC000  }
0x4c: {  	[spmem:s2] =	stream.indirect.scatter.add.f32 [tilespmem:s19], [sflag:$0x2], $0x80, s31, s18, $0xb8;
	[tilespmem:$0x1CC00] =	vst v63  }
0x4d: {  	_ =	swait.ge [sflag:s14], $0x4000  }
0x4e: {  	s24 =	simm.s32 $0x200;
	s25 =	simm.s32 $0x400;
	[sflag:s14] =	ssyncset.done $0x0  }
.LBB2_3:
0x4f: {  	s26 =	sshra.s32 s24, $0x2  }
0x50: {  	[sflag:s14] =	ssyncadd.s32 $0xFFFFC000;
	s24 =	smov.u32 s25;
	s28 =	sadd.s32 $0x200, s25  }
0x51: {  	[tilespmem:s19], [sflag:$0x1] =	stream.indirect.gather [hbm4b:s5+s18], $0x80, s26, s18, $0xb8;
	[tilespmem:$0x1CC00] =	vst v63  }
0x52: {  	p2 =	sne.s32 s25, $0x9C00;
	_ =	swait.ge [sflag:s20], $0x4000  }
.Ltmp5:
0x53: {  	[sflag:s20] =	ssyncset.done $0x0;
	(pc) =	sbr.rel @p2 .LBB2_3-.Ltmp5, $4  }
0x54: {  	s25 =	sadd.s32 $0x2800, s26;
	[sflag:s20] =	ssyncadd.s32 $0xFFFFC000  }
0x55: {  	[spmem:s2] =	stream.indirect.scatter.add.f32 [tilespmem:s19], [sflag:$0x2], $0x80, s25, s18, $0xb8;
	[tilespmem:$0x1CC00] =	vst v63  }
0x56: {  	_ =	swait.ge [sflag:s14], $0x4000  }
0x57: {  	s25 =	smov.u32 s28;
	[sflag:s14] =	ssyncset.done $0x0  }
0x58: {  	s24 =	sshra.s32 s24, $0x2;
	[sflag:s14] =	ssyncadd.s32 $0xFFFFC000  }
0x59: {  	[tilespmem:s19], [sflag:$0x1] =	stream.indirect.gather [hbm4b:s5+s18], $0x80, s24, s18, $0xb8;
	[tilespmem:$0x1CC00] =	vst v63  }
0x5a: {  	_ =	swait.ge [sflag:s20], $0x4000  }
0x5b: {  	[sflag:s20] =	ssyncset.done $0x0  }
0x5c: {  	s24 =	sadd.s32 $0x2800, s24;
	[sflag:s20] =	ssyncadd.s32 $0xFFFFC000  }
0x5d: {  	[spmem:s2] =	stream.indirect.scatter.add.f32 [tilespmem:s19], [sflag:$0x2], $0x80, s24, s18, $0xb8;
	[tilespmem:$0x1CC00] =	vst v63  }
0x5e: {  	_ =	swait.ge [sflag:s14], $0x4000  }
0x5f: {  	[sflag:s14] =	ssyncset.done $0x0  }
0x60: {  	[sflag:s14] =	ssyncadd.s32 $0xFFFFC000  }
0x61: {  	s24 =	simm.s32 @p1 $0x2;
	[bflag:$0x0] =	sbarrier.arrive $0xFFFF  }
0x62: {  	[hbm:s10], [sflag:s16] =	dma.local @p1 [spmem:s21], $0x2080  }
0x63: {  	_ =	swait.ge @p1 [sflag:s24], $0x2080  }
0x64: {  	[sflag:s24] =	ssyncset.done @p1 $0x0  }
.Ltmp6:
0x65: {  	[sflag:s24] =	ssyncadd.s32 @p1 $0xFFFFDF80;
	s24 =	simm.s32 @!p1 $0x2;
	(pc) =	sbr.rel .LBB2_8-.Ltmp6, $4  }
0x66: {  	[hbm:s9], [sflag:s16] =	dma.local @!p1 [spmem:s22], $0x2780  }
0x67: {  	_ =	swait.ge @!p1 [sflag:s24], $0x2780  }
0x68: {  	[sflag:s24] =	ssyncset.done @!p1 $0x0  }
0x69: {  	[sflag:s24] =	ssyncadd.s32 @!p1 $0xFFFFD880  }
.LBB2_9:
0x6a: {  	_ =	sfence.sel $0x180000  }
0x6b: {  	[bflag:$0x0] =	sbarrier.arrive $0xFFFF  }
0x6c: {  	p0 =	sne.s32 s1, $0x0;
	_ =	strace $0x9000004D  }
0x6d: {  	s0 =	sadd.s32 @!p0 $0x100000, s0;
	[bflag:$0x2] =	sbarrier.arrive $0xFFFF  }
0x6e: {  	[sflag:s0] =	ssyncadd.tile.s32 @!p0 $0x1;
	_ =	shalt  }
.Lfunc_end2:
_tile_overlayer_lowered:
.L_overlay_start_2:
0x6f: {  	(tag) =	ssettag $0x2  }
0x70: {  	s0 =	rddreg [dreg:$0x0];
	s2 =	stileid.u32  }
0x71: {  	s1 =	rddreg [dreg:$0x1];
	p0 =	sne.s32 s2, $0x0  }
0x72: {  	s3 =	rddreg [dreg:$0x2];
	[bflag:$0x3] =	sbarrier.arrive $0xFFFF;
	s2 =	simm.s32 @!p0 $0x1C02  }
0x73: {  	[timem:s3], [sflag:s2] =	dma.local @!p0 [hbm:s0], s1  }
0x74: {  	s0 =	simm.s32 @!p0 $0x2  }
0x75: {  	_ =	swait.ge @!p0 [sflag:s0], s1  }
0x76: {  	s1 =	ssub.s32 @!p0 $0x0, s1;
	[sflag:s0] =	ssyncset.done @!p0 $0x0  }
0x77: {  	[sflag:s0] =	ssyncadd.s32 @!p0 s1  }
0x78: {  	[bflag:$0x3] =	sbarrier.arrive $0xFFFF  }
0x79: {  	_ =	shalt  }

// kernel: kernel.19.cloned.1.call-start
scs
__scs_entry_jumppad:
0x0: {  	(pc) =	sbr.rel $0x88, $3  }
0x1: {  	(tag) =	ssettag $0x0;
	lr =	simm.s32 $0x1  }
0x2: {  	[smem:$0x3F98] =	sst lr;
	_ =	strace $0xD0000000  }
0x3: {  	_ = 	snop  }
0x4: {  	_ = 	snop  }
0x5: {  	_ = 	snop  }
0x6: {  	_ = 	snop  }
0x7: {  	_ = 	snop  }
__scs_overlays_trampoline_lowered:
0x8: {  	[smem:$0x3FA7] =	sst s0  }
0x9: {  	[smem:$0x3FA8] =	sst s1  }
0xa: {  	[smem:$0x3FA9] =	sst s2  }
0xb: {  	[smem:$0x3FAA] =	sst s3  }
0xc: {  	[smem:$0x3FAB] =	sst s4  }
0xd: {  	[smem:$0x3FAC] =	sst s5  }
0xe: {  	[smem:$0x3FAD] =	sst s6  }
0xf: {  	[smem:$0x3FAE] =	sst s7  }
0x10: {  	[smem:$0x3FAF] =	sst s8  }
0x11: {  	[smem:$0x3FB0] =	sst s9;
	s0 =	simm.s32 @!p0 $0x0  }
0x12: {  	s1 =	sld [smem:$0x3F96];
	s0 =	simm.s32 @p0 $0x1  }
0x13: {  	[smem:$0x3FB1] =	sst s0;
	s0 =	simm.s32 @!p1 $0x0  }
0x14: {  	s2 =	sld [smem:$0x3F95];
	s0 =	simm.s32 @p1 $0x1  }
0x15: {  	[smem:$0x3FB2] =	sst s0;
	s0 =	simm.s32 @!p2 $0x0  }
0x16: {  	s3 =	sld [smem:$0x3FDB];
	s0 =	simm.s32 @p2 $0x1  }
0x17: {  	s4 =	simm.s32 $0x1BF5;
	[smem:$0x3FB4] =	sst s0  }
0x18: {  	s0 =	sld [smem:$0x3F97];
	_ =	swait.ge [sflag:s4], $0x0  }
0x19: {  	s7 =	sld [smem:$0x3F98]  }
0x1a: {  	s8 =	sadd.s32 $0xFFFFE003, lr  }
0x1b: {  	s9 =	sadd.s32 $0xFFFFFEF7, lr;
	s5 =	simm.s32 $0xFFFFFFFF;
	p2 =	slt.u32 s8, $0xFFFFF086  }
0x1c: {  	p1 =	slt.u32 s9, $0xF7A;
	s5 =	simm.s32 @!p2 $0x0  }
0x1d: {  	s5 =	simm.s32 @p1 $0x1;
	p0 =	seq.s32 s7, s2  }
0x1e: {  	s7 =	smul.u32 @!p0 $0xF7A, s2;
	p2 =	seq.s32 @!p0 s5, $0x0  }
0x1f: {  	s9 =	smul.u32 $0xF7A, s1;
	s8 =	simm.s32 @!p0 $0x1BF5;
	p2 =	por !p2, p0  }
0x20: {  	[sflag:s8] =	ssyncset.s32 @!p0 $0xFFFFF086;
	s6 =	sadd.s32 @!p0 s3, s7;
	s7 =	simm.s32 @!p0 $0x108  }
0x21: {  	s3 =	sadd.s32 s3, s9;
	s6 =	sadd.s32 @!p0 $0x88, s6;
	s7 =	simm.s32 @p2 $0x1082  }
0x22: {  	[simem:s7], [sflag:s8] =	dma.local @!p0 [hbm:s6], $0xF7A  }
0x23: {  	s9 =	sor.u32 $0xD0000000, s2;
	s6 =	simm.s32 $0x108;
	_ =	swait.ge @!p0 [sflag:s8], $0x0  }
0x24: {  	s3 =	sadd.s32 $0x88, s3;
	s6 =	simm.s32 @!p1 $0x1082;
	[sflag:s4] =	ssyncset.s32 $0xFFFFF086  }
0x25: {  	[simem:s6], [sflag:s4] =	dma.local [hbm:s3], $0xF7A  }
0x26: {  	[smem:$0x3F98] =	sst s1;
	(tag) =	ssettag s2;
	_ =	strace s9  }
0x27: {  	s1 =	sld [smem:$0x3FA8]  }
0x28: {  	s2 =	sld [smem:$0x3FA9]  }
0x29: {  	s4 =	sld [smem:$0x3FAB]  }
0x2a: {  	p0 =	seq.s32 s5, $0x0;
	s5 =	sld [smem:$0x3FAC]  }
0x2b: {  	s6 =	sld [smem:$0x3FAD]  }
0x2c: {  	s7 =	sld [smem:$0x3FAE]  }
0x2d: {  	s3 =	simm.s32 $0x108;
	s8 =	sld [smem:$0x3FAF]  }
0x2e: {  	s3 =	simm.s32 @!p0 $0x1082;
	s9 =	sld [smem:$0x3FB0]  }
0x2f: {  	lr =	sadd.s32 s0, s3;
	s0 =	sld [smem:$0x3FA7]  }
0x30: {  	s3 =	sld [smem:$0x3FAA]  }
0x31: {  	[smem:$0x3FB3] =	sst s10  }
0x32: {  	s10 =	sld [smem:$0x3FB1];
	_ =	sdelay $0x3  }
0x33: {  	p0 =	seq.s32 s10, $0x1;
	s10 =	sld [smem:$0x3FB3];
	_ =	sdelay $0x3  }
0x34: {  	[smem:$0x3FB3] =	sst s10  }
0x35: {  	s10 =	sld [smem:$0x3FB2];
	_ =	sdelay $0x3  }
0x36: {  	p1 =	seq.s32 s10, $0x1;
	s10 =	sld [smem:$0x3FB3];
	_ =	sdelay $0x3  }
0x37: {  	[smem:$0x3FB3] =	sst s10  }
0x38: {  	s10 =	sld [smem:$0x3FB4]  }
0x39: {  	_ = 	snop;
	(pc) =	sbr.ind lr, $3  }
0x3a: {  	_ = 	snop  }
0x3b: {  	_ = 	snop  }
0x3c: {  	p2 =	seq.s32 s10, $0x1;
	s10 =	sld [smem:$0x3FB3]  }
0x3d: {  	_ =	shalt  }
0x3e: {  	_ =	shalt  }
0x3f: {  	_ =	shalt  }
0x40: {  	_ =	shalt  }
0x41: {  	_ =	shalt  }
0x42: {  	_ =	shalt  }
0x43: {  	_ =	shalt  }
0x44: {  	_ =	shalt  }
0x45: {  	_ =	shalt  }
0x46: {  	_ =	shalt  }
0x47: {  	_ =	shalt  }
0x48: {  	_ =	shalt  }
0x49: {  	_ =	shalt  }
0x4a: {  	_ =	shalt  }
0x4b: {  	_ =	shalt  }
0x4c: {  	_ =	shalt  }
0x4d: {  	_ =	shalt  }
0x4e: {  	_ =	shalt  }
0x4f: {  	_ =	shalt  }
0x50: {  	_ =	shalt  }
0x51: {  	_ =	shalt  }
0x52: {  	_ =	shalt  }
0x53: {  	_ =	shalt  }
0x54: {  	_ =	shalt  }
0x55: {  	_ =	shalt  }
0x56: {  	_ =	shalt  }
0x57: {  	_ =	shalt  }
0x58: {  	_ =	shalt  }
0x59: {  	_ =	shalt  }
0x5a: {  	_ =	shalt  }
0x5b: {  	_ =	shalt  }
0x5c: {  	_ =	shalt  }
0x5d: {  	_ =	shalt  }
0x5e: {  	_ =	shalt  }
0x5f: {  	_ =	shalt  }
0x60: {  	_ =	shalt  }
0x61: {  	_ =	shalt  }
0x62: {  	_ =	shalt  }
0x63: {  	_ =	shalt  }
0x64: {  	_ =	shalt  }
0x65: {  	_ =	shalt  }
0x66: {  	_ =	shalt  }
0x67: {  	_ =	shalt  }
0x68: {  	_ =	shalt  }
0x69: {  	_ =	shalt  }
0x6a: {  	_ =	shalt  }
0x6b: {  	_ =	shalt  }
0x6c: {  	_ =	shalt  }
0x6d: {  	_ =	shalt  }
0x6e: {  	_ =	shalt  }
0x6f: {  	_ =	shalt  }
0x70: {  	_ =	shalt  }
0x71: {  	_ =	shalt  }
0x72: {  	_ =	shalt  }
0x73: {  	_ =	shalt  }
0x74: {  	_ =	shalt  }
0x75: {  	_ =	shalt  }
0x76: {  	_ =	shalt  }
0x77: {  	_ =	shalt  }
0x78: {  	_ =	shalt  }
0x79: {  	_ =	shalt  }
0x7a: {  	_ =	shalt  }
0x7b: {  	_ =	shalt  }
0x7c: {  	_ =	shalt  }
0x7d: {  	_ =	shalt  }
0x7e: {  	_ =	shalt  }
0x7f: {  	_ =	shalt  }
0x80: {  	_ =	shalt  }
0x81: {  	_ =	shalt  }
0x82: {  	_ =	shalt  }
0x83: {  	_ =	shalt  }
0x84: {  	_ =	shalt  }
0x85: {  	_ =	shalt  }
0x86: {  	_ =	shalt  }
0x87: {  	_ =	shalt  }
.Lfunc_end0:
.L_simem_size_0:
called_computation.3_lowered:
.L_overlay_start_0:
0x88: {  	s2 =	sld [smem:$0x3FD9]  }
0x89: {  	s3 =	sld [smem:$0x3FFE];
	_ =	sdelay $0x1  }
0x8a: {  	s1 =	srdreg.scid  }
0x8b: {  	s0 =	sand.u32 $0x1, s1  }
0x8c: {  	s16 =	sshll.u32 s0, $0xA;
	s2 =	sadd.s32 s3, s2  }
0x8d: {  	s2 =	sadd.s32 s2, s16  }
0x8e: {  	[smem:$0x3FBF] =	sst s2  }
0x8f: {  	_ = 	snop  }
0x90: {  	(tm) =	ssettm $0x1  }
0x91: {  	s17 =	sld [smem:$0x3FFB];
	_ =	sdelay $0x3  }
0x92: {  	_ =	strace s17  }
0x93: {  	s2 =	sld [smem:$0x3FFC];
	_ =	sdelay $0x3  }
0x94: {  	_ =	strace s2  }
0x95: {  	s2 =	sld [smem:$0x3FFD];
	_ =	sdelay $0x3  }
0x96: {  	_ =	strace s2  }
0x97: {  	_ =	strace $0x8FFFFFFF  }
0x98: {  	s18 =	sld [smem:$0x3FDB];
	_ =	sdelay $0x1  }
0x99: {  	s19 =	simm.s32 $_scs_section_size  }
0x9a: {  	s4 =	simm.s32 $_size__tile_overlayer_lowered;
	s5 =	simm.s32 $_tile_overlayer_lowered  }
0x9b: {  	s22 =	simm.s32 $0x1BFF;
	s21 =	sshll.u32 s5, $0x1;
	s2 =	sadd.s32 s19, s18  }
0x9c: {  	s6 =	simm.s32 $0x0;
	s20 =	sshll.u32 s4, $0x1;
	s4 =	sadd.s32 s21, s2  }
0x9d: {  	[timem:s6], [sflag:s22] =	dma.local [hbm:s4], s20  }
0x9e: {  	_ =	swait.ge [sflag:s22], s20  }
0x9f: {  	s3 =	ssub.s32 $0x0, s20;
	[sflag:s22] =	ssyncset.done $0x0  }
0xa0: {  	[sflag:s22] =	ssyncadd.s32 s3;
	_ =	sdelay $0x1  }
0xa1: {  	s23 =	simm.s32 $0x1B8B  }
0xa2: {  	_ =	swait.ge [sflag:s23], $0x1  }
0xa3: {  	[sflag:s23] =	ssyncset.done $0x0  }
0xa4: {  	s25 =	simm.s32 $0x1B8E;
	s24 =	sld [smem:$0x3FFE];
	[sflag:s23] =	ssyncadd.s32 $0xFFFFFFFF  }
0xa5: {  	s26 =	simm.s32 $execute0_lowered;
	[smem:$0x3FD2] =	sst s25  }
0xa6: {  	s4 =	sshll.u32 s26, $0x1;
	_ =	strace $0x8000004F;
	[dreg:$0x1] =	wrdreg $0xFFFFFFFF  }
0xa7: {  	s28 =	simm.s32 $_size_execute0_lowered;
	s2 =	sadd.s32 s2, s4;
	[dreg:$0x0] =	wrdreg $0x0  }
0xa8: {  	s4 =	sshll.u32 s28, $0x1;
	[dreg:$0x2] =	wrdreg s2  }
0xa9: {  	[dreg:$0x3] =	wrdreg s4  }
0xaa: {  	[dreg:$0x4] =	wrdreg $0xC0  }
0xab: {  	_ =	task [dreg:s6], $0x5FFFF  }
0xac: {  	[dreg:$0x1] =	wrdreg $0xFFFFFFFF  }
0xad: {  	[dreg:$0x0] =	wrdreg $0x60  }
0xae: {  	[dreg:$0x2] =	wrdreg s24  }
0xaf: {  	[dreg:$0x3] =	wrdreg $0x90000  }
0xb0: {  	[dreg:$0x4] =	wrdreg $0x9  }
0xb1: {  	_ =	task.clear_ibuf [dreg:s6], $0x5FFFF;
	_ =	strace $0x9000004F  }
0xb2: {  	s29 =	simm.s32 $0x9;
	_ =	strace $0x80000051  }
0xb3: {  	_ =	swait.ge [sflag:s29], $0x1  }
0xb4: {  	[sflag:s29] =	ssyncadd.s32 $0xFFFFFFFF  }
0xb5: {  	_ =	strace $0x90000051  }
0xb6: {  	_ =	sfence  }
0xb7: {  	s30 =	sld [smem:$0x0];
	_ =	sdelay $0x2  }
0xb8: {  	s31 =	sshll.u32 s1, $0xD;
	s1 =	sshrl.u32 s1, $0x2  }
0xb9: {  	s3 =	sand.u32 $0x4000, s31;
	s1 =	sadd.s32 s1, s30  }
0xba: {  	s0 =	sor.u32 s3, s0;
	s1 =	sshll.u32 s1, $0x11  }
0xbb: {  	s0 =	sor.u32 s1, s0  }
0xbc: {  	s0 =	sadd.s32 $0x8F2B, s0  }
0xbd: {  	[sflag:s0] =	ssyncadd.remote.s32 $0x1  }
0xbe: {  	_ =	sfence.sel $0xFFFF  }
0xbf: {  	[dreg:$0x0] =	wrdreg $0xFFFFFFFF;
	(pc) =	sbr.abs _section_cstart, $3  }
0xc0: {  	[dreg:$0x1] =	wrdreg $0xFFFFFFFF  }
0xc1: {  	_ =	task.clear_ibuf [dreg:s6], $0x2FFFF;
	_ =	strace $0x9FFFFFFF  }
0xc2: {  	(tm) =	ssettm $0x7FFFFFFF  }
0xc3: {  	_ =	shalt  }
tec
execute0_lowered:
.L_overlay_start_1:
0x0: {  	(tag) =	ssettag $0x1  }
0x1: {  	s11 =	rddreg [dreg:$0x0]  }
0x2: {  	s2 =	rddreg [dreg:$0x1]  }
0x3: {  	s0 =	rddreg [dreg:$0x2];
	s3 =	simm.s32 $0x0  }
0x4: {  	s1 =	stileid.u32;
	s5 =	srdreg.scid;
	s14 =	simm.s32 $0x2800  }
0x5: {  	s17 =	simm.s32 $0x80;
	s18 =	simm.s32 $0x5000;
	s4 =	smul.u32 $0x500, s1  }
0x6: {  	s19 =	simm.s32 $0x1;
	s22 =	simm.s32 $0x0;
	s6 =	smul.u32 $0x2780, s1  }
0x7: {  	[smem:$0x7FF] =	sst s3;
	s8 =	sand.u32 $0x1, s5;
	s10 =	smul.u32 $0x4F000, s1  }
0x8: {  	s5 =	sadd.s32 $0x11600, s11;
	s20 =	sadd.s32 $0x128400, s2;
	s15 =	sshll.u32 s1, $0x6  }
0x9: {  	p1 =	seq.s32 s1, $0xF;
	_ =	strace $0x80000050;
	s9 =	ssub.s32 $0x2, s8  }
0xa: {  	p0 =	seq.s32 s8, $0x1;
	s15 =	sor.u32 $0x1C02, s15;
	s20 =	sshrl.u32 @p1 s20, $0x3  }
0xb: {  	s7 =	sadd.s32 s4, s11;
	s4 =	sadd.s32 $0xEE00, s11;
	s12 =	sadd.s32 s6, s11  }
.Ltmp0:
0xc: {  	s30 =	sshrl.u32 s9, $0x1;
	s31 =	sshrl.u32 s10, $0x2;
	(pc) =	sbr.rel .LBB2_1-.Ltmp0, $4  }
0xd: {  	s13 =	ssub.s32 s9, s30;
	s6 =	sadd.s32 $0x60200, s7;
	s7 =	sadd.s32 $0x4E00, s7  }
0xe: {  	s21 =	sadd.s32 s31, s2;
	s8 =	sadd.s32 $0x38800, s12;
	s9 =	sadd.s32 $0x5D880, s11  }
0xf: {  	s10 =	sadd.s32 $0x65200, s12;
	s11 =	sadd.s32 $0x8A280, s11;
	s12 =	smax.u32 s13, $0x1  }
0x10: {  	s13 =	simm.s32 $0x2;
	s16 =	sshrl.u32 s21, $0x3;
	s21 =	sshrl.u32 @!p1 s21, $0x3  }
.LBB2_7:
0x11: {  	s24 =	sadd.s32 $0x1380, s23;
	[sflag:s13] =	ssyncadd.s32 $0xFFFFC000  }
0x12: {  	[tilespmem:s18], [sflag:$0x1] =	stream.indirect.gather [hbm4b:s5+s17], $0x80, s24, s17, $0xb8;
	[tilespmem:$0x1CC00] =	vst v63  }
0x13: {  	_ =	swait.ge [sflag:s19], $0x4000  }
0x14: {  	[sflag:s19] =	ssyncset.done $0x0  }
0x15: {  	s31 =	sadd.s32 $0x3B80, s23;
	[sflag:s19] =	ssyncadd.s32 $0xFFFFC000  }
0x16: {  	[spmem:s2] =	stream.indirect.scatter.add.f32 [tilespmem:s18], [sflag:$0x2], $0x80, s31, s17, $0xb8;
	[tilespmem:$0x1CC00] =	vst v63  }
0x17: {  	_ =	swait.ge [sflag:s13], $0x4000  }
0x18: {  	[sflag:s13] =	ssyncset.done $0x0  }
0x19: {  	[sflag:s13] =	ssyncadd.s32 $0xFFFFC000  }
0x1a: {  	s23 =	simm.s32 @p1 $0x2;
	[bflag:$0x0] =	sbarrier.arrive $0xFFFF  }
0x1b: {  	[hbm:s11], [sflag:s15] =	dma.local @p1 [spmem:s20], $0x2080  }
0x1c: {  	_ =	swait.ge @p1 [sflag:s23], $0x2080  }
0x1d: {  	[sflag:s23] =	ssyncset.done @p1 $0x0  }
0x1e: {  	[sflag:s23] =	ssyncadd.s32 @p1 $0xFFFFDF80;
	s23 =	simm.s32 @!p1 $0x2  }
0x1f: {  	[hbm:s10], [sflag:s15] =	dma.local @!p1 [spmem:s21], $0x2780  }
0x20: {  	_ =	swait.ge @!p1 [sflag:s23], $0x2780  }
0x21: {  	[sflag:s23] =	ssyncset.done @!p1 $0x0  }
0x22: {  	[sflag:s23] =	ssyncadd.s32 @!p1 $0xFFFFD880  }
.LBB2_8:
0x23: {  	s22 =	sadd.s32 $0x1, s22  }
0x24: {  	p2 =	sne.s32 s22, s12  }
.Ltmp1:
0x25: {  	_ = 	snop;
	(pc) =	sbr.rel @!p2 .LBB2_9-.Ltmp1, $2  }
0x26: {  	_ =	sdelay $0x1  }
0x27: {  	[bflag:$0x0] =	sbarrier.arrive $0xFFFF;
	_ =	sdelay $0x1  }
.LBB2_1:
0x28: {  	[tilespmem:s3], [sflag:$0x2] =	stream.linear.gather [hbm4b:s6+s3], $0x2780, $0x38;
	[tilespmem:$0x1CC00] =	vst v63  }
0x29: {  	_ =	swait.ge [sflag:s13], $0x2780  }
0x2a: {  	[sflag:s13] =	ssyncset.done $0x0  }
0x2b: {  	[sflag:s13] =	ssyncadd.s32 $0xFFFFD880  }
0x2c: {  	[tilespmem:s14], [sflag:$0x2] =	stream.linear.gather [hbm4b:s7+s3], $0x2780, $0x38;
	[tilespmem:$0x1CC00] =	vst v63  }
0x2d: {  	_ =	swait.ge [sflag:s13], $0x2780  }
0x2e: {  	[sflag:s13] =	ssyncset.done $0x0  }
0x2f: {  	[sflag:s13] =	ssyncadd.s32 $0xFFFFD880  }
0x30: {  	[spmem:s16], [sflag:s15] =	dma.local [hbm:s4], $0x2780  }
.Ltmp2:
0x31: {  	_ =	swait.ge [sflag:s13], $0x2780;
	(pc) =	sbr.rel @!p0 .LBB2_2-.Ltmp2, $3  }
0x32: {  	[sflag:s13] =	ssyncset.done $0x0  }
0x33: {  	[sflag:s13] =	ssyncadd.s32 $0xFFFFD880  }
0x34: {  	[bflag:$0x0] =	sbarrier.arrive $0xFFFF;
	_ =	sdelay $0x1  }
0x35: {  	s23 =	simm.s32 $0x1380  }
0x36: {  	[tilespmem:s18], [sflag:$0x1] =	stream.indirect.gather [hbm4b:s5+s17], $0x80, s23, s17, $0xb8;
	[tilespmem:$0x1CC00] =	vst v63  }
0x37: {  	_ =	swait.ge [sflag:s19], $0x4000  }
0x38: {  	[sflag:s19] =	ssyncset.done $0x0  }
0x39: {  	s31 =	simm.s32 $0x3B80;
	[sflag:s19] =	ssyncadd.s32 $0xFFFFC000  }
0x3a: {  	[spmem:s2] =	stream.indirect.scatter.add.f32 [tilespmem:s18], [sflag:$0x2], $0x80, s31, s17, $0xb8;
	[tilespmem:$0x1CC00] =	vst v63  }
0x3b: {  	_ =	swait.ge [sflag:s13], $0x4000  }
0x3c: {  	s24 =	simm.s32 $0x400;
	s23 =	simm.s32 $0x80;
	[sflag:s13] =	ssyncset.done $0x0  }
.LBB2_6:
0x3d: {  	s25 =	sadd.s32 $0x1380, s23  }
0x3e: {  	[sflag:s13] =	ssyncadd.s32 $0xFFFFC000;
	s26 =	smov.u32 s24;
	s28 =	sadd.s32 $0x200, s24  }
0x3f: {  	[tilespmem:s18], [sflag:$0x1] =	stream.indirect.gather [hbm4b:s5+s17], $0x80, s25, s17, $0xb8;
	[tilespmem:$0x1CC00] =	vst v63  }
0x40: {  	p2 =	sne.s32 s24, $0x4E00;
	_ =	swait.ge [sflag:s19], $0x4000  }
.Ltmp3:
0x41: {  	[sflag:s19] =	ssyncset.done $0x0;
	(pc) =	sbr.rel @p2 .LBB2_6-.Ltmp3, $4  }
0x42: {  	s23 =	sadd.s32 $0x3B80, s23;
	[sflag:s19] =	ssyncadd.s32 $0xFFFFC000  }
0x43: {  	[spmem:s2] =	stream.indirect.scatter.add.f32 [tilespmem:s18], [sflag:$0x2], $0x80, s23, s17, $0xb8;
	[tilespmem:$0x1CC00] =	vst v63  }
0x44: {  	_ =	swait.ge [sflag:s13], $0x4000  }
0x45: {  	s24 =	smov.u32 s28;
	s23 =	sshra.s32 s26, $0x2;
	[sflag:s13] =	ssyncset.done $0x0  }
.Ltmp4:
0x46: {  	_ = 	snop;
	(pc) =	sbr.rel .LBB2_7-.Ltmp4, $1  }
0x47: {  	_ =	sdelay $0x3  }
.LBB2_2:
0x48: {  	s23 =	simm.s32 $0x0  }
0x49: {  	[tilespmem:s18], [sflag:$0x1] =	stream.indirect.gather [hbm4b:s5+s17], $0x80, s23, s17, $0xb8;
	[tilespmem:$0x1CC00] =	vst v63  }
0x4a: {  	_ =	swait.ge [sflag:s19], $0x4000  }
0x4b: {  	[sflag:s19] =	ssyncset.done $0x0  }
0x4c: {  	s31 =	simm.s32 $0x2800;
	[sflag:s19] =	ssyncadd.s32 $0xFFFFC000  }
0x4d: {  	[spmem:s2] =	stream.indirect.scatter.add.f32 [tilespmem:s18], [sflag:$0x2], $0x80, s31, s17, $0xb8;
	[tilespmem:$0x1CC00] =	vst v63  }
0x4e: {  	_ =	swait.ge [sflag:s13], $0x4000  }
0x4f: {  	s24 =	simm.s32 $0x400;
	s23 =	simm.s32 $0x200;
	[sflag:s13] =	ssyncset.done $0x0  }
.LBB2_3:
0x50: {  	s25 =	sshra.s32 s23, $0x2  }
0x51: {  	[sflag:s13] =	ssyncadd.s32 $0xFFFFC000;
	s23 =	smov.u32 s24;
	s26 =	sadd.s32 $0x200, s24  }
0x52: {  	[tilespmem:s18], [sflag:$0x1] =	stream.indirect.gather [hbm4b:s5+s17], $0x80, s25, s17, $0xb8;
	[tilespmem:$0x1CC00] =	vst v63  }
0x53: {  	p2 =	sne.s32 s24, $0x4C00;
	_ =	swait.ge [sflag:s19], $0x4000  }
.Ltmp5:
0x54: {  	[sflag:s19] =	ssyncset.done $0x0;
	(pc) =	sbr.rel @p2 .LBB2_3-.Ltmp5, $4  }
0x55: {  	s24 =	sadd.s32 $0x2800, s25;
	[sflag:s19] =	ssyncadd.s32 $0xFFFFC000  }
0x56: {  	[spmem:s2] =	stream.indirect.scatter.add.f32 [tilespmem:s18], [sflag:$0x2], $0x80, s24, s17, $0xb8;
	[tilespmem:$0x1CC00] =	vst v63  }
0x57: {  	_ =	swait.ge [sflag:s13], $0x4000  }
0x58: {  	s24 =	smov.u32 s26;
	[sflag:s13] =	ssyncset.done $0x0  }
0x59: {  	s23 =	sshra.s32 s23, $0x2;
	[sflag:s13] =	ssyncadd.s32 $0xFFFFC000  }
0x5a: {  	[tilespmem:s18], [sflag:$0x1] =	stream.indirect.gather [hbm4b:s5+s17], $0x80, s23, s17, $0xb8;
	[tilespmem:$0x1CC00] =	vst v63  }
0x5b: {  	_ =	swait.ge [sflag:s19], $0x4000  }
0x5c: {  	[sflag:s19] =	ssyncset.done $0x0  }
0x5d: {  	s23 =	sadd.s32 $0x2800, s23;
	[sflag:s19] =	ssyncadd.s32 $0xFFFFC000  }
0x5e: {  	[spmem:s2] =	stream.indirect.scatter.add.f32 [tilespmem:s18], [sflag:$0x2], $0x80, s23, s17, $0xb8;
	[tilespmem:$0x1CC00] =	vst v63  }
0x5f: {  	_ =	swait.ge [sflag:s13], $0x4000  }
0x60: {  	[sflag:s13] =	ssyncset.done $0x0  }
0x61: {  	[sflag:s13] =	ssyncadd.s32 $0xFFFFC000  }
0x62: {  	s23 =	simm.s32 @p1 $0x2;
	[bflag:$0x0] =	sbarrier.arrive $0xFFFF  }
0x63: {  	[hbm:s9], [sflag:s15] =	dma.local @p1 [spmem:s20], $0x2080  }
0x64: {  	_ =	swait.ge @p1 [sflag:s23], $0x2080  }
0x65: {  	[sflag:s23] =	ssyncset.done @p1 $0x0  }
.Ltmp6:
0x66: {  	[sflag:s23] =	ssyncadd.s32 @p1 $0xFFFFDF80;
	s23 =	simm.s32 @!p1 $0x2;
	(pc) =	sbr.rel .LBB2_8-.Ltmp6, $4  }
0x67: {  	[hbm:s8], [sflag:s15] =	dma.local @!p1 [spmem:s21], $0x2780  }
0x68: {  	_ =	swait.ge @!p1 [sflag:s23], $0x2780  }
0x69: {  	[sflag:s23] =	ssyncset.done @!p1 $0x0  }
0x6a: {  	[sflag:s23] =	ssyncadd.s32 @!p1 $0xFFFFD880  }
.LBB2_9:
0x6b: {  	_ =	sfence.sel $0x180000  }
0x6c: {  	[bflag:$0x0] =	sbarrier.arrive $0xFFFF  }
0x6d: {  	p0 =	sne.s32 s1, $0x0;
	_ =	strace $0x90000050  }
0x6e: {  	s0 =	sadd.s32 @!p0 $0x100000, s0;
	[bflag:$0x2] =	sbarrier.arrive $0xFFFF  }
0x6f: {  	[sflag:s0] =	ssyncadd.tile.s32 @!p0 $0x1;
	_ =	shalt  }
.Lfunc_end2:
_tile_overlayer_lowered:
.L_overlay_start_2:
0x70: {  	(tag) =	ssettag $0x2  }
0x71: {  	s0 =	rddreg [dreg:$0x0];
	s2 =	stileid.u32  }
0x72: {  	s1 =	rddreg [dreg:$0x1];
	p0 =	sne.s32 s2, $0x0  }
0x73: {  	s3 =	rddreg [dreg:$0x2];
	[bflag:$0x3] =	sbarrier.arrive $0xFFFF;
	s2 =	simm.s32 @!p0 $0x1C02  }
0x74: {  	[timem:s3], [sflag:s2] =	dma.local @!p0 [hbm:s0], s1  }
0x75: {  	s0 =	simm.s32 @!p0 $0x2  }
0x76: {  	_ =	swait.ge @!p0 [sflag:s0], s1  }
0x77: {  	s1 =	ssub.s32 @!p0 $0x0, s1;
	[sflag:s0] =	ssyncset.done @!p0 $0x0  }
0x78: {  	[sflag:s0] =	ssyncadd.s32 @!p0 s1  }
0x79: {  	[bflag:$0x3] =	sbarrier.arrive $0xFFFF  }
0x7a: {  	_ =	shalt  }

</sc_bundles>
